<compile_context>
chip_gen: v7x
topology: tpu7x:2x2x1
jax: 0.10.2.dev20260603
libtpu: 0.0.44.dev20260713+nightly
codegen_flags: <defaults>
</compile_context>

<pallas_src>
import functools

import jax
import jax.numpy as jnp
from jax import lax
from jax.experimental import pallas as pl
from jax.experimental.pallas import tpu as pltpu
from jax.experimental.pallas import tpu_sc as plsc

D = 64
SEQ = 2048
B_TOTAL = 8192
NC, NS, L = 2, 16, 16
NW = NC * NS
BPW = B_TOTAL // NW
GRP = 4
NGRP = BPW // GRP
NSG = BPW // L
NBUF = 12

_mesh = plsc.VectorSubcoreMesh(core_axis_name="c", subcore_axis_name="s")


@functools.partial(
    pl.kernel,
    mesh=_mesh,
    out_type=jax.ShapeDtypeStruct((D, B_TOTAL), jnp.float32),
    scratch_types=[
        pltpu.VMEM((8, 128), jnp.int32),
        pltpu.VMEM((NBUF, D, 128), jnp.float32),
        pltpu.VMEM((2, D, 128), jnp.float32),
        pltpu.SemaphoreType.DMA,
        pltpu.SemaphoreType.DMA,
    ],
    compiler_params=pltpu.CompilerParams(needs_layout_passes=False),
)
def _emb_lookup(idx_hbm, tok_hbm, pos_hbm, out_hbm,
                idx_v, stage, acc, sem, psem):
    wid = lax.axis_index("s") * NC + lax.axis_index("c")
    base = pl.multiple_of(wid * BPW, BPW)
    pos_base = pl.multiple_of(lax.rem(base, SEQ), BPW)

    blk0 = pl.multiple_of((wid // 4) * 8, 8)
    pltpu.sync_copy(idx_hbm.at[pl.ds(blk0, 8)], idx_v)
    pos_cps = [
        pltpu.async_copy(
            pos_hbm.at[:, pl.ds(pos_base + h * 128, 128)], acc.at[h], psem
        )
        for h in range(2)
    ]

    row0 = lax.rem(wid, 4) * 2
    lanes = lax.iota(jnp.int32, L)

    def load_iv(sg):
        sgc = lax.min(sg, NSG - 1)
        return idx_v[row0 + sgc // 8, pl.ds(lax.rem(sgc, 8) * L, L)]

    def fire(cv, l, r):
        col = pl.multiple_of(lax.shift_right_logical(cv[l], 7) * 128, 128)
        pltpu.async_copy(
            tok_hbm.at[:, pl.ds(col, 128)], stage.at[lax.rem(r, NBUF)], sem
        )

    def fire_group(cv, lb, g):
        if isinstance(g, int):
            for l in range(GRP):
                fire(cv, lb + l, g * GRP + l)
            return

        @pl.when(g < NGRP)
        def _():
            for l in range(GRP):
                fire(cv, lb + l, g * GRP + l)

    def select(pv, l, r):
        slot = lax.rem(r, NBUF)
        pltpu.make_async_copy(
            tok_hbm.at[:, pl.ds(0, 128)], stage.at[slot], sem
        ).wait()
        pvec = jnp.full((L,), lax.bitwise_and(pv[l], 127), jnp.int32)
        rvec = jnp.full((L,), lax.rem(r, 128), jnp.int32)
        buf = stage.at[slot]
        half = acc.at[r // 128]
        for q in range(D // L):
            dvec = lanes + (q * L)
            vals = plsc.load_gather(buf, [dvec, pvec])
            plsc.addupdate_scatter(half, [dvec, rvec], vals)

    iv0 = load_iv(0)
    for g in range(3):
        fire_group(iv0, g * GRP, g)
    for cp in pos_cps:
        cp.wait()

    def step(sg, iv):
        iv_next = load_iv(sg + 1)
        for j in range(4):
            g_sel = sg * 4 + j
            for l in range(GRP):
                select(iv, j * GRP + l, g_sel * GRP + l)
            if j == 0:
                fire_group(iv, 3 * GRP, g_sel + 3)
            else:
                fire_group(iv_next, (j - 1) * GRP, g_sel + 3)
        return iv_next

    lax.fori_loop(0, NSG, step, iv0)

    for h in range(2):
        pltpu.sync_copy(acc.at[h], out_hbm.at[:, pl.ds(base + h * 128, 128)])


def kernel(x, token_table, pos_table):
    batch, seq = x.shape
    idx = x.astype(jnp.int32).reshape(NW * 2, 128)
    out_t = _emb_lookup(idx, token_table.T, pos_table.T)
    return out_t.T.reshape(batch, seq, D)

# --- scband reference (transcript-rebuilt; emitter-appended) ---
"""Pipeline reference for scband-embeddings-37263136260733 (READ-ONLY COPY).

The authoritative reference and input builder live on the scoring server;
editing this copy changes nothing except your own understanding.
"""

import jax, jax.numpy as jnp
import numpy as np

VOCAB_SIZE = 1000000
D_MODEL = 64
MAX_LEN = 2048
BATCH = 4
SEQ_LEN = 2048

def setup_inputs(seed: int = 0) -> dict:
    key = jax.random.key(seed)
    k1, k2, k3 = jax.random.split(key, 3)
    x = jax.random.randint(k1, (BATCH, SEQ_LEN), 0, VOCAB_SIZE, dtype=jnp.int64 if jax.config.jax_enable_x64 else jnp.int32)
    token_table = jax.random.normal(k2, (VOCAB_SIZE, D_MODEL), dtype=jnp.float32) * 0.02
    pos_table = jax.random.normal(k3, (MAX_LEN, D_MODEL), dtype=jnp.float32) * 0.02
    return {"x": x, "token_table": token_table, "pos_table": pos_table}

def reference(x, token_table, pos_table):
    batch_size, seq_len = x.shape
    positions = jnp.arange(seq_len)[None, :]
    positions = jnp.broadcast_to(positions, (batch_size, seq_len))
    token_embeddings = jnp.take(token_table, x, axis=0)
    pos_embeddings = jnp.take(pos_table, positions, axis=0)
    return token_embeddings + pos_embeddings

if __name__ == "__main__":
    import jax
    _d = setup_inputs()
    print(jax.jit(kernel)(*tuple(_d.values())))

</pallas_src>

<mosaic_0001>
#map = affine_map<(d0, d1) -> (0, 0)>
module attributes {stable_mosaic.version = 14 : i64} {
  func.func @_emb_lookup(%arg0: i32, %arg1: i32, %arg2: memref<64x128xi32, #tpu.memory_space<hbm>>, %arg3: memref<64x1000000xf32, #tpu.memory_space<hbm>>, %arg4: memref<64x2048xf32, #tpu.memory_space<hbm>>, %arg5: memref<64x8192xf32, #tpu.memory_space<hbm>>, %arg6: memref<8x128xi32, #tpu.memory_space<vmem>>, %arg7: memref<12x64x128xf32, #tpu.memory_space<vmem>>, %arg8: memref<2x64x128xf32, #tpu.memory_space<vmem>>, %arg9: memref<!tpu.dma_semaphore, #tpu.memory_space<semaphore_mem>>, %arg10: memref<!tpu.dma_semaphore, #tpu.memory_space<semaphore_mem>>) attributes {dimension_semantics = [#tpu.dimension_semantics<core_parallel>, #tpu.dimension_semantics<subcore_parallel>], iteration_bounds = array<i64: 2, 16>, scalar_prefetch = 0 : i64, scratch_operands = 5 : i64, tpu.core_type = #tpu.core_type<sc_vector_subcore>, window_params = [{transform_indices = #map}, {transform_indices = #map}, {transform_indices = #map}, {transform_indices = #map}]} {
    %mul3A = arith.constant 2 : i32
    %mul3A_0 = arith.muli %arg1, %mul3A : i32
    %add3A = arith.addi %mul3A_0, %arg0 : i32
    %mul3A_1 = arith.constant 256 : i32
    %mul3A_2 = arith.muli %add3A, %mul3A_1 : i32
    %multiple_of3A = tpu.assume_multiple %mul3A_2, 256 : i32
    %rem3A = arith.constant 2048 : i32
    %rem3A_3 = arith.remsi %multiple_of3A, %rem3A : i32
    %multiple_of3A_4 = tpu.assume_multiple %rem3A_3, 256 : i32
    %jit3A = arith.constant 4 : i32
    %div3A = arith.divsi %add3A, %jit3A : i32
    %sign3A = arith.constant 0 : i32
    %sign3A_5 = arith.cmpi sgt, %add3A, %sign3A : i32
    %sign3A_6 = arith.extui %sign3A_5 : i1 to i32
    %sign3A_7 = arith.constant 0 : i32
    %sign3A_8 = arith.cmpi slt, %add3A, %sign3A_7 : i32
    %sign3A_9 = arith.extui %sign3A_8 : i1 to i32
    %sign3A_10 = arith.subi %sign3A_6, %sign3A_9 : i32
    %sign3A_11 = arith.constant 0 : i32
    %sign3A_12 = arith.cmpi sgt, %jit3A, %sign3A_11 : i32
    %sign3A_13 = arith.extui %sign3A_12 : i1 to i32
    %sign3A_14 = arith.constant 0 : i32
    %sign3A_15 = arith.cmpi slt, %jit3A, %sign3A_14 : i32
    %sign3A_16 = arith.extui %sign3A_15 : i1 to i32
    %sign3A_17 = arith.subi %sign3A_13, %sign3A_16 : i32
    %ne3A = arith.cmpi ne, %sign3A_10, %sign3A_17 : i32
    %rem3A_18 = arith.remsi %add3A, %jit3A : i32
    %ne3A_19 = arith.constant 0 : i32
    %ne3A_20 = arith.cmpi ne, %rem3A_18, %ne3A_19 : i32
    %and3A = arith.andi %ne3A, %ne3A_20 : i1
    %sub3A = arith.constant 1 : i32
    %sub3A_21 = arith.subi %div3A, %sub3A : i32
    %select_n3A = arith.select %and3A, %sub3A_21, %div3A : i32
    %mul3A_22 = arith.constant 8 : i32
    %mul3A_23 = arith.muli %select_n3A, %mul3A_22 : i32
    %multiple_of3A_24 = tpu.assume_multiple %mul3A_23, 8 : i32
    "tpu.region"() ({
      %run_scoped3A_387 = tpu.sem_alloc : memref<!tpu.dma_semaphore, #tpu.memory_space<semaphore_mem>>
      %dma_start3A_388 = arith.constant 0 : i32
      %dma_start3A_389 = tpu.memref_slice %arg2[%multiple_of3A_24, %dma_start3A_388] : memref<64x128xi32, #tpu.memory_space<hbm>> -> memref<8x128xi32, #tpu.memory_space<hbm>>
      %dma_start3A_390 = arith.constant 0 : i32
      %dma_start3A_391 = tpu.memref_slice %arg2[%multiple_of3A_24, %dma_start3A_390] : memref<64x128xi32, #tpu.memory_space<hbm>> -> memref<8x128xi32, #tpu.memory_space<hbm>>
      tpu.enqueue_dma source(%dma_start3A_391 : memref<8x128xi32, #tpu.memory_space<hbm>>) target(%arg6 : memref<8x128xi32, #tpu.memory_space<vmem>>) target_semaphore(%run_scoped3A_387 : memref<!tpu.dma_semaphore, #tpu.memory_space<semaphore_mem>>)
      %dma_wait3A_392 = arith.constant 0 : i32
      %dma_wait3A_393 = tpu.memref_slice %arg2[%multiple_of3A_24, %dma_wait3A_392] : memref<64x128xi32, #tpu.memory_space<hbm>> -> memref<8x128xi32, #tpu.memory_space<hbm>>
      %dma_wait3A_394 = arith.constant 0 : i32
      %dma_wait3A_395 = tpu.memref_slice %arg2[%multiple_of3A_24, %dma_wait3A_394] : memref<64x128xi32, #tpu.memory_space<hbm>> -> memref<8x128xi32, #tpu.memory_space<hbm>>
      tpu.wait_dma2 semaphore(%run_scoped3A_387 : memref<!tpu.dma_semaphore, #tpu.memory_space<semaphore_mem>>) src(%dma_wait3A_395 : memref<8x128xi32, #tpu.memory_space<hbm>>) dst(%arg6 : memref<8x128xi32, #tpu.memory_space<vmem>>)
      tpu.yield
    }) : () -> ()
    %add3A_25 = arith.constant 0 : i32
    %add3A_26 = arith.addi %multiple_of3A_4, %add3A_25 : i32
    %dma_start3A = arith.constant 0 : i32
    %dma_start3A_27 = arith.constant 0 : i32
    %dma_start3A_28 = arith.constant 0 : i32
    %dma_start3A_29 = tpu.memref_slice %arg8[%dma_start3A, %dma_start3A_27, %dma_start3A_28] : memref<2x64x128xf32, #tpu.memory_space<vmem>> -> memref<1x64x128xf32, #tpu.memory_space<vmem>>
    %dma_start3A_30 = tpu.memref_squeeze %dma_start3A_29 : memref<1x64x128xf32, #tpu.memory_space<vmem>> -> memref<64x128xf32, #tpu.memory_space<vmem>>
    %dma_start3A_31 = arith.constant 0 : i32
    %dma_start3A_32 = tpu.memref_slice %arg4[%dma_start3A_31, %add3A_26] : memref<64x2048xf32, #tpu.memory_space<hbm>> -> memref<64x128xf32, #tpu.memory_space<hbm>>
    %dma_start3A_33 = arith.constant 0 : i32
    %dma_start3A_34 = arith.constant 0 : i32
    %dma_start3A_35 = tpu.memref_slice %arg8[%dma_start3A, %dma_start3A_33, %dma_start3A_34] : memref<2x64x128xf32, #tpu.memory_space<vmem>> -> memref<1x64x128xf32, #tpu.memory_space<vmem>>
    %dma_start3A_36 = tpu.memref_squeeze %dma_start3A_35 : memref<1x64x128xf32, #tpu.memory_space<vmem>> -> memref<64x128xf32, #tpu.memory_space<vmem>>
    %dma_start3A_37 = arith.constant 0 : i32
    %dma_start3A_38 = tpu.memref_slice %arg4[%dma_start3A_37, %add3A_26] : memref<64x2048xf32, #tpu.memory_space<hbm>> -> memref<64x128xf32, #tpu.memory_space<hbm>>
    tpu.enqueue_dma source(%dma_start3A_38 : memref<64x128xf32, #tpu.memory_space<hbm>>) target(%dma_start3A_36 : memref<64x128xf32, #tpu.memory_space<vmem>>) target_semaphore(%arg10 : memref<!tpu.dma_semaphore, #tpu.memory_space<semaphore_mem>>)
    %add3A_39 = arith.constant 128 : i32
    %add3A_40 = arith.addi %multiple_of3A_4, %add3A_39 : i32
    %dma_start3A_41 = arith.constant 1 : i32
    %dma_start3A_42 = arith.constant 0 : i32
    %dma_start3A_43 = arith.constant 0 : i32
    %dma_start3A_44 = tpu.memref_slice %arg8[%dma_start3A_41, %dma_start3A_42, %dma_start3A_43] : memref<2x64x128xf32, #tpu.memory_space<vmem>> -> memref<1x64x128xf32, #tpu.memory_space<vmem>>
    %dma_start3A_45 = tpu.memref_squeeze %dma_start3A_44 : memref<1x64x128xf32, #tpu.memory_space<vmem>> -> memref<64x128xf32, #tpu.memory_space<vmem>>
    %dma_start3A_46 = arith.constant 0 : i32
    %dma_start3A_47 = tpu.memref_slice %arg4[%dma_start3A_46, %add3A_40] : memref<64x2048xf32, #tpu.memory_space<hbm>> -> memref<64x128xf32, #tpu.memory_space<hbm>>
    %dma_start3A_48 = arith.constant 0 : i32
    %dma_start3A_49 = arith.constant 0 : i32
    %dma_start3A_50 = tpu.memref_slice %arg8[%dma_start3A_41, %dma_start3A_48, %dma_start3A_49] : memref<2x64x128xf32, #tpu.memory_space<vmem>> -> memref<1x64x128xf32, #tpu.memory_space<vmem>>
    %dma_start3A_51 = tpu.memref_squeeze %dma_start3A_50 : memref<1x64x128xf32, #tpu.memory_space<vmem>> -> memref<64x128xf32, #tpu.memory_space<vmem>>
    %dma_start3A_52 = arith.constant 0 : i32
    %dma_start3A_53 = tpu.memref_slice %arg4[%dma_start3A_52, %add3A_40] : memref<64x2048xf32, #tpu.memory_space<hbm>> -> memref<64x128xf32, #tpu.memory_space<hbm>>
    tpu.enqueue_dma source(%dma_start3A_53 : memref<64x128xf32, #tpu.memory_space<hbm>>) target(%dma_start3A_51 : memref<64x128xf32, #tpu.memory_space<vmem>>) target_semaphore(%arg10 : memref<!tpu.dma_semaphore, #tpu.memory_space<semaphore_mem>>)
    %rem3A_54 = arith.constant 4 : i32
    %rem3A_55 = arith.remsi %add3A, %rem3A_54 : i32
    %mul3A_56 = arith.constant 2 : i32
    %mul3A_57 = arith.muli %rem3A_55, %mul3A_56 : i32
    %iota3A = tpu.iota {dimensions = array<i32: 0>} : vector<16xi32>
    %min3A = arith.constant 0 : i32
    %min3A_58 = arith.constant 15 : i32
    %min3A_59 = arith.minsi %min3A, %min3A_58 : i32
    %jit3A_60 = arith.constant 8 : i32
    %div3A_61 = arith.divsi %min3A_59, %jit3A_60 : i32
    %sign3A_62 = arith.constant 0 : i32
    %sign3A_63 = arith.cmpi sgt, %min3A_59, %sign3A_62 : i32
    %sign3A_64 = arith.extui %sign3A_63 : i1 to i32
    %sign3A_65 = arith.constant 0 : i32
    %sign3A_66 = arith.cmpi slt, %min3A_59, %sign3A_65 : i32
    %sign3A_67 = arith.extui %sign3A_66 : i1 to i32
    %sign3A_68 = arith.subi %sign3A_64, %sign3A_67 : i32
    %sign3A_69 = arith.constant 0 : i32
    %sign3A_70 = arith.cmpi sgt, %jit3A_60, %sign3A_69 : i32
    %sign3A_71 = arith.extui %sign3A_70 : i1 to i32
    %sign3A_72 = arith.constant 0 : i32
    %sign3A_73 = arith.cmpi slt, %jit3A_60, %sign3A_72 : i32
    %sign3A_74 = arith.extui %sign3A_73 : i1 to i32
    %sign3A_75 = arith.subi %sign3A_71, %sign3A_74 : i32
    %ne3A_76 = arith.cmpi ne, %sign3A_68, %sign3A_75 : i32
    %rem3A_77 = arith.remsi %min3A_59, %jit3A_60 : i32
    %ne3A_78 = arith.constant 0 : i32
    %ne3A_79 = arith.cmpi ne, %rem3A_77, %ne3A_78 : i32
    %and3A_80 = arith.andi %ne3A_76, %ne3A_79 : i1
    %sub3A_81 = arith.constant 1 : i32
    %sub3A_82 = arith.subi %div3A_61, %sub3A_81 : i32
    %select_n3A_83 = arith.select %and3A_80, %sub3A_82, %div3A_61 : i32
    %add3A_84 = arith.addi %mul3A_57, %select_n3A_83 : i32
    %rem3A_85 = arith.constant 8 : i32
    %rem3A_86 = arith.remsi %min3A_59, %rem3A_85 : i32
    %mul3A_87 = arith.constant 16 : i32
    %mul3A_88 = arith.muli %rem3A_86, %mul3A_87 : i32
    %get3A = arith.index_cast %add3A_84 : i32 to index
    %get3A_89 = arith.index_cast %mul3A_88 : i32 to index
    %get3A_90 = tpu.vector_load %arg6[%get3A, %get3A_89] {strides = array<i32>} : memref<8x128xi32, #tpu.memory_space<vmem>>, vector<16xi32>,
    %slice3A = vector.extract_strided_slice %get3A_90 {offsets = [0], sizes = [1], strides = [1]} : vector<16xi32> to vector<1xi32>
    %squeeze3A = vector.extract %slice3A[0] : i32 from vector<1xi32>
    %shift_right_logical3A = arith.constant 7 : i32
    %shift_right_logical3A_91 = arith.shrui %squeeze3A, %shift_right_logical3A : i32
    %mul3A_92 = arith.constant 128 : i32
    %mul3A_93 = arith.muli %shift_right_logical3A_91, %mul3A_92 : i32
    %multiple_of3A_94 = tpu.assume_multiple %mul3A_93, 128 : i32
    %rem3A_95 = arith.constant 0 : i32
    %rem3A_96 = arith.constant 12 : i32
    %rem3A_97 = arith.remsi %rem3A_95, %rem3A_96 : i32
    %dma_start3A_98 = arith.constant 0 : i32
    %dma_start3A_99 = arith.constant 0 : i32
    %dma_start3A_100 = tpu.memref_slice %arg7[%rem3A_97, %dma_start3A_98, %dma_start3A_99] : memref<12x64x128xf32, #tpu.memory_space<vmem>> -> memref<1x64x128xf32, #tpu.memory_space<vmem>>
    %dma_start3A_101 = tpu.memref_squeeze %dma_start3A_100 : memref<1x64x128xf32, #tpu.memory_space<vmem>> -> memref<64x128xf32, #tpu.memory_space<vmem>>
    %dma_start3A_102 = arith.constant 0 : i32
    %dma_start3A_103 = tpu.memref_slice %arg3[%dma_start3A_102, %multiple_of3A_94] : memref<64x1000000xf32, #tpu.memory_space<hbm>> -> memref<64x128xf32, #tpu.memory_space<hbm>>
    %dma_start3A_104 = arith.constant 0 : i32
    %dma_start3A_105 = arith.constant 0 : i32
    %dma_start3A_106 = tpu.memref_slice %arg7[%rem3A_97, %dma_start3A_104, %dma_start3A_105] : memref<12x64x128xf32, #tpu.memory_space<vmem>> -> memref<1x64x128xf32, #tpu.memory_space<vmem>>
    %dma_start3A_107 = tpu.memref_squeeze %dma_start3A_106 : memref<1x64x128xf32, #tpu.memory_space<vmem>> -> memref<64x128xf32, #tpu.memory_space<vmem>>
    %dma_start3A_108 = arith.constant 0 : i32
    %dma_start3A_109 = tpu.memref_slice %arg3[%dma_start3A_108, %multiple_of3A_94] : memref<64x1000000xf32, #tpu.memory_space<hbm>> -> memref<64x128xf32, #tpu.memory_space<hbm>>
    tpu.enqueue_dma source(%dma_start3A_109 : memref<64x128xf32, #tpu.memory_space<hbm>>) target(%dma_start3A_107 : memref<64x128xf32, #tpu.memory_space<vmem>>) target_semaphore(%arg9 : memref<!tpu.dma_semaphore, #tpu.memory_space<semaphore_mem>>)
    %slice3A_110 = vector.extract_strided_slice %get3A_90 {offsets = [1], sizes = [1], strides = [1]} : vector<16xi32> to vector<1xi32>
    %squeeze3A_111 = vector.extract %slice3A_110[0] : i32 from vector<1xi32>
    %shift_right_logical3A_112 = arith.constant 7 : i32
    %shift_right_logical3A_113 = arith.shrui %squeeze3A_111, %shift_right_logical3A_112 : i32
    %mul3A_114 = arith.constant 128 : i32
    %mul3A_115 = arith.muli %shift_right_logical3A_113, %mul3A_114 : i32
    %multiple_of3A_116 = tpu.assume_multiple %mul3A_115, 128 : i32
    %rem3A_117 = arith.constant 1 : i32
    %rem3A_118 = arith.constant 12 : i32
    %rem3A_119 = arith.remsi %rem3A_117, %rem3A_118 : i32
    %dma_start3A_120 = arith.constant 0 : i32
    %dma_start3A_121 = arith.constant 0 : i32
    %dma_start3A_122 = tpu.memref_slice %arg7[%rem3A_119, %dma_start3A_120, %dma_start3A_121] : memref<12x64x128xf32, #tpu.memory_space<vmem>> -> memref<1x64x128xf32, #tpu.memory_space<vmem>>
    %dma_start3A_123 = tpu.memref_squeeze %dma_start3A_122 : memref<1x64x128xf32, #tpu.memory_space<vmem>> -> memref<64x128xf32, #tpu.memory_space<vmem>>
    %dma_start3A_124 = arith.constant 0 : i32
    %dma_start3A_125 = tpu.memref_slice %arg3[%dma_start3A_124, %multiple_of3A_116] : memref<64x1000000xf32, #tpu.memory_space<hbm>> -> memref<64x128xf32, #tpu.memory_space<hbm>>
    %dma_start3A_126 = arith.constant 0 : i32
    %dma_start3A_127 = arith.constant 0 : i32
    %dma_start3A_128 = tpu.memref_slice %arg7[%rem3A_119, %dma_start3A_126, %dma_start3A_127] : memref<12x64x128xf32, #tpu.memory_space<vmem>> -> memref<1x64x128xf32, #tpu.memory_space<vmem>>
    %dma_start3A_129 = tpu.memref_squeeze %dma_start3A_128 : memref<1x64x128xf32, #tpu.memory_space<vmem>> -> memref<64x128xf32, #tpu.memory_space<vmem>>
    %dma_start3A_130 = arith.constant 0 : i32
    %dma_start3A_131 = tpu.memref_slice %arg3[%dma_start3A_130, %multiple_of3A_116] : memref<64x1000000xf32, #tpu.memory_space<hbm>> -> memref<64x128xf32, #tpu.memory_space<hbm>>
    tpu.enqueue_dma source(%dma_start3A_131 : memref<64x128xf32, #tpu.memory_space<hbm>>) target(%dma_start3A_129 : memref<64x128xf32, #tpu.memory_space<vmem>>) target_semaphore(%arg9 : memref<!tpu.dma_semaphore, #tpu.memory_space<semaphore_mem>>)
    %slice3A_132 = vector.extract_strided_slice %get3A_90 {offsets = [2], sizes = [1], strides = [1]} : vector<16xi32> to vector<1xi32>
    %squeeze3A_133 = vector.extract %slice3A_132[0] : i32 from vector<1xi32>
    %shift_right_logical3A_134 = arith.constant 7 : i32
    %shift_right_logical3A_135 = arith.shrui %squeeze3A_133, %shift_right_logical3A_134 : i32
    %mul3A_136 = arith.constant 128 : i32
    %mul3A_137 = arith.muli %shift_right_logical3A_135, %mul3A_136 : i32
    %multiple_of3A_138 = tpu.assume_multiple %mul3A_137, 128 : i32
    %rem3A_139 = arith.constant 2 : i32
    %rem3A_140 = arith.constant 12 : i32
    %rem3A_141 = arith.remsi %rem3A_139, %rem3A_140 : i32
    %dma_start3A_142 = arith.constant 0 : i32
    %dma_start3A_143 = arith.constant 0 : i32
    %dma_start3A_144 = tpu.memref_slice %arg7[%rem3A_141, %dma_start3A_142, %dma_start3A_143] : memref<12x64x128xf32, #tpu.memory_space<vmem>> -> memref<1x64x128xf32, #tpu.memory_space<vmem>>
    %dma_start3A_145 = tpu.memref_squeeze %dma_start3A_144 : memref<1x64x128xf32, #tpu.memory_space<vmem>> -> memref<64x128xf32, #tpu.memory_space<vmem>>
    %dma_start3A_146 = arith.constant 0 : i32
    %dma_start3A_147 = tpu.memref_slice %arg3[%dma_start3A_146, %multiple_of3A_138] : memref<64x1000000xf32, #tpu.memory_space<hbm>> -> memref<64x128xf32, #tpu.memory_space<hbm>>
    %dma_start3A_148 = arith.constant 0 : i32
    %dma_start3A_149 = arith.constant 0 : i32
    %dma_start3A_150 = tpu.memref_slice %arg7[%rem3A_141, %dma_start3A_148, %dma_start3A_149] : memref<12x64x128xf32, #tpu.memory_space<vmem>> -> memref<1x64x128xf32, #tpu.memory_space<vmem>>
    %dma_start3A_151 = tpu.memref_squeeze %dma_start3A_150 : memref<1x64x128xf32, #tpu.memory_space<vmem>> -> memref<64x128xf32, #tpu.memory_space<vmem>>
    %dma_start3A_152 = arith.constant 0 : i32
    %dma_start3A_153 = tpu.memref_slice %arg3[%dma_start3A_152, %multiple_of3A_138] : memref<64x1000000xf32, #tpu.memory_space<hbm>> -> memref<64x128xf32, #tpu.memory_space<hbm>>
    tpu.enqueue_dma source(%dma_start3A_153 : memref<64x128xf32, #tpu.memory_space<hbm>>) target(%dma_start3A_151 : memref<64x128xf32, #tpu.memory_space<vmem>>) target_semaphore(%arg9 : memref<!tpu.dma_semaphore, #tpu.memory_space<semaphore_mem>>)
    %slice3A_154 = vector.extract_strided_slice %get3A_90 {offsets = [3], sizes = [1], strides = [1]} : vector<16xi32> to vector<1xi32>
    %squeeze3A_155 = vector.extract %slice3A_154[0] : i32 from vector<1xi32>
    %shift_right_logical3A_156 = arith.constant 7 : i32
    %shift_right_logical3A_157 = arith.shrui %squeeze3A_155, %shift_right_logical3A_156 : i32
    %mul3A_158 = arith.constant 128 : i32
    %mul3A_159 = arith.muli %shift_right_logical3A_157, %mul3A_158 : i32
    %multiple_of3A_160 = tpu.assume_multiple %mul3A_159, 128 : i32
    %rem3A_161 = arith.constant 3 : i32
    %rem3A_162 = arith.constant 12 : i32
    %rem3A_163 = arith.remsi %rem3A_161, %rem3A_162 : i32
    %dma_start3A_164 = arith.constant 0 : i32
    %dma_start3A_165 = arith.constant 0 : i32
    %dma_start3A_166 = tpu.memref_slice %arg7[%rem3A_163, %dma_start3A_164, %dma_start3A_165] : memref<12x64x128xf32, #tpu.memory_space<vmem>> -> memref<1x64x128xf32, #tpu.memory_space<vmem>>
    %dma_start3A_167 = tpu.memref_squeeze %dma_start3A_166 : memref<1x64x128xf32, #tpu.memory_space<vmem>> -> memref<64x128xf32, #tpu.memory_space<vmem>>
    %dma_start3A_168 = arith.constant 0 : i32
    %dma_start3A_169 = tpu.memref_slice %arg3[%dma_start3A_168, %multiple_of3A_160] : memref<64x1000000xf32, #tpu.memory_space<hbm>> -> memref<64x128xf32, #tpu.memory_space<hbm>>
    %dma_start3A_170 = arith.constant 0 : i32
    %dma_start3A_171 = arith.constant 0 : i32
    %dma_start3A_172 = tpu.memref_slice %arg7[%rem3A_163, %dma_start3A_170, %dma_start3A_171] : memref<12x64x128xf32, #tpu.memory_space<vmem>> -> memref<1x64x128xf32, #tpu.memory_space<vmem>>
    %dma_start3A_173 = tpu.memref_squeeze %dma_start3A_172 : memref<1x64x128xf32, #tpu.memory_space<vmem>> -> memref<64x128xf32, #tpu.memory_space<vmem>>
    %dma_start3A_174 = arith.constant 0 : i32
    %dma_start3A_175 = tpu.memref_slice %arg3[%dma_start3A_174, %multiple_of3A_160] : memref<64x1000000xf32, #tpu.memory_space<hbm>> -> memref<64x128xf32, #tpu.memory_space<hbm>>
    tpu.enqueue_dma source(%dma_start3A_175 : memref<64x128xf32, #tpu.memory_space<hbm>>) target(%dma_start3A_173 : memref<64x128xf32, #tpu.memory_space<vmem>>) target_semaphore(%arg9 : memref<!tpu.dma_semaphore, #tpu.memory_space<semaphore_mem>>)
    %slice3A_176 = vector.extract_strided_slice %get3A_90 {offsets = [4], sizes = [1], strides = [1]} : vector<16xi32> to vector<1xi32>
    %squeeze3A_177 = vector.extract %slice3A_176[0] : i32 from vector<1xi32>
    %shift_right_logical3A_178 = arith.constant 7 : i32
    %shift_right_logical3A_179 = arith.shrui %squeeze3A_177, %shift_right_logical3A_178 : i32
    %mul3A_180 = arith.constant 128 : i32
    %mul3A_181 = arith.muli %shift_right_logical3A_179, %mul3A_180 : i32
    %multiple_of3A_182 = tpu.assume_multiple %mul3A_181, 128 : i32
    %rem3A_183 = arith.constant 4 : i32
    %rem3A_184 = arith.constant 12 : i32
    %rem3A_185 = arith.remsi %rem3A_183, %rem3A_184 : i32
    %dma_start3A_186 = arith.constant 0 : i32
    %dma_start3A_187 = arith.constant 0 : i32
    %dma_start3A_188 = tpu.memref_slice %arg7[%rem3A_185, %dma_start3A_186, %dma_start3A_187] : memref<12x64x128xf32, #tpu.memory_space<vmem>> -> memref<1x64x128xf32, #tpu.memory_space<vmem>>
    %dma_start3A_189 = tpu.memref_squeeze %dma_start3A_188 : memref<1x64x128xf32, #tpu.memory_space<vmem>> -> memref<64x128xf32, #tpu.memory_space<vmem>>
    %dma_start3A_190 = arith.constant 0 : i32
    %dma_start3A_191 = tpu.memref_slice %arg3[%dma_start3A_190, %multiple_of3A_182] : memref<64x1000000xf32, #tpu.memory_space<hbm>> -> memref<64x128xf32, #tpu.memory_space<hbm>>
    %dma_start3A_192 = arith.constant 0 : i32
    %dma_start3A_193 = arith.constant 0 : i32
    %dma_start3A_194 = tpu.memref_slice %arg7[%rem3A_185, %dma_start3A_192, %dma_start3A_193] : memref<12x64x128xf32, #tpu.memory_space<vmem>> -> memref<1x64x128xf32, #tpu.memory_space<vmem>>
    %dma_start3A_195 = tpu.memref_squeeze %dma_start3A_194 : memref<1x64x128xf32, #tpu.memory_space<vmem>> -> memref<64x128xf32, #tpu.memory_space<vmem>>
    %dma_start3A_196 = arith.constant 0 : i32
    %dma_start3A_197 = tpu.memref_slice %arg3[%dma_start3A_196, %multiple_of3A_182] : memref<64x1000000xf32, #tpu.memory_space<hbm>> -> memref<64x128xf32, #tpu.memory_space<hbm>>
    tpu.enqueue_dma source(%dma_start3A_197 : memref<64x128xf32, #tpu.memory_space<hbm>>) target(%dma_start3A_195 : memref<64x128xf32, #tpu.memory_space<vmem>>) target_semaphore(%arg9 : memref<!tpu.dma_semaphore, #tpu.memory_space<semaphore_mem>>)
    %slice3A_198 = vector.extract_strided_slice %get3A_90 {offsets = [5], sizes = [1], strides = [1]} : vector<16xi32> to vector<1xi32>
    %squeeze3A_199 = vector.extract %slice3A_198[0] : i32 from vector<1xi32>
    %shift_right_logical3A_200 = arith.constant 7 : i32
    %shift_right_logical3A_201 = arith.shrui %squeeze3A_199, %shift_right_logical3A_200 : i32
    %mul3A_202 = arith.constant 128 : i32
    %mul3A_203 = arith.muli %shift_right_logical3A_201, %mul3A_202 : i32
    %multiple_of3A_204 = tpu.assume_multiple %mul3A_203, 128 : i32
    %rem3A_205 = arith.constant 5 : i32
    %rem3A_206 = arith.constant 12 : i32
    %rem3A_207 = arith.remsi %rem3A_205, %rem3A_206 : i32
    %dma_start3A_208 = arith.constant 0 : i32
    %dma_start3A_209 = arith.constant 0 : i32
    %dma_start3A_210 = tpu.memref_slice %arg7[%rem3A_207, %dma_start3A_208, %dma_start3A_209] : memref<12x64x128xf32, #tpu.memory_space<vmem>> -> memref<1x64x128xf32, #tpu.memory_space<vmem>>
    %dma_start3A_211 = tpu.memref_squeeze %dma_start3A_210 : memref<1x64x128xf32, #tpu.memory_space<vmem>> -> memref<64x128xf32, #tpu.memory_space<vmem>>
    %dma_start3A_212 = arith.constant 0 : i32
    %dma_start3A_213 = tpu.memref_slice %arg3[%dma_start3A_212, %multiple_of3A_204] : memref<64x1000000xf32, #tpu.memory_space<hbm>> -> memref<64x128xf32, #tpu.memory_space<hbm>>
    %dma_start3A_214 = arith.constant 0 : i32
    %dma_start3A_215 = arith.constant 0 : i32
    %dma_start3A_216 = tpu.memref_slice %arg7[%rem3A_207, %dma_start3A_214, %dma_start3A_215] : memref<12x64x128xf32, #tpu.memory_space<vmem>> -> memref<1x64x128xf32, #tpu.memory_space<vmem>>
    %dma_start3A_217 = tpu.memref_squeeze %dma_start3A_216 : memref<1x64x128xf32, #tpu.memory_space<vmem>> -> memref<64x128xf32, #tpu.memory_space<vmem>>
    %dma_start3A_218 = arith.constant 0 : i32
    %dma_start3A_219 = tpu.memref_slice %arg3[%dma_start3A_218, %multiple_of3A_204] : memref<64x1000000xf32, #tpu.memory_space<hbm>> -> memref<64x128xf32, #tpu.memory_space<hbm>>
    tpu.enqueue_dma source(%dma_start3A_219 : memref<64x128xf32, #tpu.memory_space<hbm>>) target(%dma_start3A_217 : memref<64x128xf32, #tpu.memory_space<vmem>>) target_semaphore(%arg9 : memref<!tpu.dma_semaphore, #tpu.memory_space<semaphore_mem>>)
    %slice3A_220 = vector.extract_strided_slice %get3A_90 {offsets = [6], sizes = [1], strides = [1]} : vector<16xi32> to vector<1xi32>
    %squeeze3A_221 = vector.extract %slice3A_220[0] : i32 from vector<1xi32>
    %shift_right_logical3A_222 = arith.constant 7 : i32
    %shift_right_logical3A_223 = arith.shrui %squeeze3A_221, %shift_right_logical3A_222 : i32
    %mul3A_224 = arith.constant 128 : i32
    %mul3A_225 = arith.muli %shift_right_logical3A_223, %mul3A_224 : i32
    %multiple_of3A_226 = tpu.assume_multiple %mul3A_225, 128 : i32
    %rem3A_227 = arith.constant 6 : i32
    %rem3A_228 = arith.constant 12 : i32
    %rem3A_229 = arith.remsi %rem3A_227, %rem3A_228 : i32
    %dma_start3A_230 = arith.constant 0 : i32
    %dma_start3A_231 = arith.constant 0 : i32
    %dma_start3A_232 = tpu.memref_slice %arg7[%rem3A_229, %dma_start3A_230, %dma_start3A_231] : memref<12x64x128xf32, #tpu.memory_space<vmem>> -> memref<1x64x128xf32, #tpu.memory_space<vmem>>
    %dma_start3A_233 = tpu.memref_squeeze %dma_start3A_232 : memref<1x64x128xf32, #tpu.memory_space<vmem>> -> memref<64x128xf32, #tpu.memory_space<vmem>>
    %dma_start3A_234 = arith.constant 0 : i32
    %dma_start3A_235 = tpu.memref_slice %arg3[%dma_start3A_234, %multiple_of3A_226] : memref<64x1000000xf32, #tpu.memory_space<hbm>> -> memref<64x128xf32, #tpu.memory_space<hbm>>
    %dma_start3A_236 = arith.constant 0 : i32
    %dma_start3A_237 = arith.constant 0 : i32
    %dma_start3A_238 = tpu.memref_slice %arg7[%rem3A_229, %dma_start3A_236, %dma_start3A_237] : memref<12x64x128xf32, #tpu.memory_space<vmem>> -> memref<1x64x128xf32, #tpu.memory_space<vmem>>
    %dma_start3A_239 = tpu.memref_squeeze %dma_start3A_238 : memref<1x64x128xf32, #tpu.memory_space<vmem>> -> memref<64x128xf32, #tpu.memory_space<vmem>>
    %dma_start3A_240 = arith.constant 0 : i32
    %dma_start3A_241 = tpu.memref_slice %arg3[%dma_start3A_240, %multiple_of3A_226] : memref<64x1000000xf32, #tpu.memory_space<hbm>> -> memref<64x128xf32, #tpu.memory_space<hbm>>
    tpu.enqueue_dma source(%dma_start3A_241 : memref<64x128xf32, #tpu.memory_space<hbm>>) target(%dma_start3A_239 : memref<64x128xf32, #tpu.memory_space<vmem>>) target_semaphore(%arg9 : memref<!tpu.dma_semaphore, #tpu.memory_space<semaphore_mem>>)
    %slice3A_242 = vector.extract_strided_slice %get3A_90 {offsets = [7], sizes = [1], strides = [1]} : vector<16xi32> to vector<1xi32>
    %squeeze3A_243 = vector.extract %slice3A_242[0] : i32 from vector<1xi32>
    %shift_right_logical3A_244 = arith.constant 7 : i32
    %shift_right_logical3A_245 = arith.shrui %squeeze3A_243, %shift_right_logical3A_244 : i32
    %mul3A_246 = arith.constant 128 : i32
    %mul3A_247 = arith.muli %shift_right_logical3A_245, %mul3A_246 : i32
    %multiple_of3A_248 = tpu.assume_multiple %mul3A_247, 128 : i32
    %rem3A_249 = arith.constant 7 : i32
    %rem3A_250 = arith.constant 12 : i32
    %rem3A_251 = arith.remsi %rem3A_249, %rem3A_250 : i32
    %dma_start3A_252 = arith.constant 0 : i32
    %dma_start3A_253 = arith.constant 0 : i32
    %dma_start3A_254 = tpu.memref_slice %arg7[%rem3A_251, %dma_start3A_252, %dma_start3A_253] : memref<12x64x128xf32, #tpu.memory_space<vmem>> -> memref<1x64x128xf32, #tpu.memory_space<vmem>>
    %dma_start3A_255 = tpu.memref_squeeze %dma_start3A_254 : memref<1x64x128xf32, #tpu.memory_space<vmem>> -> memref<64x128xf32, #tpu.memory_space<vmem>>
    %dma_start3A_256 = arith.constant 0 : i32
    %dma_start3A_257 = tpu.memref_slice %arg3[%dma_start3A_256, %multiple_of3A_248] : memref<64x1000000xf32, #tpu.memory_space<hbm>> -> memref<64x128xf32, #tpu.memory_space<hbm>>
    %dma_start3A_258 = arith.constant 0 : i32
    %dma_start3A_259 = arith.constant 0 : i32
    %dma_start3A_260 = tpu.memref_slice %arg7[%rem3A_251, %dma_start3A_258, %dma_start3A_259] : memref<12x64x128xf32, #tpu.memory_space<vmem>> -> memref<1x64x128xf32, #tpu.memory_space<vmem>>
    %dma_start3A_261 = tpu.memref_squeeze %dma_start3A_260 : memref<1x64x128xf32, #tpu.memory_space<vmem>> -> memref<64x128xf32, #tpu.memory_space<vmem>>
    %dma_start3A_262 = arith.constant 0 : i32
    %dma_start3A_263 = tpu.memref_slice %arg3[%dma_start3A_262, %multiple_of3A_248] : memref<64x1000000xf32, #tpu.memory_space<hbm>> -> memref<64x128xf32, #tpu.memory_space<hbm>>
    tpu.enqueue_dma source(%dma_start3A_263 : memref<64x128xf32, #tpu.memory_space<hbm>>) target(%dma_start3A_261 : memref<64x128xf32, #tpu.memory_space<vmem>>) target_semaphore(%arg9 : memref<!tpu.dma_semaphore, #tpu.memory_space<semaphore_mem>>)
    %slice3A_264 = vector.extract_strided_slice %get3A_90 {offsets = [8], sizes = [1], strides = [1]} : vector<16xi32> to vector<1xi32>
    %squeeze3A_265 = vector.extract %slice3A_264[0] : i32 from vector<1xi32>
    %shift_right_logical3A_266 = arith.constant 7 : i32
    %shift_right_logical3A_267 = arith.shrui %squeeze3A_265, %shift_right_logical3A_266 : i32
    %mul3A_268 = arith.constant 128 : i32
    %mul3A_269 = arith.muli %shift_right_logical3A_267, %mul3A_268 : i32
    %multiple_of3A_270 = tpu.assume_multiple %mul3A_269, 128 : i32
    %rem3A_271 = arith.constant 8 : i32
    %rem3A_272 = arith.constant 12 : i32
    %rem3A_273 = arith.remsi %rem3A_271, %rem3A_272 : i32
    %dma_start3A_274 = arith.constant 0 : i32
    %dma_start3A_275 = arith.constant 0 : i32
    %dma_start3A_276 = tpu.memref_slice %arg7[%rem3A_273, %dma_start3A_274, %dma_start3A_275] : memref<12x64x128xf32, #tpu.memory_space<vmem>> -> memref<1x64x128xf32, #tpu.memory_space<vmem>>
    %dma_start3A_277 = tpu.memref_squeeze %dma_start3A_276 : memref<1x64x128xf32, #tpu.memory_space<vmem>> -> memref<64x128xf32, #tpu.memory_space<vmem>>
    %dma_start3A_278 = arith.constant 0 : i32
    %dma_start3A_279 = tpu.memref_slice %arg3[%dma_start3A_278, %multiple_of3A_270] : memref<64x1000000xf32, #tpu.memory_space<hbm>> -> memref<64x128xf32, #tpu.memory_space<hbm>>
    %dma_start3A_280 = arith.constant 0 : i32
    %dma_start3A_281 = arith.constant 0 : i32
    %dma_start3A_282 = tpu.memref_slice %arg7[%rem3A_273, %dma_start3A_280, %dma_start3A_281] : memref<12x64x128xf32, #tpu.memory_space<vmem>> -> memref<1x64x128xf32, #tpu.memory_space<vmem>>
    %dma_start3A_283 = tpu.memref_squeeze %dma_start3A_282 : memref<1x64x128xf32, #tpu.memory_space<vmem>> -> memref<64x128xf32, #tpu.memory_space<vmem>>
    %dma_start3A_284 = arith.constant 0 : i32
    %dma_start3A_285 = tpu.memref_slice %arg3[%dma_start3A_284, %multiple_of3A_270] : memref<64x1000000xf32, #tpu.memory_space<hbm>> -> memref<64x128xf32, #tpu.memory_space<hbm>>
    tpu.enqueue_dma source(%dma_start3A_285 : memref<64x128xf32, #tpu.memory_space<hbm>>) target(%dma_start3A_283 : memref<64x128xf32, #tpu.memory_space<vmem>>) target_semaphore(%arg9 : memref<!tpu.dma_semaphore, #tpu.memory_space<semaphore_mem>>)
    %slice3A_286 = vector.extract_strided_slice %get3A_90 {offsets = [9], sizes = [1], strides = [1]} : vector<16xi32> to vector<1xi32>
    %squeeze3A_287 = vector.extract %slice3A_286[0] : i32 from vector<1xi32>
    %shift_right_logical3A_288 = arith.constant 7 : i32
    %shift_right_logical3A_289 = arith.shrui %squeeze3A_287, %shift_right_logical3A_288 : i32
    %mul3A_290 = arith.constant 128 : i32
    %mul3A_291 = arith.muli %shift_right_logical3A_289, %mul3A_290 : i32
    %multiple_of3A_292 = tpu.assume_multiple %mul3A_291, 128 : i32
    %rem3A_293 = arith.constant 9 : i32
    %rem3A_294 = arith.constant 12 : i32
    %rem3A_295 = arith.remsi %rem3A_293, %rem3A_294 : i32
    %dma_start3A_296 = arith.constant 0 : i32
    %dma_start3A_297 = arith.constant 0 : i32
    %dma_start3A_298 = tpu.memref_slice %arg7[%rem3A_295, %dma_start3A_296, %dma_start3A_297] : memref<12x64x128xf32, #tpu.memory_space<vmem>> -> memref<1x64x128xf32, #tpu.memory_space<vmem>>
    %dma_start3A_299 = tpu.memref_squeeze %dma_start3A_298 : memref<1x64x128xf32, #tpu.memory_space<vmem>> -> memref<64x128xf32, #tpu.memory_space<vmem>>
    %dma_start3A_300 = arith.constant 0 : i32
    %dma_start3A_301 = tpu.memref_slice %arg3[%dma_start3A_300, %multiple_of3A_292] : memref<64x1000000xf32, #tpu.memory_space<hbm>> -> memref<64x128xf32, #tpu.memory_space<hbm>>
    %dma_start3A_302 = arith.constant 0 : i32
    %dma_start3A_303 = arith.constant 0 : i32
    %dma_start3A_304 = tpu.memref_slice %arg7[%rem3A_295, %dma_start3A_302, %dma_start3A_303] : memref<12x64x128xf32, #tpu.memory_space<vmem>> -> memref<1x64x128xf32, #tpu.memory_space<vmem>>
    %dma_start3A_305 = tpu.memref_squeeze %dma_start3A_304 : memref<1x64x128xf32, #tpu.memory_space<vmem>> -> memref<64x128xf32, #tpu.memory_space<vmem>>
    %dma_start3A_306 = arith.constant 0 : i32
    %dma_start3A_307 = tpu.memref_slice %arg3[%dma_start3A_306, %multiple_of3A_292] : memref<64x1000000xf32, #tpu.memory_space<hbm>> -> memref<64x128xf32, #tpu.memory_space<hbm>>
    tpu.enqueue_dma source(%dma_start3A_307 : memref<64x128xf32, #tpu.memory_space<hbm>>) target(%dma_start3A_305 : memref<64x128xf32, #tpu.memory_space<vmem>>) target_semaphore(%arg9 : memref<!tpu.dma_semaphore, #tpu.memory_space<semaphore_mem>>)
    %slice3A_308 = vector.extract_strided_slice %get3A_90 {offsets = [10], sizes = [1], strides = [1]} : vector<16xi32> to vector<1xi32>
    %squeeze3A_309 = vector.extract %slice3A_308[0] : i32 from vector<1xi32>
    %shift_right_logical3A_310 = arith.constant 7 : i32
    %shift_right_logical3A_311 = arith.shrui %squeeze3A_309, %shift_right_logical3A_310 : i32
    %mul3A_312 = arith.constant 128 : i32
    %mul3A_313 = arith.muli %shift_right_logical3A_311, %mul3A_312 : i32
    %multiple_of3A_314 = tpu.assume_multiple %mul3A_313, 128 : i32
    %rem3A_315 = arith.constant 10 : i32
    %rem3A_316 = arith.constant 12 : i32
    %rem3A_317 = arith.remsi %rem3A_315, %rem3A_316 : i32
    %dma_start3A_318 = arith.constant 0 : i32
    %dma_start3A_319 = arith.constant 0 : i32
    %dma_start3A_320 = tpu.memref_slice %arg7[%rem3A_317, %dma_start3A_318, %dma_start3A_319] : memref<12x64x128xf32, #tpu.memory_space<vmem>> -> memref<1x64x128xf32, #tpu.memory_space<vmem>>
    %dma_start3A_321 = tpu.memref_squeeze %dma_start3A_320 : memref<1x64x128xf32, #tpu.memory_space<vmem>> -> memref<64x128xf32, #tpu.memory_space<vmem>>
    %dma_start3A_322 = arith.constant 0 : i32
    %dma_start3A_323 = tpu.memref_slice %arg3[%dma_start3A_322, %multiple_of3A_314] : memref<64x1000000xf32, #tpu.memory_space<hbm>> -> memref<64x128xf32, #tpu.memory_space<hbm>>
    %dma_start3A_324 = arith.constant 0 : i32
    %dma_start3A_325 = arith.constant 0 : i32
    %dma_start3A_326 = tpu.memref_slice %arg7[%rem3A_317, %dma_start3A_324, %dma_start3A_325] : memref<12x64x128xf32, #tpu.memory_space<vmem>> -> memref<1x64x128xf32, #tpu.memory_space<vmem>>
    %dma_start3A_327 = tpu.memref_squeeze %dma_start3A_326 : memref<1x64x128xf32, #tpu.memory_space<vmem>> -> memref<64x128xf32, #tpu.memory_space<vmem>>
    %dma_start3A_328 = arith.constant 0 : i32
    %dma_start3A_329 = tpu.memref_slice %arg3[%dma_start3A_328, %multiple_of3A_314] : memref<64x1000000xf32, #tpu.memory_space<hbm>> -> memref<64x128xf32, #tpu.memory_space<hbm>>
    tpu.enqueue_dma source(%dma_start3A_329 : memref<64x128xf32, #tpu.memory_space<hbm>>) target(%dma_start3A_327 : memref<64x128xf32, #tpu.memory_space<vmem>>) target_semaphore(%arg9 : memref<!tpu.dma_semaphore, #tpu.memory_space<semaphore_mem>>)
    %slice3A_330 = vector.extract_strided_slice %get3A_90 {offsets = [11], sizes = [1], strides = [1]} : vector<16xi32> to vector<1xi32>
    %squeeze3A_331 = vector.extract %slice3A_330[0] : i32 from vector<1xi32>
    %shift_right_logical3A_332 = arith.constant 7 : i32
    %shift_right_logical3A_333 = arith.shrui %squeeze3A_331, %shift_right_logical3A_332 : i32
    %mul3A_334 = arith.constant 128 : i32
    %mul3A_335 = arith.muli %shift_right_logical3A_333, %mul3A_334 : i32
    %multiple_of3A_336 = tpu.assume_multiple %mul3A_335, 128 : i32
    %rem3A_337 = arith.constant 11 : i32
    %rem3A_338 = arith.constant 12 : i32
    %rem3A_339 = arith.remsi %rem3A_337, %rem3A_338 : i32
    %dma_start3A_340 = arith.constant 0 : i32
    %dma_start3A_341 = arith.constant 0 : i32
    %dma_start3A_342 = tpu.memref_slice %arg7[%rem3A_339, %dma_start3A_340, %dma_start3A_341] : memref<12x64x128xf32, #tpu.memory_space<vmem>> -> memref<1x64x128xf32, #tpu.memory_space<vmem>>
    %dma_start3A_343 = tpu.memref_squeeze %dma_start3A_342 : memref<1x64x128xf32, #tpu.memory_space<vmem>> -> memref<64x128xf32, #tpu.memory_space<vmem>>
    %dma_start3A_344 = arith.constant 0 : i32
    %dma_start3A_345 = tpu.memref_slice %arg3[%dma_start3A_344, %multiple_of3A_336] : memref<64x1000000xf32, #tpu.memory_space<hbm>> -> memref<64x128xf32, #tpu.memory_space<hbm>>
    %dma_start3A_346 = arith.constant 0 : i32
    %dma_start3A_347 = arith.constant 0 : i32
    %dma_start3A_348 = tpu.memref_slice %arg7[%rem3A_339, %dma_start3A_346, %dma_start3A_347] : memref<12x64x128xf32, #tpu.memory_space<vmem>> -> memref<1x64x128xf32, #tpu.memory_space<vmem>>
    %dma_start3A_349 = tpu.memref_squeeze %dma_start3A_348 : memref<1x64x128xf32, #tpu.memory_space<vmem>> -> memref<64x128xf32, #tpu.memory_space<vmem>>
    %dma_start3A_350 = arith.constant 0 : i32
    %dma_start3A_351 = tpu.memref_slice %arg3[%dma_start3A_350, %multiple_of3A_336] : memref<64x1000000xf32, #tpu.memory_space<hbm>> -> memref<64x128xf32, #tpu.memory_space<hbm>>
    tpu.enqueue_dma source(%dma_start3A_351 : memref<64x128xf32, #tpu.memory_space<hbm>>) target(%dma_start3A_349 : memref<64x128xf32, #tpu.memory_space<vmem>>) target_semaphore(%arg9 : memref<!tpu.dma_semaphore, #tpu.memory_space<semaphore_mem>>)
    %dma_wait3A = arith.constant 0 : i32
    %dma_wait3A_352 = arith.constant 0 : i32
    %dma_wait3A_353 = arith.constant 0 : i32
    %dma_wait3A_354 = tpu.memref_slice %arg8[%dma_wait3A, %dma_wait3A_352, %dma_wait3A_353] : memref<2x64x128xf32, #tpu.memory_space<vmem>> -> memref<1x64x128xf32, #tpu.memory_space<vmem>>
    %dma_wait3A_355 = tpu.memref_squeeze %dma_wait3A_354 : memref<1x64x128xf32, #tpu.memory_space<vmem>> -> memref<64x128xf32, #tpu.memory_space<vmem>>
    %dma_wait3A_356 = arith.constant 0 : i32
    %dma_wait3A_357 = tpu.memref_slice %arg4[%dma_wait3A_356, %add3A_26] : memref<64x2048xf32, #tpu.memory_space<hbm>> -> memref<64x128xf32, #tpu.memory_space<hbm>>
    %dma_wait3A_358 = arith.constant 0 : i32
    %dma_wait3A_359 = arith.constant 0 : i32
    %dma_wait3A_360 = tpu.memref_slice %arg8[%dma_wait3A, %dma_wait3A_358, %dma_wait3A_359] : memref<2x64x128xf32, #tpu.memory_space<vmem>> -> memref<1x64x128xf32, #tpu.memory_space<vmem>>
    %dma_wait3A_361 = tpu.memref_squeeze %dma_wait3A_360 : memref<1x64x128xf32, #tpu.memory_space<vmem>> -> memref<64x128xf32, #tpu.memory_space<vmem>>
    %dma_wait3A_362 = arith.constant 0 : i32
    %dma_wait3A_363 = tpu.memref_slice %arg4[%dma_wait3A_362, %add3A_26] : memref<64x2048xf32, #tpu.memory_space<hbm>> -> memref<64x128xf32, #tpu.memory_space<hbm>>
    tpu.wait_dma2 semaphore(%arg10 : memref<!tpu.dma_semaphore, #tpu.memory_space<semaphore_mem>>) src(%dma_wait3A_363 : memref<64x128xf32, #tpu.memory_space<hbm>>) dst(%dma_wait3A_361 : memref<64x128xf32, #tpu.memory_space<vmem>>)
    %dma_wait3A_364 = arith.constant 1 : i32
    %dma_wait3A_365 = arith.constant 0 : i32
    %dma_wait3A_366 = arith.constant 0 : i32
    %dma_wait3A_367 = tpu.memref_slice %arg8[%dma_wait3A_364, %dma_wait3A_365, %dma_wait3A_366] : memref<2x64x128xf32, #tpu.memory_space<vmem>> -> memref<1x64x128xf32, #tpu.memory_space<vmem>>
    %dma_wait3A_368 = tpu.memref_squeeze %dma_wait3A_367 : memref<1x64x128xf32, #tpu.memory_space<vmem>> -> memref<64x128xf32, #tpu.memory_space<vmem>>
    %dma_wait3A_369 = arith.constant 0 : i32
    %dma_wait3A_370 = tpu.memref_slice %arg4[%dma_wait3A_369, %add3A_40] : memref<64x2048xf32, #tpu.memory_space<hbm>> -> memref<64x128xf32, #tpu.memory_space<hbm>>
    %dma_wait3A_371 = arith.constant 0 : i32
    %dma_wait3A_372 = arith.constant 0 : i32
    %dma_wait3A_373 = tpu.memref_slice %arg8[%dma_wait3A_364, %dma_wait3A_371, %dma_wait3A_372] : memref<2x64x128xf32, #tpu.memory_space<vmem>> -> memref<1x64x128xf32, #tpu.memory_space<vmem>>
    %dma_wait3A_374 = tpu.memref_squeeze %dma_wait3A_373 : memref<1x64x128xf32, #tpu.memory_space<vmem>> -> memref<64x128xf32, #tpu.memory_space<vmem>>
    %dma_wait3A_375 = arith.constant 0 : i32
    %dma_wait3A_376 = tpu.memref_slice %arg4[%dma_wait3A_375, %add3A_40] : memref<64x2048xf32, #tpu.memory_space<hbm>> -> memref<64x128xf32, #tpu.memory_space<hbm>>
    tpu.wait_dma2 semaphore(%arg10 : memref<!tpu.dma_semaphore, #tpu.memory_space<semaphore_mem>>) src(%dma_wait3A_376 : memref<64x128xf32, #tpu.memory_space<hbm>>) dst(%dma_wait3A_374 : memref<64x128xf32, #tpu.memory_space<vmem>>)
    %scan3A = arith.constant 0 : i32
    %scan3A_377 = arith.constant 16 : i32
    %scan3A_378 = arith.addi %scan3A, %scan3A_377 : i32
    %scan3A_379 = arith.constant 1 : i32
    %scan3A_380 = scf.for %scan3A_387 = %scan3A to %scan3A_378 step %scan3A_379 iter_args(%scan3A_388 = %get3A_90) -> (vector<16xi32>)  : i32 {
      %add3A_389 = arith.constant 1 : i32
      %add3A_390 = arith.addi %scan3A_387, %add3A_389 : i32
      %min3A_391 = arith.constant 15 : i32
      %min3A_392 = arith.minsi %add3A_390, %min3A_391 : i32
      %jit3A_393 = arith.constant 8 : i32
      %div3A_394 = arith.divsi %min3A_392, %jit3A_393 : i32
      %sign3A_395 = arith.constant 0 : i32
      %sign3A_396 = arith.cmpi sgt, %min3A_392, %sign3A_395 : i32
      %sign3A_397 = arith.extui %sign3A_396 : i1 to i32
      %sign3A_398 = arith.constant 0 : i32
      %sign3A_399 = arith.cmpi slt, %min3A_392, %sign3A_398 : i32
      %sign3A_400 = arith.extui %sign3A_399 : i1 to i32
      %sign3A_401 = arith.subi %sign3A_397, %sign3A_400 : i32
      %sign3A_402 = arith.constant 0 : i32
      %sign3A_403 = arith.cmpi sgt, %jit3A_393, %sign3A_402 : i32
      %sign3A_404 = arith.extui %sign3A_403 : i1 to i32
      %sign3A_405 = arith.constant 0 : i32
      %sign3A_406 = arith.cmpi slt, %jit3A_393, %sign3A_405 : i32
      %sign3A_407 = arith.extui %sign3A_406 : i1 to i32
      %sign3A_408 = arith.subi %sign3A_404, %sign3A_407 : i32
      %ne3A_409 = arith.cmpi ne, %sign3A_401, %sign3A_408 : i32
      %rem3A_410 = arith.remsi %min3A_392, %jit3A_393 : i32
      %ne3A_411 = arith.constant 0 : i32
      %ne3A_412 = arith.cmpi ne, %rem3A_410, %ne3A_411 : i32
      %and3A_413 = arith.andi %ne3A_409, %ne3A_412 : i1
      %sub3A_414 = arith.constant 1 : i32
      %sub3A_415 = arith.subi %div3A_394, %sub3A_414 : i32
      %select_n3A_416 = arith.select %and3A_413, %sub3A_415, %div3A_394 : i32
      %add3A_417 = arith.addi %mul3A_57, %select_n3A_416 : i32
      %rem3A_418 = arith.constant 8 : i32
      %rem3A_419 = arith.remsi %min3A_392, %rem3A_418 : i32
      %mul3A_420 = arith.constant 16 : i32
      %mul3A_421 = arith.muli %rem3A_419, %mul3A_420 : i32
      %get3A_422 = arith.index_cast %add3A_417 : i32 to index
      %get3A_423 = arith.index_cast %mul3A_421 : i32 to index
      %get3A_424 = tpu.vector_load %arg6[%get3A_422, %get3A_423] {strides = array<i32>} : memref<8x128xi32, #tpu.memory_space<vmem>>, vector<16xi32>,
      %mul3A_425 = arith.constant 4 : i32
      %mul3A_426 = arith.muli %scan3A_387, %mul3A_425 : i32
      %add3A_427 = arith.constant 0 : i32
      %add3A_428 = arith.addi %mul3A_426, %add3A_427 : i32
      %mul3A_429 = arith.constant 4 : i32
      %mul3A_430 = arith.muli %add3A_428, %mul3A_429 : i32
      %add3A_431 = arith.constant 0 : i32
      %add3A_432 = arith.addi %mul3A_430, %add3A_431 : i32
      %rem3A_433 = arith.constant 12 : i32
      %rem3A_434 = arith.remsi %add3A_432, %rem3A_433 : i32
      %dma_wait3A_435 = arith.constant 0 : i32
      %dma_wait3A_436 = arith.constant 0 : i32
      %dma_wait3A_437 = tpu.memref_slice %arg7[%rem3A_434, %dma_wait3A_435, %dma_wait3A_436] : memref<12x64x128xf32, #tpu.memory_space<vmem>> -> memref<1x64x128xf32, #tpu.memory_space<vmem>>
      %dma_wait3A_438 = tpu.memref_squeeze %dma_wait3A_437 : memref<1x64x128xf32, #tpu.memory_space<vmem>> -> memref<64x128xf32, #tpu.memory_space<vmem>>
      %dma_wait3A_439 = arith.constant 0 : i32
      %dma_wait3A_440 = arith.constant 0 : i32
      %dma_wait3A_441 = tpu.memref_slice %arg3[%dma_wait3A_439, %dma_wait3A_440] : memref<64x1000000xf32, #tpu.memory_space<hbm>> -> memref<64x128xf32, #tpu.memory_space<hbm>>
      %dma_wait3A_442 = arith.constant 0 : i32
      %dma_wait3A_443 = arith.constant 0 : i32
      %dma_wait3A_444 = tpu.memref_slice %arg7[%rem3A_434, %dma_wait3A_442, %dma_wait3A_443] : memref<12x64x128xf32, #tpu.memory_space<vmem>> -> memref<1x64x128xf32, #tpu.memory_space<vmem>>
      %dma_wait3A_445 = tpu.memref_squeeze %dma_wait3A_444 : memref<1x64x128xf32, #tpu.memory_space<vmem>> -> memref<64x128xf32, #tpu.memory_space<vmem>>
      %dma_wait3A_446 = arith.constant 0 : i32
      %dma_wait3A_447 = arith.constant 0 : i32
      %dma_wait3A_448 = tpu.memref_slice %arg3[%dma_wait3A_446, %dma_wait3A_447] : memref<64x1000000xf32, #tpu.memory_space<hbm>> -> memref<64x128xf32, #tpu.memory_space<hbm>>
      tpu.wait_dma2 semaphore(%arg9 : memref<!tpu.dma_semaphore, #tpu.memory_space<semaphore_mem>>) src(%dma_wait3A_448 : memref<64x128xf32, #tpu.memory_space<hbm>>) dst(%dma_wait3A_445 : memref<64x128xf32, #tpu.memory_space<vmem>>)
      %slice3A_449 = vector.extract_strided_slice %scan3A_388 {offsets = [0], sizes = [1], strides = [1]} : vector<16xi32> to vector<1xi32>
      %squeeze3A_450 = vector.extract %slice3A_449[0] : i32 from vector<1xi32>
      %and3A_451 = arith.constant 127 : i32
      %and3A_452 = arith.andi %squeeze3A_450, %and3A_451 : i32
      %broadcast_in_dim3A = vector.broadcast %and3A_452 : i32 to vector<16xi32>
      %rem3A_453 = arith.constant 128 : i32
      %rem3A_454 = arith.remsi %add3A_432, %rem3A_453 : i32
      %broadcast_in_dim3A_455 = vector.broadcast %rem3A_454 : i32 to vector<16xi32>
      %jit3A_456 = arith.constant 128 : i32
      %div3A_457 = arith.divsi %add3A_432, %jit3A_456 : i32
      %sign3A_458 = arith.constant 0 : i32
      %sign3A_459 = arith.cmpi sgt, %add3A_432, %sign3A_458 : i32
      %sign3A_460 = arith.extui %sign3A_459 : i1 to i32
      %sign3A_461 = arith.constant 0 : i32
      %sign3A_462 = arith.cmpi slt, %add3A_432, %sign3A_461 : i32
      %sign3A_463 = arith.extui %sign3A_462 : i1 to i32
      %sign3A_464 = arith.subi %sign3A_460, %sign3A_463 : i32
      %sign3A_465 = arith.constant 0 : i32
      %sign3A_466 = arith.cmpi sgt, %jit3A_456, %sign3A_465 : i32
      %sign3A_467 = arith.extui %sign3A_466 : i1 to i32
      %sign3A_468 = arith.constant 0 : i32
      %sign3A_469 = arith.cmpi slt, %jit3A_456, %sign3A_468 : i32
      %sign3A_470 = arith.extui %sign3A_469 : i1 to i32
      %sign3A_471 = arith.subi %sign3A_467, %sign3A_470 : i32
      %ne3A_472 = arith.cmpi ne, %sign3A_464, %sign3A_471 : i32
      %rem3A_473 = arith.remsi %add3A_432, %jit3A_456 : i32
      %ne3A_474 = arith.constant 0 : i32
      %ne3A_475 = arith.cmpi ne, %rem3A_473, %ne3A_474 : i32
      %and3A_476 = arith.andi %ne3A_472, %ne3A_475 : i1
      %sub3A_477 = arith.constant 1 : i32
      %sub3A_478 = arith.subi %div3A_457, %sub3A_477 : i32
      %select_n3A_479 = arith.select %and3A_476, %sub3A_478, %div3A_457 : i32
      %add3A_480 = arith.constant 0 : i32
      %add3A_481 = vector.broadcast %add3A_480 : i32 to vector<16xi32>
      %add3A_482 = arith.addi %iota3A, %add3A_481 : vector<16xi32>
      %gather3A = arith.constant 0 : i32
      %gather3A_483 = arith.constant 0 : i32
      %gather3A_484 = tpu.memref_slice %arg7[%rem3A_434, %gather3A, %gather3A_483] : memref<12x64x128xf32, #tpu.memory_space<vmem>> -> memref<1x64x128xf32, #tpu.memory_space<vmem>>
      %gather3A_485 = tpu.memref_squeeze %gather3A_484 : memref<1x64x128xf32, #tpu.memory_space<vmem>> -> memref<64x128xf32, #tpu.memory_space<vmem>>
      %gather3A_486 = tpu.vector_load_idx %gather3A_485[%add3A_482, %broadcast_in_dim3A] : memref<64x128xf32, #tpu.memory_space<vmem>>[vector<16xi32>, vector<16xi32>], vector<16xf32>,
      %scatter3A = arith.constant 0 : i32
      %scatter3A_487 = arith.constant 0 : i32
      %scatter3A_488 = tpu.memref_slice %arg8[%select_n3A_479, %scatter3A, %scatter3A_487] : memref<2x64x128xf32, #tpu.memory_space<vmem>> -> memref<1x64x128xf32, #tpu.memory_space<vmem>>
      %scatter3A_489 = tpu.memref_squeeze %scatter3A_488 : memref<1x64x128xf32, #tpu.memory_space<vmem>> -> memref<64x128xf32, #tpu.memory_space<vmem>>
      tpu.vector_store_idx %scatter3A_489[%add3A_482, %broadcast_in_dim3A_455], %gather3A_486 {add = true} : memref<64x128xf32, #tpu.memory_space<vmem>>[vector<16xi32>, vector<16xi32>], vector<16xf32>,
      %add3A_490 = arith.constant 16 : i32
      %add3A_491 = vector.broadcast %add3A_490 : i32 to vector<16xi32>
      %add3A_492 = arith.addi %iota3A, %add3A_491 : vector<16xi32>
      %gather3A_493 = arith.constant 0 : i32
      %gather3A_494 = arith.constant 0 : i32
      %gather3A_495 = tpu.memref_slice %arg7[%rem3A_434, %gather3A_493, %gather3A_494] : memref<12x64x128xf32, #tpu.memory_space<vmem>> -> memref<1x64x128xf32, #tpu.memory_space<vmem>>
      %gather3A_496 = tpu.memref_squeeze %gather3A_495 : memref<1x64x128xf32, #tpu.memory_space<vmem>> -> memref<64x128xf32, #tpu.memory_space<vmem>>
      %gather3A_497 = tpu.vector_load_idx %gather3A_496[%add3A_492, %broadcast_in_dim3A] : memref<64x128xf32, #tpu.memory_space<vmem>>[vector<16xi32>, vector<16xi32>], vector<16xf32>,
      %scatter3A_498 = arith.constant 0 : i32
      %scatter3A_499 = arith.constant 0 : i32
      %scatter3A_500 = tpu.memref_slice %arg8[%select_n3A_479, %scatter3A_498, %scatter3A_499] : memref<2x64x128xf32, #tpu.memory_space<vmem>> -> memref<1x64x128xf32, #tpu.memory_space<vmem>>
      %scatter3A_501 = tpu.memref_squeeze %scatter3A_500 : memref<1x64x128xf32, #tpu.memory_space<vmem>> -> memref<64x128xf32, #tpu.memory_space<vmem>>
      tpu.vector_store_idx %scatter3A_501[%add3A_492, %broadcast_in_dim3A_455], %gather3A_497 {add = true} : memref<64x128xf32, #tpu.memory_space<vmem>>[vector<16xi32>, vector<16xi32>], vector<16xf32>,
      %add3A_502 = arith.constant 32 : i32
      %add3A_503 = vector.broadcast %add3A_502 : i32 to vector<16xi32>
      %add3A_504 = arith.addi %iota3A, %add3A_503 : vector<16xi32>
      %gather3A_505 = arith.constant 0 : i32
      %gather3A_506 = arith.constant 0 : i32
      %gather3A_507 = tpu.memref_slice %arg7[%rem3A_434, %gather3A_505, %gather3A_506] : memref<12x64x128xf32, #tpu.memory_space<vmem>> -> memref<1x64x128xf32, #tpu.memory_space<vmem>>
      %gather3A_508 = tpu.memref_squeeze %gather3A_507 : memref<1x64x128xf32, #tpu.memory_space<vmem>> -> memref<64x128xf32, #tpu.memory_space<vmem>>
      %gather3A_509 = tpu.vector_load_idx %gather3A_508[%add3A_504, %broadcast_in_dim3A] : memref<64x128xf32, #tpu.memory_space<vmem>>[vector<16xi32>, vector<16xi32>], vector<16xf32>,
      %scatter3A_510 = arith.constant 0 : i32
      %scatter3A_511 = arith.constant 0 : i32
      %scatter3A_512 = tpu.memref_slice %arg8[%select_n3A_479, %scatter3A_510, %scatter3A_511] : memref<2x64x128xf32, #tpu.memory_space<vmem>> -> memref<1x64x128xf32, #tpu.memory_space<vmem>>
      %scatter3A_513 = tpu.memref_squeeze %scatter3A_512 : memref<1x64x128xf32, #tpu.memory_space<vmem>> -> memref<64x128xf32, #tpu.memory_space<vmem>>
      tpu.vector_store_idx %scatter3A_513[%add3A_504, %broadcast_in_dim3A_455], %gather3A_509 {add = true} : memref<64x128xf32, #tpu.memory_space<vmem>>[vector<16xi32>, vector<16xi32>], vector<16xf32>,
      %add3A_514 = arith.constant 48 : i32
      %add3A_515 = vector.broadcast %add3A_514 : i32 to vector<16xi32>
      %add3A_516 = arith.addi %iota3A, %add3A_515 : vector<16xi32>
      %gather3A_517 = arith.constant 0 : i32
      %gather3A_518 = arith.constant 0 : i32
      %gather3A_519 = tpu.memref_slice %arg7[%rem3A_434, %gather3A_517, %gather3A_518] : memref<12x64x128xf32, #tpu.memory_space<vmem>> -> memref<1x64x128xf32, #tpu.memory_space<vmem>>
      %gather3A_520 = tpu.memref_squeeze %gather3A_519 : memref<1x64x128xf32, #tpu.memory_space<vmem>> -> memref<64x128xf32, #tpu.memory_space<vmem>>
      %gather3A_521 = tpu.vector_load_idx %gather3A_520[%add3A_516, %broadcast_in_dim3A] : memref<64x128xf32, #tpu.memory_space<vmem>>[vector<16xi32>, vector<16xi32>], vector<16xf32>,
      %scatter3A_522 = arith.constant 0 : i32
      %scatter3A_523 = arith.constant 0 : i32
      %scatter3A_524 = tpu.memref_slice %arg8[%select_n3A_479, %scatter3A_522, %scatter3A_523] : memref<2x64x128xf32, #tpu.memory_space<vmem>> -> memref<1x64x128xf32, #tpu.memory_space<vmem>>
      %scatter3A_525 = tpu.memref_squeeze %scatter3A_524 : memref<1x64x128xf32, #tpu.memory_space<vmem>> -> memref<64x128xf32, #tpu.memory_space<vmem>>
      tpu.vector_store_idx %scatter3A_525[%add3A_516, %broadcast_in_dim3A_455], %gather3A_521 {add = true} : memref<64x128xf32, #tpu.memory_space<vmem>>[vector<16xi32>, vector<16xi32>], vector<16xf32>,
      %mul3A_526 = arith.constant 4 : i32
      %mul3A_527 = arith.muli %add3A_428, %mul3A_526 : i32
      %add3A_528 = arith.constant 1 : i32
      %add3A_529 = arith.addi %mul3A_527, %add3A_528 : i32
      %rem3A_530 = arith.constant 12 : i32
      %rem3A_531 = arith.remsi %add3A_529, %rem3A_530 : i32
      %dma_wait3A_532 = arith.constant 0 : i32
      %dma_wait3A_533 = arith.constant 0 : i32
      %dma_wait3A_534 = tpu.memref_slice %arg7[%rem3A_531, %dma_wait3A_532, %dma_wait3A_533] : memref<12x64x128xf32, #tpu.memory_space<vmem>> -> memref<1x64x128xf32, #tpu.memory_space<vmem>>
      %dma_wait3A_535 = tpu.memref_squeeze %dma_wait3A_534 : memref<1x64x128xf32, #tpu.memory_space<vmem>> -> memref<64x128xf32, #tpu.memory_space<vmem>>
      %dma_wait3A_536 = arith.constant 0 : i32
      %dma_wait3A_537 = arith.constant 0 : i32
      %dma_wait3A_538 = tpu.memref_slice %arg3[%dma_wait3A_536, %dma_wait3A_537] : memref<64x1000000xf32, #tpu.memory_space<hbm>> -> memref<64x128xf32, #tpu.memory_space<hbm>>
      %dma_wait3A_539 = arith.constant 0 : i32
      %dma_wait3A_540 = arith.constant 0 : i32
      %dma_wait3A_541 = tpu.memref_slice %arg7[%rem3A_531, %dma_wait3A_539, %dma_wait3A_540] : memref<12x64x128xf32, #tpu.memory_space<vmem>> -> memref<1x64x128xf32, #tpu.memory_space<vmem>>
      %dma_wait3A_542 = tpu.memref_squeeze %dma_wait3A_541 : memref<1x64x128xf32, #tpu.memory_space<vmem>> -> memref<64x128xf32, #tpu.memory_space<vmem>>
      %dma_wait3A_543 = arith.constant 0 : i32
      %dma_wait3A_544 = arith.constant 0 : i32
      %dma_wait3A_545 = tpu.memref_slice %arg3[%dma_wait3A_543, %dma_wait3A_544] : memref<64x1000000xf32, #tpu.memory_space<hbm>> -> memref<64x128xf32, #tpu.memory_space<hbm>>
      tpu.wait_dma2 semaphore(%arg9 : memref<!tpu.dma_semaphore, #tpu.memory_space<semaphore_mem>>) src(%dma_wait3A_545 : memref<64x128xf32, #tpu.memory_space<hbm>>) dst(%dma_wait3A_542 : memref<64x128xf32, #tpu.memory_space<vmem>>)
      %slice3A_546 = vector.extract_strided_slice %scan3A_388 {offsets = [1], sizes = [1], strides = [1]} : vector<16xi32> to vector<1xi32>
      %squeeze3A_547 = vector.extract %slice3A_546[0] : i32 from vector<1xi32>
      %and3A_548 = arith.constant 127 : i32
      %and3A_549 = arith.andi %squeeze3A_547, %and3A_548 : i32
      %broadcast_in_dim3A_550 = vector.broadcast %and3A_549 : i32 to vector<16xi32>
      %rem3A_551 = arith.constant 128 : i32
      %rem3A_552 = arith.remsi %add3A_529, %rem3A_551 : i32
      %broadcast_in_dim3A_553 = vector.broadcast %rem3A_552 : i32 to vector<16xi32>
      %jit3A_554 = arith.constant 128 : i32
      %div3A_555 = arith.divsi %add3A_529, %jit3A_554 : i32
      %sign3A_556 = arith.constant 0 : i32
      %sign3A_557 = arith.cmpi sgt, %add3A_529, %sign3A_556 : i32
      %sign3A_558 = arith.extui %sign3A_557 : i1 to i32
      %sign3A_559 = arith.constant 0 : i32
      %sign3A_560 = arith.cmpi slt, %add3A_529, %sign3A_559 : i32
      %sign3A_561 = arith.extui %sign3A_560 : i1 to i32
      %sign3A_562 = arith.subi %sign3A_558, %sign3A_561 : i32
      %sign3A_563 = arith.constant 0 : i32
      %sign3A_564 = arith.cmpi sgt, %jit3A_554, %sign3A_563 : i32
      %sign3A_565 = arith.extui %sign3A_564 : i1 to i32
      %sign3A_566 = arith.constant 0 : i32
      %sign3A_567 = arith.cmpi slt, %jit3A_554, %sign3A_566 : i32
      %sign3A_568 = arith.extui %sign3A_567 : i1 to i32
      %sign3A_569 = arith.subi %sign3A_565, %sign3A_568 : i32
      %ne3A_570 = arith.cmpi ne, %sign3A_562, %sign3A_569 : i32
      %rem3A_571 = arith.remsi %add3A_529, %jit3A_554 : i32
      %ne3A_572 = arith.constant 0 : i32
      %ne3A_573 = arith.cmpi ne, %rem3A_571, %ne3A_572 : i32
      %and3A_574 = arith.andi %ne3A_570, %ne3A_573 : i1
      %sub3A_575 = arith.constant 1 : i32
      %sub3A_576 = arith.subi %div3A_555, %sub3A_575 : i32
      %select_n3A_577 = arith.select %and3A_574, %sub3A_576, %div3A_555 : i32
      %add3A_578 = arith.constant 0 : i32
      %add3A_579 = vector.broadcast %add3A_578 : i32 to vector<16xi32>
      %add3A_580 = arith.addi %iota3A, %add3A_579 : vector<16xi32>
      %gather3A_581 = arith.constant 0 : i32
      %gather3A_582 = arith.constant 0 : i32
      %gather3A_583 = tpu.memref_slice %arg7[%rem3A_531, %gather3A_581, %gather3A_582] : memref<12x64x128xf32, #tpu.memory_space<vmem>> -> memref<1x64x128xf32, #tpu.memory_space<vmem>>
      %gather3A_584 = tpu.memref_squeeze %gather3A_583 : memref<1x64x128xf32, #tpu.memory_space<vmem>> -> memref<64x128xf32, #tpu.memory_space<vmem>>
      %gather3A_585 = tpu.vector_load_idx %gather3A_584[%add3A_580, %broadcast_in_dim3A_550] : memref<64x128xf32, #tpu.memory_space<vmem>>[vector<16xi32>, vector<16xi32>], vector<16xf32>,
      %scatter3A_586 = arith.constant 0 : i32
      %scatter3A_587 = arith.constant 0 : i32
      %scatter3A_588 = tpu.memref_slice %arg8[%select_n3A_577, %scatter3A_586, %scatter3A_587] : memref<2x64x128xf32, #tpu.memory_space<vmem>> -> memref<1x64x128xf32, #tpu.memory_space<vmem>>
      %scatter3A_589 = tpu.memref_squeeze %scatter3A_588 : memref<1x64x128xf32, #tpu.memory_space<vmem>> -> memref<64x128xf32, #tpu.memory_space<vmem>>
      tpu.vector_store_idx %scatter3A_589[%add3A_580, %broadcast_in_dim3A_553], %gather3A_585 {add = true} : memref<64x128xf32, #tpu.memory_space<vmem>>[vector<16xi32>, vector<16xi32>], vector<16xf32>,
      %add3A_590 = arith.constant 16 : i32
      %add3A_591 = vector.broadcast %add3A_590 : i32 to vector<16xi32>
      %add3A_592 = arith.addi %iota3A, %add3A_591 : vector<16xi32>
      %gather3A_593 = arith.constant 0 : i32
      %gather3A_594 = arith.constant 0 : i32
      %gather3A_595 = tpu.memref_slice %arg7[%rem3A_531, %gather3A_593, %gather3A_594] : memref<12x64x128xf32, #tpu.memory_space<vmem>> -> memref<1x64x128xf32, #tpu.memory_space<vmem>>
      %gather3A_596 = tpu.memref_squeeze %gather3A_595 : memref<1x64x128xf32, #tpu.memory_space<vmem>> -> memref<64x128xf32, #tpu.memory_space<vmem>>
      %gather3A_597 = tpu.vector_load_idx %gather3A_596[%add3A_592, %broadcast_in_dim3A_550] : memref<64x128xf32, #tpu.memory_space<vmem>>[vector<16xi32>, vector<16xi32>], vector<16xf32>,
      %scatter3A_598 = arith.constant 0 : i32
      %scatter3A_599 = arith.constant 0 : i32
      %scatter3A_600 = tpu.memref_slice %arg8[%select_n3A_577, %scatter3A_598, %scatter3A_599] : memref<2x64x128xf32, #tpu.memory_space<vmem>> -> memref<1x64x128xf32, #tpu.memory_space<vmem>>
      %scatter3A_601 = tpu.memref_squeeze %scatter3A_600 : memref<1x64x128xf32, #tpu.memory_space<vmem>> -> memref<64x128xf32, #tpu.memory_space<vmem>>
      tpu.vector_store_idx %scatter3A_601[%add3A_592, %broadcast_in_dim3A_553], %gather3A_597 {add = true} : memref<64x128xf32, #tpu.memory_space<vmem>>[vector<16xi32>, vector<16xi32>], vector<16xf32>,
      %add3A_602 = arith.constant 32 : i32
      %add3A_603 = vector.broadcast %add3A_602 : i32 to vector<16xi32>
      %add3A_604 = arith.addi %iota3A, %add3A_603 : vector<16xi32>
      %gather3A_605 = arith.constant 0 : i32
      %gather3A_606 = arith.constant 0 : i32
      %gather3A_607 = tpu.memref_slice %arg7[%rem3A_531, %gather3A_605, %gather3A_606] : memref<12x64x128xf32, #tpu.memory_space<vmem>> -> memref<1x64x128xf32, #tpu.memory_space<vmem>>
      %gather3A_608 = tpu.memref_squeeze %gather3A_607 : memref<1x64x128xf32, #tpu.memory_space<vmem>> -> memref<64x128xf32, #tpu.memory_space<vmem>>
      %gather3A_609 = tpu.vector_load_idx %gather3A_608[%add3A_604, %broadcast_in_dim3A_550] : memref<64x128xf32, #tpu.memory_space<vmem>>[vector<16xi32>, vector<16xi32>], vector<16xf32>,
      %scatter3A_610 = arith.constant 0 : i32
      %scatter3A_611 = arith.constant 0 : i32
      %scatter3A_612 = tpu.memref_slice %arg8[%select_n3A_577, %scatter3A_610, %scatter3A_611] : memref<2x64x128xf32, #tpu.memory_space<vmem>> -> memref<1x64x128xf32, #tpu.memory_space<vmem>>
      %scatter3A_613 = tpu.memref_squeeze %scatter3A_612 : memref<1x64x128xf32, #tpu.memory_space<vmem>> -> memref<64x128xf32, #tpu.memory_space<vmem>>
      tpu.vector_store_idx %scatter3A_613[%add3A_604, %broadcast_in_dim3A_553], %gather3A_609 {add = true} : memref<64x128xf32, #tpu.memory_space<vmem>>[vector<16xi32>, vector<16xi32>], vector<16xf32>,
      %add3A_614 = arith.constant 48 : i32
      %add3A_615 = vector.broadcast %add3A_614 : i32 to vector<16xi32>
      %add3A_616 = arith.addi %iota3A, %add3A_615 : vector<16xi32>
      %gather3A_617 = arith.constant 0 : i32
      %gather3A_618 = arith.constant 0 : i32
      %gather3A_619 = tpu.memref_slice %arg7[%rem3A_531, %gather3A_617, %gather3A_618] : memref<12x64x128xf32, #tpu.memory_space<vmem>> -> memref<1x64x128xf32, #tpu.memory_space<vmem>>
      %gather3A_620 = tpu.memref_squeeze %gather3A_619 : memref<1x64x128xf32, #tpu.memory_space<vmem>> -> memref<64x128xf32, #tpu.memory_space<vmem>>
      %gather3A_621 = tpu.vector_load_idx %gather3A_620[%add3A_616, %broadcast_in_dim3A_550] : memref<64x128xf32, #tpu.memory_space<vmem>>[vector<16xi32>, vector<16xi32>], vector<16xf32>,
      %scatter3A_622 = arith.constant 0 : i32
      %scatter3A_623 = arith.constant 0 : i32
      %scatter3A_624 = tpu.memref_slice %arg8[%select_n3A_577, %scatter3A_622, %scatter3A_623] : memref<2x64x128xf32, #tpu.memory_space<vmem>> -> memref<1x64x128xf32, #tpu.memory_space<vmem>>
      %scatter3A_625 = tpu.memref_squeeze %scatter3A_624 : memref<1x64x128xf32, #tpu.memory_space<vmem>> -> memref<64x128xf32, #tpu.memory_space<vmem>>
      tpu.vector_store_idx %scatter3A_625[%add3A_616, %broadcast_in_dim3A_553], %gather3A_621 {add = true} : memref<64x128xf32, #tpu.memory_space<vmem>>[vector<16xi32>, vector<16xi32>], vector<16xf32>,
      %mul3A_626 = arith.constant 4 : i32
      %mul3A_627 = arith.muli %add3A_428, %mul3A_626 : i32
      %add3A_628 = arith.constant 2 : i32
      %add3A_629 = arith.addi %mul3A_627, %add3A_628 : i32
      %rem3A_630 = arith.constant 12 : i32
      %rem3A_631 = arith.remsi %add3A_629, %rem3A_630 : i32
      %dma_wait3A_632 = arith.constant 0 : i32
      %dma_wait3A_633 = arith.constant 0 : i32
      %dma_wait3A_634 = tpu.memref_slice %arg7[%rem3A_631, %dma_wait3A_632, %dma_wait3A_633] : memref<12x64x128xf32, #tpu.memory_space<vmem>> -> memref<1x64x128xf32, #tpu.memory_space<vmem>>
      %dma_wait3A_635 = tpu.memref_squeeze %dma_wait3A_634 : memref<1x64x128xf32, #tpu.memory_space<vmem>> -> memref<64x128xf32, #tpu.memory_space<vmem>>
      %dma_wait3A_636 = arith.constant 0 : i32
      %dma_wait3A_637 = arith.constant 0 : i32
      %dma_wait3A_638 = tpu.memref_slice %arg3[%dma_wait3A_636, %dma_wait3A_637] : memref<64x1000000xf32, #tpu.memory_space<hbm>> -> memref<64x128xf32, #tpu.memory_space<hbm>>
      %dma_wait3A_639 = arith.constant 0 : i32
      %dma_wait3A_640 = arith.constant 0 : i32
      %dma_wait3A_641 = tpu.memref_slice %arg7[%rem3A_631, %dma_wait3A_639, %dma_wait3A_640] : memref<12x64x128xf32, #tpu.memory_space<vmem>> -> memref<1x64x128xf32, #tpu.memory_space<vmem>>
      %dma_wait3A_642 = tpu.memref_squeeze %dma_wait3A_641 : memref<1x64x128xf32, #tpu.memory_space<vmem>> -> memref<64x128xf32, #tpu.memory_space<vmem>>
      %dma_wait3A_643 = arith.constant 0 : i32
      %dma_wait3A_644 = arith.constant 0 : i32
      %dma_wait3A_645 = tpu.memref_slice %arg3[%dma_wait3A_643, %dma_wait3A_644] : memref<64x1000000xf32, #tpu.memory_space<hbm>> -> memref<64x128xf32, #tpu.memory_space<hbm>>
      tpu.wait_dma2 semaphore(%arg9 : memref<!tpu.dma_semaphore, #tpu.memory_space<semaphore_mem>>) src(%dma_wait3A_645 : memref<64x128xf32, #tpu.memory_space<hbm>>) dst(%dma_wait3A_642 : memref<64x128xf32, #tpu.memory_space<vmem>>)
      %slice3A_646 = vector.extract_strided_slice %scan3A_388 {offsets = [2], sizes = [1], strides = [1]} : vector<16xi32> to vector<1xi32>
      %squeeze3A_647 = vector.extract %slice3A_646[0] : i32 from vector<1xi32>
      %and3A_648 = arith.constant 127 : i32
      %and3A_649 = arith.andi %squeeze3A_647, %and3A_648 : i32
      %broadcast_in_dim3A_650 = vector.broadcast %and3A_649 : i32 to vector<16xi32>
      %rem3A_651 = arith.constant 128 : i32
      %rem3A_652 = arith.remsi %add3A_629, %rem3A_651 : i32
      %broadcast_in_dim3A_653 = vector.broadcast %rem3A_652 : i32 to vector<16xi32>
      %jit3A_654 = arith.constant 128 : i32
      %div3A_655 = arith.divsi %add3A_629, %jit3A_654 : i32
      %sign3A_656 = arith.constant 0 : i32
      %sign3A_657 = arith.cmpi sgt, %add3A_629, %sign3A_656 : i32
      %sign3A_658 = arith.extui %sign3A_657 : i1 to i32
      %sign3A_659 = arith.constant 0 : i32
      %sign3A_660 = arith.cmpi slt, %add3A_629, %sign3A_659 : i32
      %sign3A_661 = arith.extui %sign3A_660 : i1 to i32
      %sign3A_662 = arith.subi %sign3A_658, %sign3A_661 : i32
      %sign3A_663 = arith.constant 0 : i32
      %sign3A_664 = arith.cmpi sgt, %jit3A_654, %sign3A_663 : i32
      %sign3A_665 = arith.extui %sign3A_664 : i1 to i32
      %sign3A_666 = arith.constant 0 : i32
      %sign3A_667 = arith.cmpi slt, %jit3A_654, %sign3A_666 : i32
      %sign3A_668 = arith.extui %sign3A_667 : i1 to i32
      %sign3A_669 = arith.subi %sign3A_665, %sign3A_668 : i32
      %ne3A_670 = arith.cmpi ne, %sign3A_662, %sign3A_669 : i32
      %rem3A_671 = arith.remsi %add3A_629, %jit3A_654 : i32
      %ne3A_672 = arith.constant 0 : i32
      %ne3A_673 = arith.cmpi ne, %rem3A_671, %ne3A_672 : i32
      %and3A_674 = arith.andi %ne3A_670, %ne3A_673 : i1
      %sub3A_675 = arith.constant 1 : i32
      %sub3A_676 = arith.subi %div3A_655, %sub3A_675 : i32
      %select_n3A_677 = arith.select %and3A_674, %sub3A_676, %div3A_655 : i32
      %add3A_678 = arith.constant 0 : i32
      %add3A_679 = vector.broadcast %add3A_678 : i32 to vector<16xi32>
      %add3A_680 = arith.addi %iota3A, %add3A_679 : vector<16xi32>
      %gather3A_681 = arith.constant 0 : i32
      %gather3A_682 = arith.constant 0 : i32
      %gather3A_683 = tpu.memref_slice %arg7[%rem3A_631, %gather3A_681, %gather3A_682] : memref<12x64x128xf32, #tpu.memory_space<vmem>> -> memref<1x64x128xf32, #tpu.memory_space<vmem>>
      %gather3A_684 = tpu.memref_squeeze %gather3A_683 : memref<1x64x128xf32, #tpu.memory_space<vmem>> -> memref<64x128xf32, #tpu.memory_space<vmem>>
      %gather3A_685 = tpu.vector_load_idx %gather3A_684[%add3A_680, %broadcast_in_dim3A_650] : memref<64x128xf32, #tpu.memory_space<vmem>>[vector<16xi32>, vector<16xi32>], vector<16xf32>,
      %scatter3A_686 = arith.constant 0 : i32
      %scatter3A_687 = arith.constant 0 : i32
      %scatter3A_688 = tpu.memref_slice %arg8[%select_n3A_677, %scatter3A_686, %scatter3A_687] : memref<2x64x128xf32, #tpu.memory_space<vmem>> -> memref<1x64x128xf32, #tpu.memory_space<vmem>>
      %scatter3A_689 = tpu.memref_squeeze %scatter3A_688 : memref<1x64x128xf32, #tpu.memory_space<vmem>> -> memref<64x128xf32, #tpu.memory_space<vmem>>
      tpu.vector_store_idx %scatter3A_689[%add3A_680, %broadcast_in_dim3A_653], %gather3A_685 {add = true} : memref<64x128xf32, #tpu.memory_space<vmem>>[vector<16xi32>, vector<16xi32>], vector<16xf32>,
      %add3A_690 = arith.constant 16 : i32
      %add3A_691 = vector.broadcast %add3A_690 : i32 to vector<16xi32>
      %add3A_692 = arith.addi %iota3A, %add3A_691 : vector<16xi32>
      %gather3A_693 = arith.constant 0 : i32
      %gather3A_694 = arith.constant 0 : i32
      %gather3A_695 = tpu.memref_slice %arg7[%rem3A_631, %gather3A_693, %gather3A_694] : memref<12x64x128xf32, #tpu.memory_space<vmem>> -> memref<1x64x128xf32, #tpu.memory_space<vmem>>
      %gather3A_696 = tpu.memref_squeeze %gather3A_695 : memref<1x64x128xf32, #tpu.memory_space<vmem>> -> memref<64x128xf32, #tpu.memory_space<vmem>>
      %gather3A_697 = tpu.vector_load_idx %gather3A_696[%add3A_692, %broadcast_in_dim3A_650] : memref<64x128xf32, #tpu.memory_space<vmem>>[vector<16xi32>, vector<16xi32>], vector<16xf32>,
      %scatter3A_698 = arith.constant 0 : i32
      %scatter3A_699 = arith.constant 0 : i32
      %scatter3A_700 = tpu.memref_slice %arg8[%select_n3A_677, %scatter3A_698, %scatter3A_699] : memref<2x64x128xf32, #tpu.memory_space<vmem>> -> memref<1x64x128xf32, #tpu.memory_space<vmem>>
      %scatter3A_701 = tpu.memref_squeeze %scatter3A_700 : memref<1x64x128xf32, #tpu.memory_space<vmem>> -> memref<64x128xf32, #tpu.memory_space<vmem>>
      tpu.vector_store_idx %scatter3A_701[%add3A_692, %broadcast_in_dim3A_653], %gather3A_697 {add = true} : memref<64x128xf32, #tpu.memory_space<vmem>>[vector<16xi32>, vector<16xi32>], vector<16xf32>,
      %add3A_702 = arith.constant 32 : i32
      %add3A_703 = vector.broadcast %add3A_702 : i32 to vector<16xi32>
      %add3A_704 = arith.addi %iota3A, %add3A_703 : vector<16xi32>
      %gather3A_705 = arith.constant 0 : i32
      %gather3A_706 = arith.constant 0 : i32
      %gather3A_707 = tpu.memref_slice %arg7[%rem3A_631, %gather3A_705, %gather3A_706] : memref<12x64x128xf32, #tpu.memory_space<vmem>> -> memref<1x64x128xf32, #tpu.memory_space<vmem>>
      %gather3A_708 = tpu.memref_squeeze %gather3A_707 : memref<1x64x128xf32, #tpu.memory_space<vmem>> -> memref<64x128xf32, #tpu.memory_space<vmem>>
      %gather3A_709 = tpu.vector_load_idx %gather3A_708[%add3A_704, %broadcast_in_dim3A_650] : memref<64x128xf32, #tpu.memory_space<vmem>>[vector<16xi32>, vector<16xi32>], vector<16xf32>,
      %scatter3A_710 = arith.constant 0 : i32
      %scatter3A_711 = arith.constant 0 : i32
      %scatter3A_712 = tpu.memref_slice %arg8[%select_n3A_677, %scatter3A_710, %scatter3A_711] : memref<2x64x128xf32, #tpu.memory_space<vmem>> -> memref<1x64x128xf32, #tpu.memory_space<vmem>>
      %scatter3A_713 = tpu.memref_squeeze %scatter3A_712 : memref<1x64x128xf32, #tpu.memory_space<vmem>> -> memref<64x128xf32, #tpu.memory_space<vmem>>
      tpu.vector_store_idx %scatter3A_713[%add3A_704, %broadcast_in_dim3A_653], %gather3A_709 {add = true} : memref<64x128xf32, #tpu.memory_space<vmem>>[vector<16xi32>, vector<16xi32>], vector<16xf32>,
      %add3A_714 = arith.constant 48 : i32
      %add3A_715 = vector.broadcast %add3A_714 : i32 to vector<16xi32>
      %add3A_716 = arith.addi %iota3A, %add3A_715 : vector<16xi32>
      %gather3A_717 = arith.constant 0 : i32
      %gather3A_718 = arith.constant 0 : i32
      %gather3A_719 = tpu.memref_slice %arg7[%rem3A_631, %gather3A_717, %gather3A_718] : memref<12x64x128xf32, #tpu.memory_space<vmem>> -> memref<1x64x128xf32, #tpu.memory_space<vmem>>
      %gather3A_720 = tpu.memref_squeeze %gather3A_719 : memref<1x64x128xf32, #tpu.memory_space<vmem>> -> memref<64x128xf32, #tpu.memory_space<vmem>>
      %gather3A_721 = tpu.vector_load_idx %gather3A_720[%add3A_716, %broadcast_in_dim3A_650] : memref<64x128xf32, #tpu.memory_space<vmem>>[vector<16xi32>, vector<16xi32>], vector<16xf32>,
      %scatter3A_722 = arith.constant 0 : i32
      %scatter3A_723 = arith.constant 0 : i32
      %scatter3A_724 = tpu.memref_slice %arg8[%select_n3A_677, %scatter3A_722, %scatter3A_723] : memref<2x64x128xf32, #tpu.memory_space<vmem>> -> memref<1x64x128xf32, #tpu.memory_space<vmem>>
      %scatter3A_725 = tpu.memref_squeeze %scatter3A_724 : memref<1x64x128xf32, #tpu.memory_space<vmem>> -> memref<64x128xf32, #tpu.memory_space<vmem>>
      tpu.vector_store_idx %scatter3A_725[%add3A_716, %broadcast_in_dim3A_653], %gather3A_721 {add = true} : memref<64x128xf32, #tpu.memory_space<vmem>>[vector<16xi32>, vector<16xi32>], vector<16xf32>,
      %mul3A_726 = arith.constant 4 : i32
      %mul3A_727 = arith.muli %add3A_428, %mul3A_726 : i32
      %add3A_728 = arith.constant 3 : i32
      %add3A_729 = arith.addi %mul3A_727, %add3A_728 : i32
      %rem3A_730 = arith.constant 12 : i32
      %rem3A_731 = arith.remsi %add3A_729, %rem3A_730 : i32
      %dma_wait3A_732 = arith.constant 0 : i32
      %dma_wait3A_733 = arith.constant 0 : i32
      %dma_wait3A_734 = tpu.memref_slice %arg7[%rem3A_731, %dma_wait3A_732, %dma_wait3A_733] : memref<12x64x128xf32, #tpu.memory_space<vmem>> -> memref<1x64x128xf32, #tpu.memory_space<vmem>>
      %dma_wait3A_735 = tpu.memref_squeeze %dma_wait3A_734 : memref<1x64x128xf32, #tpu.memory_space<vmem>> -> memref<64x128xf32, #tpu.memory_space<vmem>>
      %dma_wait3A_736 = arith.constant 0 : i32
      %dma_wait3A_737 = arith.constant 0 : i32
      %dma_wait3A_738 = tpu.memref_slice %arg3[%dma_wait3A_736, %dma_wait3A_737] : memref<64x1000000xf32, #tpu.memory_space<hbm>> -> memref<64x128xf32, #tpu.memory_space<hbm>>
      %dma_wait3A_739 = arith.constant 0 : i32
      %dma_wait3A_740 = arith.constant 0 : i32
      %dma_wait3A_741 = tpu.memref_slice %arg7[%rem3A_731, %dma_wait3A_739, %dma_wait3A_740] : memref<12x64x128xf32, #tpu.memory_space<vmem>> -> memref<1x64x128xf32, #tpu.memory_space<vmem>>
      %dma_wait3A_742 = tpu.memref_squeeze %dma_wait3A_741 : memref<1x64x128xf32, #tpu.memory_space<vmem>> -> memref<64x128xf32, #tpu.memory_space<vmem>>
      %dma_wait3A_743 = arith.constant 0 : i32
      %dma_wait3A_744 = arith.constant 0 : i32
      %dma_wait3A_745 = tpu.memref_slice %arg3[%dma_wait3A_743, %dma_wait3A_744] : memref<64x1000000xf32, #tpu.memory_space<hbm>> -> memref<64x128xf32, #tpu.memory_space<hbm>>
      tpu.wait_dma2 semaphore(%arg9 : memref<!tpu.dma_semaphore, #tpu.memory_space<semaphore_mem>>) src(%dma_wait3A_745 : memref<64x128xf32, #tpu.memory_space<hbm>>) dst(%dma_wait3A_742 : memref<64x128xf32, #tpu.memory_space<vmem>>)
      %slice3A_746 = vector.extract_strided_slice %scan3A_388 {offsets = [3], sizes = [1], strides = [1]} : vector<16xi32> to vector<1xi32>
      %squeeze3A_747 = vector.extract %slice3A_746[0] : i32 from vector<1xi32>
      %and3A_748 = arith.constant 127 : i32
      %and3A_749 = arith.andi %squeeze3A_747, %and3A_748 : i32
      %broadcast_in_dim3A_750 = vector.broadcast %and3A_749 : i32 to vector<16xi32>
      %rem3A_751 = arith.constant 128 : i32
      %rem3A_752 = arith.remsi %add3A_729, %rem3A_751 : i32
      %broadcast_in_dim3A_753 = vector.broadcast %rem3A_752 : i32 to vector<16xi32>
      %jit3A_754 = arith.constant 128 : i32
      %div3A_755 = arith.divsi %add3A_729, %jit3A_754 : i32
      %sign3A_756 = arith.constant 0 : i32
      %sign3A_757 = arith.cmpi sgt, %add3A_729, %sign3A_756 : i32
      %sign3A_758 = arith.extui %sign3A_757 : i1 to i32
      %sign3A_759 = arith.constant 0 : i32
      %sign3A_760 = arith.cmpi slt, %add3A_729, %sign3A_759 : i32
      %sign3A_761 = arith.extui %sign3A_760 : i1 to i32
      %sign3A_762 = arith.subi %sign3A_758, %sign3A_761 : i32
      %sign3A_763 = arith.constant 0 : i32
      %sign3A_764 = arith.cmpi sgt, %jit3A_754, %sign3A_763 : i32
      %sign3A_765 = arith.extui %sign3A_764 : i1 to i32
      %sign3A_766 = arith.constant 0 : i32
      %sign3A_767 = arith.cmpi slt, %jit3A_754, %sign3A_766 : i32
      %sign3A_768 = arith.extui %sign3A_767 : i1 to i32
      %sign3A_769 = arith.subi %sign3A_765, %sign3A_768 : i32
      %ne3A_770 = arith.cmpi ne, %sign3A_762, %sign3A_769 : i32
      %rem3A_771 = arith.remsi %add3A_729, %jit3A_754 : i32
      %ne3A_772 = arith.constant 0 : i32
      %ne3A_773 = arith.cmpi ne, %rem3A_771, %ne3A_772 : i32
      %and3A_774 = arith.andi %ne3A_770, %ne3A_773 : i1
      %sub3A_775 = arith.constant 1 : i32
      %sub3A_776 = arith.subi %div3A_755, %sub3A_775 : i32
      %select_n3A_777 = arith.select %and3A_774, %sub3A_776, %div3A_755 : i32
      %add3A_778 = arith.constant 0 : i32
      %add3A_779 = vector.broadcast %add3A_778 : i32 to vector<16xi32>
      %add3A_780 = arith.addi %iota3A, %add3A_779 : vector<16xi32>
      %gather3A_781 = arith.constant 0 : i32
      %gather3A_782 = arith.constant 0 : i32
      %gather3A_783 = tpu.memref_slice %arg7[%rem3A_731, %gather3A_781, %gather3A_782] : memref<12x64x128xf32, #tpu.memory_space<vmem>> -> memref<1x64x128xf32, #tpu.memory_space<vmem>>
      %gather3A_784 = tpu.memref_squeeze %gather3A_783 : memref<1x64x128xf32, #tpu.memory_space<vmem>> -> memref<64x128xf32, #tpu.memory_space<vmem>>
      %gather3A_785 = tpu.vector_load_idx %gather3A_784[%add3A_780, %broadcast_in_dim3A_750] : memref<64x128xf32, #tpu.memory_space<vmem>>[vector<16xi32>, vector<16xi32>], vector<16xf32>,
      %scatter3A_786 = arith.constant 0 : i32
      %scatter3A_787 = arith.constant 0 : i32
      %scatter3A_788 = tpu.memref_slice %arg8[%select_n3A_777, %scatter3A_786, %scatter3A_787] : memref<2x64x128xf32, #tpu.memory_space<vmem>> -> memref<1x64x128xf32, #tpu.memory_space<vmem>>
      %scatter3A_789 = tpu.memref_squeeze %scatter3A_788 : memref<1x64x128xf32, #tpu.memory_space<vmem>> -> memref<64x128xf32, #tpu.memory_space<vmem>>
      tpu.vector_store_idx %scatter3A_789[%add3A_780, %broadcast_in_dim3A_753], %gather3A_785 {add = true} : memref<64x128xf32, #tpu.memory_space<vmem>>[vector<16xi32>, vector<16xi32>], vector<16xf32>,
      %add3A_790 = arith.constant 16 : i32
      %add3A_791 = vector.broadcast %add3A_790 : i32 to vector<16xi32>
      %add3A_792 = arith.addi %iota3A, %add3A_791 : vector<16xi32>
      %gather3A_793 = arith.constant 0 : i32
      %gather3A_794 = arith.constant 0 : i32
      %gather3A_795 = tpu.memref_slice %arg7[%rem3A_731, %gather3A_793, %gather3A_794] : memref<12x64x128xf32, #tpu.memory_space<vmem>> -> memref<1x64x128xf32, #tpu.memory_space<vmem>>
      %gather3A_796 = tpu.memref_squeeze %gather3A_795 : memref<1x64x128xf32, #tpu.memory_space<vmem>> -> memref<64x128xf32, #tpu.memory_space<vmem>>
      %gather3A_797 = tpu.vector_load_idx %gather3A_796[%add3A_792, %broadcast_in_dim3A_750] : memref<64x128xf32, #tpu.memory_space<vmem>>[vector<16xi32>, vector<16xi32>], vector<16xf32>,
      %scatter3A_798 = arith.constant 0 : i32
      %scatter3A_799 = arith.constant 0 : i32
      %scatter3A_800 = tpu.memref_slice %arg8[%select_n3A_777, %scatter3A_798, %scatter3A_799] : memref<2x64x128xf32, #tpu.memory_space<vmem>> -> memref<1x64x128xf32, #tpu.memory_space<vmem>>
      %scatter3A_801 = tpu.memref_squeeze %scatter3A_800 : memref<1x64x128xf32, #tpu.memory_space<vmem>> -> memref<64x128xf32, #tpu.memory_space<vmem>>
      tpu.vector_store_idx %scatter3A_801[%add3A_792, %broadcast_in_dim3A_753], %gather3A_797 {add = true} : memref<64x128xf32, #tpu.memory_space<vmem>>[vector<16xi32>, vector<16xi32>], vector<16xf32>,
      %add3A_802 = arith.constant 32 : i32
      %add3A_803 = vector.broadcast %add3A_802 : i32 to vector<16xi32>
      %add3A_804 = arith.addi %iota3A, %add3A_803 : vector<16xi32>
      %gather3A_805 = arith.constant 0 : i32
      %gather3A_806 = arith.constant 0 : i32
      %gather3A_807 = tpu.memref_slice %arg7[%rem3A_731, %gather3A_805, %gather3A_806] : memref<12x64x128xf32, #tpu.memory_space<vmem>> -> memref<1x64x128xf32, #tpu.memory_space<vmem>>
      %gather3A_808 = tpu.memref_squeeze %gather3A_807 : memref<1x64x128xf32, #tpu.memory_space<vmem>> -> memref<64x128xf32, #tpu.memory_space<vmem>>
      %gather3A_809 = tpu.vector_load_idx %gather3A_808[%add3A_804, %broadcast_in_dim3A_750] : memref<64x128xf32, #tpu.memory_space<vmem>>[vector<16xi32>, vector<16xi32>], vector<16xf32>,
      %scatter3A_810 = arith.constant 0 : i32
      %scatter3A_811 = arith.constant 0 : i32
      %scatter3A_812 = tpu.memref_slice %arg8[%select_n3A_777, %scatter3A_810, %scatter3A_811] : memref<2x64x128xf32, #tpu.memory_space<vmem>> -> memref<1x64x128xf32, #tpu.memory_space<vmem>>
      %scatter3A_813 = tpu.memref_squeeze %scatter3A_812 : memref<1x64x128xf32, #tpu.memory_space<vmem>> -> memref<64x128xf32, #tpu.memory_space<vmem>>
      tpu.vector_store_idx %scatter3A_813[%add3A_804, %broadcast_in_dim3A_753], %gather3A_809 {add = true} : memref<64x128xf32, #tpu.memory_space<vmem>>[vector<16xi32>, vector<16xi32>], vector<16xf32>,
      %add3A_814 = arith.constant 48 : i32
      %add3A_815 = vector.broadcast %add3A_814 : i32 to vector<16xi32>
      %add3A_816 = arith.addi %iota3A, %add3A_815 : vector<16xi32>
      %gather3A_817 = arith.constant 0 : i32
      %gather3A_818 = arith.constant 0 : i32
      %gather3A_819 = tpu.memref_slice %arg7[%rem3A_731, %gather3A_817, %gather3A_818] : memref<12x64x128xf32, #tpu.memory_space<vmem>> -> memref<1x64x128xf32, #tpu.memory_space<vmem>>
      %gather3A_820 = tpu.memref_squeeze %gather3A_819 : memref<1x64x128xf32, #tpu.memory_space<vmem>> -> memref<64x128xf32, #tpu.memory_space<vmem>>
      %gather3A_821 = tpu.vector_load_idx %gather3A_820[%add3A_816, %broadcast_in_dim3A_750] : memref<64x128xf32, #tpu.memory_space<vmem>>[vector<16xi32>, vector<16xi32>], vector<16xf32>,
      %scatter3A_822 = arith.constant 0 : i32
      %scatter3A_823 = arith.constant 0 : i32
      %scatter3A_824 = tpu.memref_slice %arg8[%select_n3A_777, %scatter3A_822, %scatter3A_823] : memref<2x64x128xf32, #tpu.memory_space<vmem>> -> memref<1x64x128xf32, #tpu.memory_space<vmem>>
      %scatter3A_825 = tpu.memref_squeeze %scatter3A_824 : memref<1x64x128xf32, #tpu.memory_space<vmem>> -> memref<64x128xf32, #tpu.memory_space<vmem>>
      tpu.vector_store_idx %scatter3A_825[%add3A_816, %broadcast_in_dim3A_753], %gather3A_821 {add = true} : memref<64x128xf32, #tpu.memory_space<vmem>>[vector<16xi32>, vector<16xi32>], vector<16xf32>,
      %add3A_826 = arith.constant 3 : i32
      %add3A_827 = arith.addi %add3A_428, %add3A_826 : i32
      %lt3A = arith.constant 64 : i32
      %lt3A_828 = arith.cmpi slt, %add3A_827, %lt3A : i32
      %convert_element_type3A = arith.extui %lt3A_828 : i1 to i32
      %cond3A = arith.constant 0 : i32
      %cond3A_829 = arith.cmpi ne, %convert_element_type3A, %cond3A : i32
      scf.if %cond3A_829 {
        %mul3A_2063 = arith.constant 4 : i32
        %mul3A_2064 = arith.muli %add3A_827, %mul3A_2063 : i32
        %add3A_2065 = arith.constant 0 : i32
        %add3A_2066 = arith.addi %mul3A_2064, %add3A_2065 : i32
        %slice3A_2067 = vector.extract_strided_slice %scan3A_388 {offsets = [12], sizes = [1], strides = [1]} : vector<16xi32> to vector<1xi32>
        %squeeze3A_2068 = vector.extract %slice3A_2067[0] : i32 from vector<1xi32>
        %shift_right_logical3A_2069 = arith.constant 7 : i32
        %shift_right_logical3A_2070 = arith.shrui %squeeze3A_2068, %shift_right_logical3A_2069 : i32
        %mul3A_2071 = arith.constant 128 : i32
        %mul3A_2072 = arith.muli %shift_right_logical3A_2070, %mul3A_2071 : i32
        %multiple_of3A_2073 = tpu.assume_multiple %mul3A_2072, 128 : i32
        %rem3A_2074 = arith.constant 12 : i32
        %rem3A_2075 = arith.remsi %add3A_2066, %rem3A_2074 : i32
        %dma_start3A_2076 = arith.constant 0 : i32
        %dma_start3A_2077 = arith.constant 0 : i32
        %dma_start3A_2078 = tpu.memref_slice %arg7[%rem3A_2075, %dma_start3A_2076, %dma_start3A_2077] : memref<12x64x128xf32, #tpu.memory_space<vmem>> -> memref<1x64x128xf32, #tpu.memory_space<vmem>>
        %dma_start3A_2079 = tpu.memref_squeeze %dma_start3A_2078 : memref<1x64x128xf32, #tpu.memory_space<vmem>> -> memref<64x128xf32, #tpu.memory_space<vmem>>
        %dma_start3A_2080 = arith.constant 0 : i32
        %dma_start3A_2081 = tpu.memref_slice %arg3[%dma_start3A_2080, %multiple_of3A_2073] : memref<64x1000000xf32, #tpu.memory_space<hbm>> -> memref<64x128xf32, #tpu.memory_space<hbm>>
        %dma_start3A_2082 = arith.constant 0 : i32
        %dma_start3A_2083 = arith.constant 0 : i32
        %dma_start3A_2084 = tpu.memref_slice %arg7[%rem3A_2075, %dma_start3A_2082, %dma_start3A_2083] : memref<12x64x128xf32, #tpu.memory_space<vmem>> -> memref<1x64x128xf32, #tpu.memory_space<vmem>>
        %dma_start3A_2085 = tpu.memref_squeeze %dma_start3A_2084 : memref<1x64x128xf32, #tpu.memory_space<vmem>> -> memref<64x128xf32, #tpu.memory_space<vmem>>
        %dma_start3A_2086 = arith.constant 0 : i32
        %dma_start3A_2087 = tpu.memref_slice %arg3[%dma_start3A_2086, %multiple_of3A_2073] : memref<64x1000000xf32, #tpu.memory_space<hbm>> -> memref<64x128xf32, #tpu.memory_space<hbm>>
        tpu.enqueue_dma source(%dma_start3A_2087 : memref<64x128xf32, #tpu.memory_space<hbm>>) target(%dma_start3A_2085 : memref<64x128xf32, #tpu.memory_space<vmem>>) target_semaphore(%arg9 : memref<!tpu.dma_semaphore, #tpu.memory_space<semaphore_mem>>)
        %mul3A_2088 = arith.constant 4 : i32
        %mul3A_2089 = arith.muli %add3A_827, %mul3A_2088 : i32
        %add3A_2090 = arith.constant 1 : i32
        %add3A_2091 = arith.addi %mul3A_2089, %add3A_2090 : i32
        %slice3A_2092 = vector.extract_strided_slice %scan3A_388 {offsets = [13], sizes = [1], strides = [1]} : vector<16xi32> to vector<1xi32>
        %squeeze3A_2093 = vector.extract %slice3A_2092[0] : i32 from vector<1xi32>
        %shift_right_logical3A_2094 = arith.constant 7 : i32
        %shift_right_logical3A_2095 = arith.shrui %squeeze3A_2093, %shift_right_logical3A_2094 : i32
        %mul3A_2096 = arith.constant 128 : i32
        %mul3A_2097 = arith.muli %shift_right_logical3A_2095, %mul3A_2096 : i32
        %multiple_of3A_2098 = tpu.assume_multiple %mul3A_2097, 128 : i32
        %rem3A_2099 = arith.constant 12 : i32
        %rem3A_2100 = arith.remsi %add3A_2091, %rem3A_2099 : i32
        %dma_start3A_2101 = arith.constant 0 : i32
        %dma_start3A_2102 = arith.constant 0 : i32
        %dma_start3A_2103 = tpu.memref_slice %arg7[%rem3A_2100, %dma_start3A_2101, %dma_start3A_2102] : memref<12x64x128xf32, #tpu.memory_space<vmem>> -> memref<1x64x128xf32, #tpu.memory_space<vmem>>
        %dma_start3A_2104 = tpu.memref_squeeze %dma_start3A_2103 : memref<1x64x128xf32, #tpu.memory_space<vmem>> -> memref<64x128xf32, #tpu.memory_space<vmem>>
        %dma_start3A_2105 = arith.constant 0 : i32
        %dma_start3A_2106 = tpu.memref_slice %arg3[%dma_start3A_2105, %multiple_of3A_2098] : memref<64x1000000xf32, #tpu.memory_space<hbm>> -> memref<64x128xf32, #tpu.memory_space<hbm>>
        %dma_start3A_2107 = arith.constant 0 : i32
        %dma_start3A_2108 = arith.constant 0 : i32
        %dma_start3A_2109 = tpu.memref_slice %arg7[%rem3A_2100, %dma_start3A_2107, %dma_start3A_2108] : memref<12x64x128xf32, #tpu.memory_space<vmem>> -> memref<1x64x128xf32, #tpu.memory_space<vmem>>
        %dma_start3A_2110 = tpu.memref_squeeze %dma_start3A_2109 : memref<1x64x128xf32, #tpu.memory_space<vmem>> -> memref<64x128xf32, #tpu.memory_space<vmem>>
        %dma_start3A_2111 = arith.constant 0 : i32
        %dma_start3A_2112 = tpu.memref_slice %arg3[%dma_start3A_2111, %multiple_of3A_2098] : memref<64x1000000xf32, #tpu.memory_space<hbm>> -> memref<64x128xf32, #tpu.memory_space<hbm>>
        tpu.enqueue_dma source(%dma_start3A_2112 : memref<64x128xf32, #tpu.memory_space<hbm>>) target(%dma_start3A_2110 : memref<64x128xf32, #tpu.memory_space<vmem>>) target_semaphore(%arg9 : memref<!tpu.dma_semaphore, #tpu.memory_space<semaphore_mem>>)
        %mul3A_2113 = arith.constant 4 : i32
        %mul3A_2114 = arith.muli %add3A_827, %mul3A_2113 : i32
        %add3A_2115 = arith.constant 2 : i32
        %add3A_2116 = arith.addi %mul3A_2114, %add3A_2115 : i32
        %slice3A_2117 = vector.extract_strided_slice %scan3A_388 {offsets = [14], sizes = [1], strides = [1]} : vector<16xi32> to vector<1xi32>
        %squeeze3A_2118 = vector.extract %slice3A_2117[0] : i32 from vector<1xi32>
        %shift_right_logical3A_2119 = arith.constant 7 : i32
        %shift_right_logical3A_2120 = arith.shrui %squeeze3A_2118, %shift_right_logical3A_2119 : i32
        %mul3A_2121 = arith.constant 128 : i32
        %mul3A_2122 = arith.muli %shift_right_logical3A_2120, %mul3A_2121 : i32
        %multiple_of3A_2123 = tpu.assume_multiple %mul3A_2122, 128 : i32
        %rem3A_2124 = arith.constant 12 : i32
        %rem3A_2125 = arith.remsi %add3A_2116, %rem3A_2124 : i32
        %dma_start3A_2126 = arith.constant 0 : i32
        %dma_start3A_2127 = arith.constant 0 : i32
        %dma_start3A_2128 = tpu.memref_slice %arg7[%rem3A_2125, %dma_start3A_2126, %dma_start3A_2127] : memref<12x64x128xf32, #tpu.memory_space<vmem>> -> memref<1x64x128xf32, #tpu.memory_space<vmem>>
        %dma_start3A_2129 = tpu.memref_squeeze %dma_start3A_2128 : memref<1x64x128xf32, #tpu.memory_space<vmem>> -> memref<64x128xf32, #tpu.memory_space<vmem>>
        %dma_start3A_2130 = arith.constant 0 : i32
        %dma_start3A_2131 = tpu.memref_slice %arg3[%dma_start3A_2130, %multiple_of3A_2123] : memref<64x1000000xf32, #tpu.memory_space<hbm>> -> memref<64x128xf32, #tpu.memory_space<hbm>>
        %dma_start3A_2132 = arith.constant 0 : i32
        %dma_start3A_2133 = arith.constant 0 : i32
        %dma_start3A_2134 = tpu.memref_slice %arg7[%rem3A_2125, %dma_start3A_2132, %dma_start3A_2133] : memref<12x64x128xf32, #tpu.memory_space<vmem>> -> memref<1x64x128xf32, #tpu.memory_space<vmem>>
        %dma_start3A_2135 = tpu.memref_squeeze %dma_start3A_2134 : memref<1x64x128xf32, #tpu.memory_space<vmem>> -> memref<64x128xf32, #tpu.memory_space<vmem>>
        %dma_start3A_2136 = arith.constant 0 : i32
        %dma_start3A_2137 = tpu.memref_slice %arg3[%dma_start3A_2136, %multiple_of3A_2123] : memref<64x1000000xf32, #tpu.memory_space<hbm>> -> memref<64x128xf32, #tpu.memory_space<hbm>>
        tpu.enqueue_dma source(%dma_start3A_2137 : memref<64x128xf32, #tpu.memory_space<hbm>>) target(%dma_start3A_2135 : memref<64x128xf32, #tpu.memory_space<vmem>>) target_semaphore(%arg9 : memref<!tpu.dma_semaphore, #tpu.memory_space<semaphore_mem>>)
        %mul3A_2138 = arith.constant 4 : i32
        %mul3A_2139 = arith.muli %add3A_827, %mul3A_2138 : i32
        %add3A_2140 = arith.constant 3 : i32
        %add3A_2141 = arith.addi %mul3A_2139, %add3A_2140 : i32
        %slice3A_2142 = vector.extract_strided_slice %scan3A_388 {offsets = [15], sizes = [1], strides = [1]} : vector<16xi32> to vector<1xi32>
        %squeeze3A_2143 = vector.extract %slice3A_2142[0] : i32 from vector<1xi32>
        %shift_right_logical3A_2144 = arith.constant 7 : i32
        %shift_right_logical3A_2145 = arith.shrui %squeeze3A_2143, %shift_right_logical3A_2144 : i32
        %mul3A_2146 = arith.constant 128 : i32
        %mul3A_2147 = arith.muli %shift_right_logical3A_2145, %mul3A_2146 : i32
        %multiple_of3A_2148 = tpu.assume_multiple %mul3A_2147, 128 : i32
        %rem3A_2149 = arith.constant 12 : i32
        %rem3A_2150 = arith.remsi %add3A_2141, %rem3A_2149 : i32
        %dma_start3A_2151 = arith.constant 0 : i32
        %dma_start3A_2152 = arith.constant 0 : i32
        %dma_start3A_2153 = tpu.memref_slice %arg7[%rem3A_2150, %dma_start3A_2151, %dma_start3A_2152] : memref<12x64x128xf32, #tpu.memory_space<vmem>> -> memref<1x64x128xf32, #tpu.memory_space<vmem>>
        %dma_start3A_2154 = tpu.memref_squeeze %dma_start3A_2153 : memref<1x64x128xf32, #tpu.memory_space<vmem>> -> memref<64x128xf32, #tpu.memory_space<vmem>>
        %dma_start3A_2155 = arith.constant 0 : i32
        %dma_start3A_2156 = tpu.memref_slice %arg3[%dma_start3A_2155, %multiple_of3A_2148] : memref<64x1000000xf32, #tpu.memory_space<hbm>> -> memref<64x128xf32, #tpu.memory_space<hbm>>
        %dma_start3A_2157 = arith.constant 0 : i32
        %dma_start3A_2158 = arith.constant 0 : i32
        %dma_start3A_2159 = tpu.memref_slice %arg7[%rem3A_2150, %dma_start3A_2157, %dma_start3A_2158] : memref<12x64x128xf32, #tpu.memory_space<vmem>> -> memref<1x64x128xf32, #tpu.memory_space<vmem>>
        %dma_start3A_2160 = tpu.memref_squeeze %dma_start3A_2159 : memref<1x64x128xf32, #tpu.memory_space<vmem>> -> memref<64x128xf32, #tpu.memory_space<vmem>>
        %dma_start3A_2161 = arith.constant 0 : i32
        %dma_start3A_2162 = tpu.memref_slice %arg3[%dma_start3A_2161, %multiple_of3A_2148] : memref<64x1000000xf32, #tpu.memory_space<hbm>> -> memref<64x128xf32, #tpu.memory_space<hbm>>
        tpu.enqueue_dma source(%dma_start3A_2162 : memref<64x128xf32, #tpu.memory_space<hbm>>) target(%dma_start3A_2160 : memref<64x128xf32, #tpu.memory_space<vmem>>) target_semaphore(%arg9 : memref<!tpu.dma_semaphore, #tpu.memory_space<semaphore_mem>>)
      } else {
      }
      %mul3A_830 = arith.constant 4 : i32
      %mul3A_831 = arith.muli %scan3A_387, %mul3A_830 : i32
      %add3A_832 = arith.constant 1 : i32
      %add3A_833 = arith.addi %mul3A_831, %add3A_832 : i32
      %mul3A_834 = arith.constant 4 : i32
      %mul3A_835 = arith.muli %add3A_833, %mul3A_834 : i32
      %add3A_836 = arith.constant 0 : i32
      %add3A_837 = arith.addi %mul3A_835, %add3A_836 : i32
      %rem3A_838 = arith.constant 12 : i32
      %rem3A_839 = arith.remsi %add3A_837, %rem3A_838 : i32
      %dma_wait3A_840 = arith.constant 0 : i32
      %dma_wait3A_841 = arith.constant 0 : i32
      %dma_wait3A_842 = tpu.memref_slice %arg7[%rem3A_839, %dma_wait3A_840, %dma_wait3A_841] : memref<12x64x128xf32, #tpu.memory_space<vmem>> -> memref<1x64x128xf32, #tpu.memory_space<vmem>>
      %dma_wait3A_843 = tpu.memref_squeeze %dma_wait3A_842 : memref<1x64x128xf32, #tpu.memory_space<vmem>> -> memref<64x128xf32, #tpu.memory_space<vmem>>
      %dma_wait3A_844 = arith.constant 0 : i32
      %dma_wait3A_845 = arith.constant 0 : i32
      %dma_wait3A_846 = tpu.memref_slice %arg3[%dma_wait3A_844, %dma_wait3A_845] : memref<64x1000000xf32, #tpu.memory_space<hbm>> -> memref<64x128xf32, #tpu.memory_space<hbm>>
      %dma_wait3A_847 = arith.constant 0 : i32
      %dma_wait3A_848 = arith.constant 0 : i32
      %dma_wait3A_849 = tpu.memref_slice %arg7[%rem3A_839, %dma_wait3A_847, %dma_wait3A_848] : memref<12x64x128xf32, #tpu.memory_space<vmem>> -> memref<1x64x128xf32, #tpu.memory_space<vmem>>
      %dma_wait3A_850 = tpu.memref_squeeze %dma_wait3A_849 : memref<1x64x128xf32, #tpu.memory_space<vmem>> -> memref<64x128xf32, #tpu.memory_space<vmem>>
      %dma_wait3A_851 = arith.constant 0 : i32
      %dma_wait3A_852 = arith.constant 0 : i32
      %dma_wait3A_853 = tpu.memref_slice %arg3[%dma_wait3A_851, %dma_wait3A_852] : memref<64x1000000xf32, #tpu.memory_space<hbm>> -> memref<64x128xf32, #tpu.memory_space<hbm>>
      tpu.wait_dma2 semaphore(%arg9 : memref<!tpu.dma_semaphore, #tpu.memory_space<semaphore_mem>>) src(%dma_wait3A_853 : memref<64x128xf32, #tpu.memory_space<hbm>>) dst(%dma_wait3A_850 : memref<64x128xf32, #tpu.memory_space<vmem>>)
      %slice3A_854 = vector.extract_strided_slice %scan3A_388 {offsets = [4], sizes = [1], strides = [1]} : vector<16xi32> to vector<1xi32>
      %squeeze3A_855 = vector.extract %slice3A_854[0] : i32 from vector<1xi32>
      %and3A_856 = arith.constant 127 : i32
      %and3A_857 = arith.andi %squeeze3A_855, %and3A_856 : i32
      %broadcast_in_dim3A_858 = vector.broadcast %and3A_857 : i32 to vector<16xi32>
      %rem3A_859 = arith.constant 128 : i32
      %rem3A_860 = arith.remsi %add3A_837, %rem3A_859 : i32
      %broadcast_in_dim3A_861 = vector.broadcast %rem3A_860 : i32 to vector<16xi32>
      %jit3A_862 = arith.constant 128 : i32
      %div3A_863 = arith.divsi %add3A_837, %jit3A_862 : i32
      %sign3A_864 = arith.constant 0 : i32
      %sign3A_865 = arith.cmpi sgt, %add3A_837, %sign3A_864 : i32
      %sign3A_866 = arith.extui %sign3A_865 : i1 to i32
      %sign3A_867 = arith.constant 0 : i32
      %sign3A_868 = arith.cmpi slt, %add3A_837, %sign3A_867 : i32
      %sign3A_869 = arith.extui %sign3A_868 : i1 to i32
      %sign3A_870 = arith.subi %sign3A_866, %sign3A_869 : i32
      %sign3A_871 = arith.constant 0 : i32
      %sign3A_872 = arith.cmpi sgt, %jit3A_862, %sign3A_871 : i32
      %sign3A_873 = arith.extui %sign3A_872 : i1 to i32
      %sign3A_874 = arith.constant 0 : i32
      %sign3A_875 = arith.cmpi slt, %jit3A_862, %sign3A_874 : i32
      %sign3A_876 = arith.extui %sign3A_875 : i1 to i32
      %sign3A_877 = arith.subi %sign3A_873, %sign3A_876 : i32
      %ne3A_878 = arith.cmpi ne, %sign3A_870, %sign3A_877 : i32
      %rem3A_879 = arith.remsi %add3A_837, %jit3A_862 : i32
      %ne3A_880 = arith.constant 0 : i32
      %ne3A_881 = arith.cmpi ne, %rem3A_879, %ne3A_880 : i32
      %and3A_882 = arith.andi %ne3A_878, %ne3A_881 : i1
      %sub3A_883 = arith.constant 1 : i32
      %sub3A_884 = arith.subi %div3A_863, %sub3A_883 : i32
      %select_n3A_885 = arith.select %and3A_882, %sub3A_884, %div3A_863 : i32
      %add3A_886 = arith.constant 0 : i32
      %add3A_887 = vector.broadcast %add3A_886 : i32 to vector<16xi32>
      %add3A_888 = arith.addi %iota3A, %add3A_887 : vector<16xi32>
      %gather3A_889 = arith.constant 0 : i32
      %gather3A_890 = arith.constant 0 : i32
      %gather3A_891 = tpu.memref_slice %arg7[%rem3A_839, %gather3A_889, %gather3A_890] : memref<12x64x128xf32, #tpu.memory_space<vmem>> -> memref<1x64x128xf32, #tpu.memory_space<vmem>>
      %gather3A_892 = tpu.memref_squeeze %gather3A_891 : memref<1x64x128xf32, #tpu.memory_space<vmem>> -> memref<64x128xf32, #tpu.memory_space<vmem>>
      %gather3A_893 = tpu.vector_load_idx %gather3A_892[%add3A_888, %broadcast_in_dim3A_858] : memref<64x128xf32, #tpu.memory_space<vmem>>[vector<16xi32>, vector<16xi32>], vector<16xf32>,
      %scatter3A_894 = arith.constant 0 : i32
      %scatter3A_895 = arith.constant 0 : i32
      %scatter3A_896 = tpu.memref_slice %arg8[%select_n3A_885, %scatter3A_894, %scatter3A_895] : memref<2x64x128xf32, #tpu.memory_space<vmem>> -> memref<1x64x128xf32, #tpu.memory_space<vmem>>
      %scatter3A_897 = tpu.memref_squeeze %scatter3A_896 : memref<1x64x128xf32, #tpu.memory_space<vmem>> -> memref<64x128xf32, #tpu.memory_space<vmem>>
      tpu.vector_store_idx %scatter3A_897[%add3A_888, %broadcast_in_dim3A_861], %gather3A_893 {add = true} : memref<64x128xf32, #tpu.memory_space<vmem>>[vector<16xi32>, vector<16xi32>], vector<16xf32>,
      %add3A_898 = arith.constant 16 : i32
      %add3A_899 = vector.broadcast %add3A_898 : i32 to vector<16xi32>
      %add3A_900 = arith.addi %iota3A, %add3A_899 : vector<16xi32>
      %gather3A_901 = arith.constant 0 : i32
      %gather3A_902 = arith.constant 0 : i32
      %gather3A_903 = tpu.memref_slice %arg7[%rem3A_839, %gather3A_901, %gather3A_902] : memref<12x64x128xf32, #tpu.memory_space<vmem>> -> memref<1x64x128xf32, #tpu.memory_space<vmem>>
      %gather3A_904 = tpu.memref_squeeze %gather3A_903 : memref<1x64x128xf32, #tpu.memory_space<vmem>> -> memref<64x128xf32, #tpu.memory_space<vmem>>
      %gather3A_905 = tpu.vector_load_idx %gather3A_904[%add3A_900, %broadcast_in_dim3A_858] : memref<64x128xf32, #tpu.memory_space<vmem>>[vector<16xi32>, vector<16xi32>], vector<16xf32>,
      %scatter3A_906 = arith.constant 0 : i32
      %scatter3A_907 = arith.constant 0 : i32
      %scatter3A_908 = tpu.memref_slice %arg8[%select_n3A_885, %scatter3A_906, %scatter3A_907] : memref<2x64x128xf32, #tpu.memory_space<vmem>> -> memref<1x64x128xf32, #tpu.memory_space<vmem>>
      %scatter3A_909 = tpu.memref_squeeze %scatter3A_908 : memref<1x64x128xf32, #tpu.memory_space<vmem>> -> memref<64x128xf32, #tpu.memory_space<vmem>>
      tpu.vector_store_idx %scatter3A_909[%add3A_900, %broadcast_in_dim3A_861], %gather3A_905 {add = true} : memref<64x128xf32, #tpu.memory_space<vmem>>[vector<16xi32>, vector<16xi32>], vector<16xf32>,
      %add3A_910 = arith.constant 32 : i32
      %add3A_911 = vector.broadcast %add3A_910 : i32 to vector<16xi32>
      %add3A_912 = arith.addi %iota3A, %add3A_911 : vector<16xi32>
      %gather3A_913 = arith.constant 0 : i32
      %gather3A_914 = arith.constant 0 : i32
      %gather3A_915 = tpu.memref_slice %arg7[%rem3A_839, %gather3A_913, %gather3A_914] : memref<12x64x128xf32, #tpu.memory_space<vmem>> -> memref<1x64x128xf32, #tpu.memory_space<vmem>>
      %gather3A_916 = tpu.memref_squeeze %gather3A_915 : memref<1x64x128xf32, #tpu.memory_space<vmem>> -> memref<64x128xf32, #tpu.memory_space<vmem>>
      %gather3A_917 = tpu.vector_load_idx %gather3A_916[%add3A_912, %broadcast_in_dim3A_858] : memref<64x128xf32, #tpu.memory_space<vmem>>[vector<16xi32>, vector<16xi32>], vector<16xf32>,
      %scatter3A_918 = arith.constant 0 : i32
      %scatter3A_919 = arith.constant 0 : i32
      %scatter3A_920 = tpu.memref_slice %arg8[%select_n3A_885, %scatter3A_918, %scatter3A_919] : memref<2x64x128xf32, #tpu.memory_space<vmem>> -> memref<1x64x128xf32, #tpu.memory_space<vmem>>
      %scatter3A_921 = tpu.memref_squeeze %scatter3A_920 : memref<1x64x128xf32, #tpu.memory_space<vmem>> -> memref<64x128xf32, #tpu.memory_space<vmem>>
      tpu.vector_store_idx %scatter3A_921[%add3A_912, %broadcast_in_dim3A_861], %gather3A_917 {add = true} : memref<64x128xf32, #tpu.memory_space<vmem>>[vector<16xi32>, vector<16xi32>], vector<16xf32>,
      %add3A_922 = arith.constant 48 : i32
      %add3A_923 = vector.broadcast %add3A_922 : i32 to vector<16xi32>
      %add3A_924 = arith.addi %iota3A, %add3A_923 : vector<16xi32>
      %gather3A_925 = arith.constant 0 : i32
      %gather3A_926 = arith.constant 0 : i32
      %gather3A_927 = tpu.memref_slice %arg7[%rem3A_839, %gather3A_925, %gather3A_926] : memref<12x64x128xf32, #tpu.memory_space<vmem>> -> memref<1x64x128xf32, #tpu.memory_space<vmem>>
      %gather3A_928 = tpu.memref_squeeze %gather3A_927 : memref<1x64x128xf32, #tpu.memory_space<vmem>> -> memref<64x128xf32, #tpu.memory_space<vmem>>
      %gather3A_929 = tpu.vector_load_idx %gather3A_928[%add3A_924, %broadcast_in_dim3A_858] : memref<64x128xf32, #tpu.memory_space<vmem>>[vector<16xi32>, vector<16xi32>], vector<16xf32>,
      %scatter3A_930 = arith.constant 0 : i32
      %scatter3A_931 = arith.constant 0 : i32
      %scatter3A_932 = tpu.memref_slice %arg8[%select_n3A_885, %scatter3A_930, %scatter3A_931] : memref<2x64x128xf32, #tpu.memory_space<vmem>> -> memref<1x64x128xf32, #tpu.memory_space<vmem>>
      %scatter3A_933 = tpu.memref_squeeze %scatter3A_932 : memref<1x64x128xf32, #tpu.memory_space<vmem>> -> memref<64x128xf32, #tpu.memory_space<vmem>>
      tpu.vector_store_idx %scatter3A_933[%add3A_924, %broadcast_in_dim3A_861], %gather3A_929 {add = true} : memref<64x128xf32, #tpu.memory_space<vmem>>[vector<16xi32>, vector<16xi32>], vector<16xf32>,
      %mul3A_934 = arith.constant 4 : i32
      %mul3A_935 = arith.muli %add3A_833, %mul3A_934 : i32
      %add3A_936 = arith.constant 1 : i32
      %add3A_937 = arith.addi %mul3A_935, %add3A_936 : i32
      %rem3A_938 = arith.constant 12 : i32
      %rem3A_939 = arith.remsi %add3A_937, %rem3A_938 : i32
      %dma_wait3A_940 = arith.constant 0 : i32
      %dma_wait3A_941 = arith.constant 0 : i32
      %dma_wait3A_942 = tpu.memref_slice %arg7[%rem3A_939, %dma_wait3A_940, %dma_wait3A_941] : memref<12x64x128xf32, #tpu.memory_space<vmem>> -> memref<1x64x128xf32, #tpu.memory_space<vmem>>
      %dma_wait3A_943 = tpu.memref_squeeze %dma_wait3A_942 : memref<1x64x128xf32, #tpu.memory_space<vmem>> -> memref<64x128xf32, #tpu.memory_space<vmem>>
      %dma_wait3A_944 = arith.constant 0 : i32
      %dma_wait3A_945 = arith.constant 0 : i32
      %dma_wait3A_946 = tpu.memref_slice %arg3[%dma_wait3A_944, %dma_wait3A_945] : memref<64x1000000xf32, #tpu.memory_space<hbm>> -> memref<64x128xf32, #tpu.memory_space<hbm>>
      %dma_wait3A_947 = arith.constant 0 : i32
      %dma_wait3A_948 = arith.constant 0 : i32
      %dma_wait3A_949 = tpu.memref_slice %arg7[%rem3A_939, %dma_wait3A_947, %dma_wait3A_948] : memref<12x64x128xf32, #tpu.memory_space<vmem>> -> memref<1x64x128xf32, #tpu.memory_space<vmem>>
      %dma_wait3A_950 = tpu.memref_squeeze %dma_wait3A_949 : memref<1x64x128xf32, #tpu.memory_space<vmem>> -> memref<64x128xf32, #tpu.memory_space<vmem>>
      %dma_wait3A_951 = arith.constant 0 : i32
      %dma_wait3A_952 = arith.constant 0 : i32
      %dma_wait3A_953 = tpu.memref_slice %arg3[%dma_wait3A_951, %dma_wait3A_952] : memref<64x1000000xf32, #tpu.memory_space<hbm>> -> memref<64x128xf32, #tpu.memory_space<hbm>>
      tpu.wait_dma2 semaphore(%arg9 : memref<!tpu.dma_semaphore, #tpu.memory_space<semaphore_mem>>) src(%dma_wait3A_953 : memref<64x128xf32, #tpu.memory_space<hbm>>) dst(%dma_wait3A_950 : memref<64x128xf32, #tpu.memory_space<vmem>>)
      %slice3A_954 = vector.extract_strided_slice %scan3A_388 {offsets = [5], sizes = [1], strides = [1]} : vector<16xi32> to vector<1xi32>
      %squeeze3A_955 = vector.extract %slice3A_954[0] : i32 from vector<1xi32>
      %and3A_956 = arith.constant 127 : i32
      %and3A_957 = arith.andi %squeeze3A_955, %and3A_956 : i32
      %broadcast_in_dim3A_958 = vector.broadcast %and3A_957 : i32 to vector<16xi32>
      %rem3A_959 = arith.constant 128 : i32
      %rem3A_960 = arith.remsi %add3A_937, %rem3A_959 : i32
      %broadcast_in_dim3A_961 = vector.broadcast %rem3A_960 : i32 to vector<16xi32>
      %jit3A_962 = arith.constant 128 : i32
      %div3A_963 = arith.divsi %add3A_937, %jit3A_962 : i32
      %sign3A_964 = arith.constant 0 : i32
      %sign3A_965 = arith.cmpi sgt, %add3A_937, %sign3A_964 : i32
      %sign3A_966 = arith.extui %sign3A_965 : i1 to i32
      %sign3A_967 = arith.constant 0 : i32
      %sign3A_968 = arith.cmpi slt, %add3A_937, %sign3A_967 : i32
      %sign3A_969 = arith.extui %sign3A_968 : i1 to i32
      %sign3A_970 = arith.subi %sign3A_966, %sign3A_969 : i32
      %sign3A_971 = arith.constant 0 : i32
      %sign3A_972 = arith.cmpi sgt, %jit3A_962, %sign3A_971 : i32
      %sign3A_973 = arith.extui %sign3A_972 : i1 to i32
      %sign3A_974 = arith.constant 0 : i32
      %sign3A_975 = arith.cmpi slt, %jit3A_962, %sign3A_974 : i32
      %sign3A_976 = arith.extui %sign3A_975 : i1 to i32
      %sign3A_977 = arith.subi %sign3A_973, %sign3A_976 : i32
      %ne3A_978 = arith.cmpi ne, %sign3A_970, %sign3A_977 : i32
      %rem3A_979 = arith.remsi %add3A_937, %jit3A_962 : i32
      %ne3A_980 = arith.constant 0 : i32
      %ne3A_981 = arith.cmpi ne, %rem3A_979, %ne3A_980 : i32
      %and3A_982 = arith.andi %ne3A_978, %ne3A_981 : i1
      %sub3A_983 = arith.constant 1 : i32
      %sub3A_984 = arith.subi %div3A_963, %sub3A_983 : i32
      %select_n3A_985 = arith.select %and3A_982, %sub3A_984, %div3A_963 : i32
      %add3A_986 = arith.constant 0 : i32
      %add3A_987 = vector.broadcast %add3A_986 : i32 to vector<16xi32>
      %add3A_988 = arith.addi %iota3A, %add3A_987 : vector<16xi32>
      %gather3A_989 = arith.constant 0 : i32
      %gather3A_990 = arith.constant 0 : i32
      %gather3A_991 = tpu.memref_slice %arg7[%rem3A_939, %gather3A_989, %gather3A_990] : memref<12x64x128xf32, #tpu.memory_space<vmem>> -> memref<1x64x128xf32, #tpu.memory_space<vmem>>
      %gather3A_992 = tpu.memref_squeeze %gather3A_991 : memref<1x64x128xf32, #tpu.memory_space<vmem>> -> memref<64x128xf32, #tpu.memory_space<vmem>>
      %gather3A_993 = tpu.vector_load_idx %gather3A_992[%add3A_988, %broadcast_in_dim3A_958] : memref<64x128xf32, #tpu.memory_space<vmem>>[vector<16xi32>, vector<16xi32>], vector<16xf32>,
      %scatter3A_994 = arith.constant 0 : i32
      %scatter3A_995 = arith.constant 0 : i32
      %scatter3A_996 = tpu.memref_slice %arg8[%select_n3A_985, %scatter3A_994, %scatter3A_995] : memref<2x64x128xf32, #tpu.memory_space<vmem>> -> memref<1x64x128xf32, #tpu.memory_space<vmem>>
      %scatter3A_997 = tpu.memref_squeeze %scatter3A_996 : memref<1x64x128xf32, #tpu.memory_space<vmem>> -> memref<64x128xf32, #tpu.memory_space<vmem>>
      tpu.vector_store_idx %scatter3A_997[%add3A_988, %broadcast_in_dim3A_961], %gather3A_993 {add = true} : memref<64x128xf32, #tpu.memory_space<vmem>>[vector<16xi32>, vector<16xi32>], vector<16xf32>,
      %add3A_998 = arith.constant 16 : i32
      %add3A_999 = vector.broadcast %add3A_998 : i32 to vector<16xi32>
      %add3A_1000 = arith.addi %iota3A, %add3A_999 : vector<16xi32>
      %gather3A_1001 = arith.constant 0 : i32
      %gather3A_1002 = arith.constant 0 : i32
      %gather3A_1003 = tpu.memref_slice %arg7[%rem3A_939, %gather3A_1001, %gather3A_1002] : memref<12x64x128xf32, #tpu.memory_space<vmem>> -> memref<1x64x128xf32, #tpu.memory_space<vmem>>
      %gather3A_1004 = tpu.memref_squeeze %gather3A_1003 : memref<1x64x128xf32, #tpu.memory_space<vmem>> -> memref<64x128xf32, #tpu.memory_space<vmem>>
      %gather3A_1005 = tpu.vector_load_idx %gather3A_1004[%add3A_1000, %broadcast_in_dim3A_958] : memref<64x128xf32, #tpu.memory_space<vmem>>[vector<16xi32>, vector<16xi32>], vector<16xf32>,
      %scatter3A_1006 = arith.constant 0 : i32
      %scatter3A_1007 = arith.constant 0 : i32
      %scatter3A_1008 = tpu.memref_slice %arg8[%select_n3A_985, %scatter3A_1006, %scatter3A_1007] : memref<2x64x128xf32, #tpu.memory_space<vmem>> -> memref<1x64x128xf32, #tpu.memory_space<vmem>>
      %scatter3A_1009 = tpu.memref_squeeze %scatter3A_1008 : memref<1x64x128xf32, #tpu.memory_space<vmem>> -> memref<64x128xf32, #tpu.memory_space<vmem>>
      tpu.vector_store_idx %scatter3A_1009[%add3A_1000, %broadcast_in_dim3A_961], %gather3A_1005 {add = true} : memref<64x128xf32, #tpu.memory_space<vmem>>[vector<16xi32>, vector<16xi32>], vector<16xf32>,
      %add3A_1010 = arith.constant 32 : i32
      %add3A_1011 = vector.broadcast %add3A_1010 : i32 to vector<16xi32>
      %add3A_1012 = arith.addi %iota3A, %add3A_1011 : vector<16xi32>
      %gather3A_1013 = arith.constant 0 : i32
      %gather3A_1014 = arith.constant 0 : i32
      %gather3A_1015 = tpu.memref_slice %arg7[%rem3A_939, %gather3A_1013, %gather3A_1014] : memref<12x64x128xf32, #tpu.memory_space<vmem>> -> memref<1x64x128xf32, #tpu.memory_space<vmem>>
      %gather3A_1016 = tpu.memref_squeeze %gather3A_1015 : memref<1x64x128xf32, #tpu.memory_space<vmem>> -> memref<64x128xf32, #tpu.memory_space<vmem>>
      %gather3A_1017 = tpu.vector_load_idx %gather3A_1016[%add3A_1012, %broadcast_in_dim3A_958] : memref<64x128xf32, #tpu.memory_space<vmem>>[vector<16xi32>, vector<16xi32>], vector<16xf32>,
      %scatter3A_1018 = arith.constant 0 : i32
      %scatter3A_1019 = arith.constant 0 : i32
      %scatter3A_1020 = tpu.memref_slice %arg8[%select_n3A_985, %scatter3A_1018, %scatter3A_1019] : memref<2x64x128xf32, #tpu.memory_space<vmem>> -> memref<1x64x128xf32, #tpu.memory_space<vmem>>
      %scatter3A_1021 = tpu.memref_squeeze %scatter3A_1020 : memref<1x64x128xf32, #tpu.memory_space<vmem>> -> memref<64x128xf32, #tpu.memory_space<vmem>>
      tpu.vector_store_idx %scatter3A_1021[%add3A_1012, %broadcast_in_dim3A_961], %gather3A_1017 {add = true} : memref<64x128xf32, #tpu.memory_space<vmem>>[vector<16xi32>, vector<16xi32>], vector<16xf32>,
      %add3A_1022 = arith.constant 48 : i32
      %add3A_1023 = vector.broadcast %add3A_1022 : i32 to vector<16xi32>
      %add3A_1024 = arith.addi %iota3A, %add3A_1023 : vector<16xi32>
      %gather3A_1025 = arith.constant 0 : i32
      %gather3A_1026 = arith.constant 0 : i32
      %gather3A_1027 = tpu.memref_slice %arg7[%rem3A_939, %gather3A_1025, %gather3A_1026] : memref<12x64x128xf32, #tpu.memory_space<vmem>> -> memref<1x64x128xf32, #tpu.memory_space<vmem>>
      %gather3A_1028 = tpu.memref_squeeze %gather3A_1027 : memref<1x64x128xf32, #tpu.memory_space<vmem>> -> memref<64x128xf32, #tpu.memory_space<vmem>>
      %gather3A_1029 = tpu.vector_load_idx %gather3A_1028[%add3A_1024, %broadcast_in_dim3A_958] : memref<64x128xf32, #tpu.memory_space<vmem>>[vector<16xi32>, vector<16xi32>], vector<16xf32>,
      %scatter3A_1030 = arith.constant 0 : i32
      %scatter3A_1031 = arith.constant 0 : i32
      %scatter3A_1032 = tpu.memref_slice %arg8[%select_n3A_985, %scatter3A_1030, %scatter3A_1031] : memref<2x64x128xf32, #tpu.memory_space<vmem>> -> memref<1x64x128xf32, #tpu.memory_space<vmem>>
      %scatter3A_1033 = tpu.memref_squeeze %scatter3A_1032 : memref<1x64x128xf32, #tpu.memory_space<vmem>> -> memref<64x128xf32, #tpu.memory_space<vmem>>
      tpu.vector_store_idx %scatter3A_1033[%add3A_1024, %broadcast_in_dim3A_961], %gather3A_1029 {add = true} : memref<64x128xf32, #tpu.memory_space<vmem>>[vector<16xi32>, vector<16xi32>], vector<16xf32>,
      %mul3A_1034 = arith.constant 4 : i32
      %mul3A_1035 = arith.muli %add3A_833, %mul3A_1034 : i32
      %add3A_1036 = arith.constant 2 : i32
      %add3A_1037 = arith.addi %mul3A_1035, %add3A_1036 : i32
      %rem3A_1038 = arith.constant 12 : i32
      %rem3A_1039 = arith.remsi %add3A_1037, %rem3A_1038 : i32
      %dma_wait3A_1040 = arith.constant 0 : i32
      %dma_wait3A_1041 = arith.constant 0 : i32
      %dma_wait3A_1042 = tpu.memref_slice %arg7[%rem3A_1039, %dma_wait3A_1040, %dma_wait3A_1041] : memref<12x64x128xf32, #tpu.memory_space<vmem>> -> memref<1x64x128xf32, #tpu.memory_space<vmem>>
      %dma_wait3A_1043 = tpu.memref_squeeze %dma_wait3A_1042 : memref<1x64x128xf32, #tpu.memory_space<vmem>> -> memref<64x128xf32, #tpu.memory_space<vmem>>
      %dma_wait3A_1044 = arith.constant 0 : i32
      %dma_wait3A_1045 = arith.constant 0 : i32
      %dma_wait3A_1046 = tpu.memref_slice %arg3[%dma_wait3A_1044, %dma_wait3A_1045] : memref<64x1000000xf32, #tpu.memory_space<hbm>> -> memref<64x128xf32, #tpu.memory_space<hbm>>
      %dma_wait3A_1047 = arith.constant 0 : i32
      %dma_wait3A_1048 = arith.constant 0 : i32
      %dma_wait3A_1049 = tpu.memref_slice %arg7[%rem3A_1039, %dma_wait3A_1047, %dma_wait3A_1048] : memref<12x64x128xf32, #tpu.memory_space<vmem>> -> memref<1x64x128xf32, #tpu.memory_space<vmem>>
      %dma_wait3A_1050 = tpu.memref_squeeze %dma_wait3A_1049 : memref<1x64x128xf32, #tpu.memory_space<vmem>> -> memref<64x128xf32, #tpu.memory_space<vmem>>
      %dma_wait3A_1051 = arith.constant 0 : i32
      %dma_wait3A_1052 = arith.constant 0 : i32
      %dma_wait3A_1053 = tpu.memref_slice %arg3[%dma_wait3A_1051, %dma_wait3A_1052] : memref<64x1000000xf32, #tpu.memory_space<hbm>> -> memref<64x128xf32, #tpu.memory_space<hbm>>
      tpu.wait_dma2 semaphore(%arg9 : memref<!tpu.dma_semaphore, #tpu.memory_space<semaphore_mem>>) src(%dma_wait3A_1053 : memref<64x128xf32, #tpu.memory_space<hbm>>) dst(%dma_wait3A_1050 : memref<64x128xf32, #tpu.memory_space<vmem>>)
      %slice3A_1054 = vector.extract_strided_slice %scan3A_388 {offsets = [6], sizes = [1], strides = [1]} : vector<16xi32> to vector<1xi32>
      %squeeze3A_1055 = vector.extract %slice3A_1054[0] : i32 from vector<1xi32>
      %and3A_1056 = arith.constant 127 : i32
      %and3A_1057 = arith.andi %squeeze3A_1055, %and3A_1056 : i32
      %broadcast_in_dim3A_1058 = vector.broadcast %and3A_1057 : i32 to vector<16xi32>
      %rem3A_1059 = arith.constant 128 : i32
      %rem3A_1060 = arith.remsi %add3A_1037, %rem3A_1059 : i32
      %broadcast_in_dim3A_1061 = vector.broadcast %rem3A_1060 : i32 to vector<16xi32>
      %jit3A_1062 = arith.constant 128 : i32
      %div3A_1063 = arith.divsi %add3A_1037, %jit3A_1062 : i32
      %sign3A_1064 = arith.constant 0 : i32
      %sign3A_1065 = arith.cmpi sgt, %add3A_1037, %sign3A_1064 : i32
      %sign3A_1066 = arith.extui %sign3A_1065 : i1 to i32
      %sign3A_1067 = arith.constant 0 : i32
      %sign3A_1068 = arith.cmpi slt, %add3A_1037, %sign3A_1067 : i32
      %sign3A_1069 = arith.extui %sign3A_1068 : i1 to i32
      %sign3A_1070 = arith.subi %sign3A_1066, %sign3A_1069 : i32
      %sign3A_1071 = arith.constant 0 : i32
      %sign3A_1072 = arith.cmpi sgt, %jit3A_1062, %sign3A_1071 : i32
      %sign3A_1073 = arith.extui %sign3A_1072 : i1 to i32
      %sign3A_1074 = arith.constant 0 : i32
      %sign3A_1075 = arith.cmpi slt, %jit3A_1062, %sign3A_1074 : i32
      %sign3A_1076 = arith.extui %sign3A_1075 : i1 to i32
      %sign3A_1077 = arith.subi %sign3A_1073, %sign3A_1076 : i32
      %ne3A_1078 = arith.cmpi ne, %sign3A_1070, %sign3A_1077 : i32
      %rem3A_1079 = arith.remsi %add3A_1037, %jit3A_1062 : i32
      %ne3A_1080 = arith.constant 0 : i32
      %ne3A_1081 = arith.cmpi ne, %rem3A_1079, %ne3A_1080 : i32
      %and3A_1082 = arith.andi %ne3A_1078, %ne3A_1081 : i1
      %sub3A_1083 = arith.constant 1 : i32
      %sub3A_1084 = arith.subi %div3A_1063, %sub3A_1083 : i32
      %select_n3A_1085 = arith.select %and3A_1082, %sub3A_1084, %div3A_1063 : i32
      %add3A_1086 = arith.constant 0 : i32
      %add3A_1087 = vector.broadcast %add3A_1086 : i32 to vector<16xi32>
      %add3A_1088 = arith.addi %iota3A, %add3A_1087 : vector<16xi32>
      %gather3A_1089 = arith.constant 0 : i32
      %gather3A_1090 = arith.constant 0 : i32
      %gather3A_1091 = tpu.memref_slice %arg7[%rem3A_1039, %gather3A_1089, %gather3A_1090] : memref<12x64x128xf32, #tpu.memory_space<vmem>> -> memref<1x64x128xf32, #tpu.memory_space<vmem>>
      %gather3A_1092 = tpu.memref_squeeze %gather3A_1091 : memref<1x64x128xf32, #tpu.memory_space<vmem>> -> memref<64x128xf32, #tpu.memory_space<vmem>>
      %gather3A_1093 = tpu.vector_load_idx %gather3A_1092[%add3A_1088, %broadcast_in_dim3A_1058] : memref<64x128xf32, #tpu.memory_space<vmem>>[vector<16xi32>, vector<16xi32>], vector<16xf32>,
      %scatter3A_1094 = arith.constant 0 : i32
      %scatter3A_1095 = arith.constant 0 : i32
      %scatter3A_1096 = tpu.memref_slice %arg8[%select_n3A_1085, %scatter3A_1094, %scatter3A_1095] : memref<2x64x128xf32, #tpu.memory_space<vmem>> -> memref<1x64x128xf32, #tpu.memory_space<vmem>>
      %scatter3A_1097 = tpu.memref_squeeze %scatter3A_1096 : memref<1x64x128xf32, #tpu.memory_space<vmem>> -> memref<64x128xf32, #tpu.memory_space<vmem>>
      tpu.vector_store_idx %scatter3A_1097[%add3A_1088, %broadcast_in_dim3A_1061], %gather3A_1093 {add = true} : memref<64x128xf32, #tpu.memory_space<vmem>>[vector<16xi32>, vector<16xi32>], vector<16xf32>,
      %add3A_1098 = arith.constant 16 : i32
      %add3A_1099 = vector.broadcast %add3A_1098 : i32 to vector<16xi32>
      %add3A_1100 = arith.addi %iota3A, %add3A_1099 : vector<16xi32>
      %gather3A_1101 = arith.constant 0 : i32
      %gather3A_1102 = arith.constant 0 : i32
      %gather3A_1103 = tpu.memref_slice %arg7[%rem3A_1039, %gather3A_1101, %gather3A_1102] : memref<12x64x128xf32, #tpu.memory_space<vmem>> -> memref<1x64x128xf32, #tpu.memory_space<vmem>>
      %gather3A_1104 = tpu.memref_squeeze %gather3A_1103 : memref<1x64x128xf32, #tpu.memory_space<vmem>> -> memref<64x128xf32, #tpu.memory_space<vmem>>
      %gather3A_1105 = tpu.vector_load_idx %gather3A_1104[%add3A_1100, %broadcast_in_dim3A_1058] : memref<64x128xf32, #tpu.memory_space<vmem>>[vector<16xi32>, vector<16xi32>], vector<16xf32>,
      %scatter3A_1106 = arith.constant 0 : i32
      %scatter3A_1107 = arith.constant 0 : i32
      %scatter3A_1108 = tpu.memref_slice %arg8[%select_n3A_1085, %scatter3A_1106, %scatter3A_1107] : memref<2x64x128xf32, #tpu.memory_space<vmem>> -> memref<1x64x128xf32, #tpu.memory_space<vmem>>
      %scatter3A_1109 = tpu.memref_squeeze %scatter3A_1108 : memref<1x64x128xf32, #tpu.memory_space<vmem>> -> memref<64x128xf32, #tpu.memory_space<vmem>>
      tpu.vector_store_idx %scatter3A_1109[%add3A_1100, %broadcast_in_dim3A_1061], %gather3A_1105 {add = true} : memref<64x128xf32, #tpu.memory_space<vmem>>[vector<16xi32>, vector<16xi32>], vector<16xf32>,
      %add3A_1110 = arith.constant 32 : i32
      %add3A_1111 = vector.broadcast %add3A_1110 : i32 to vector<16xi32>
      %add3A_1112 = arith.addi %iota3A, %add3A_1111 : vector<16xi32>
      %gather3A_1113 = arith.constant 0 : i32
      %gather3A_1114 = arith.constant 0 : i32
      %gather3A_1115 = tpu.memref_slice %arg7[%rem3A_1039, %gather3A_1113, %gather3A_1114] : memref<12x64x128xf32, #tpu.memory_space<vmem>> -> memref<1x64x128xf32, #tpu.memory_space<vmem>>
      %gather3A_1116 = tpu.memref_squeeze %gather3A_1115 : memref<1x64x128xf32, #tpu.memory_space<vmem>> -> memref<64x128xf32, #tpu.memory_space<vmem>>
      %gather3A_1117 = tpu.vector_load_idx %gather3A_1116[%add3A_1112, %broadcast_in_dim3A_1058] : memref<64x128xf32, #tpu.memory_space<vmem>>[vector<16xi32>, vector<16xi32>], vector<16xf32>,
      %scatter3A_1118 = arith.constant 0 : i32
      %scatter3A_1119 = arith.constant 0 : i32
      %scatter3A_1120 = tpu.memref_slice %arg8[%select_n3A_1085, %scatter3A_1118, %scatter3A_1119] : memref<2x64x128xf32, #tpu.memory_space<vmem>> -> memref<1x64x128xf32, #tpu.memory_space<vmem>>
      %scatter3A_1121 = tpu.memref_squeeze %scatter3A_1120 : memref<1x64x128xf32, #tpu.memory_space<vmem>> -> memref<64x128xf32, #tpu.memory_space<vmem>>
      tpu.vector_store_idx %scatter3A_1121[%add3A_1112, %broadcast_in_dim3A_1061], %gather3A_1117 {add = true} : memref<64x128xf32, #tpu.memory_space<vmem>>[vector<16xi32>, vector<16xi32>], vector<16xf32>,
      %add3A_1122 = arith.constant 48 : i32
      %add3A_1123 = vector.broadcast %add3A_1122 : i32 to vector<16xi32>
      %add3A_1124 = arith.addi %iota3A, %add3A_1123 : vector<16xi32>
      %gather3A_1125 = arith.constant 0 : i32
      %gather3A_1126 = arith.constant 0 : i32
      %gather3A_1127 = tpu.memref_slice %arg7[%rem3A_1039, %gather3A_1125, %gather3A_1126] : memref<12x64x128xf32, #tpu.memory_space<vmem>> -> memref<1x64x128xf32, #tpu.memory_space<vmem>>
      %gather3A_1128 = tpu.memref_squeeze %gather3A_1127 : memref<1x64x128xf32, #tpu.memory_space<vmem>> -> memref<64x128xf32, #tpu.memory_space<vmem>>
      %gather3A_1129 = tpu.vector_load_idx %gather3A_1128[%add3A_1124, %broadcast_in_dim3A_1058] : memref<64x128xf32, #tpu.memory_space<vmem>>[vector<16xi32>, vector<16xi32>], vector<16xf32>,
      %scatter3A_1130 = arith.constant 0 : i32
      %scatter3A_1131 = arith.constant 0 : i32
      %scatter3A_1132 = tpu.memref_slice %arg8[%select_n3A_1085, %scatter3A_1130, %scatter3A_1131] : memref<2x64x128xf32, #tpu.memory_space<vmem>> -> memref<1x64x128xf32, #tpu.memory_space<vmem>>
      %scatter3A_1133 = tpu.memref_squeeze %scatter3A_1132 : memref<1x64x128xf32, #tpu.memory_space<vmem>> -> memref<64x128xf32, #tpu.memory_space<vmem>>
      tpu.vector_store_idx %scatter3A_1133[%add3A_1124, %broadcast_in_dim3A_1061], %gather3A_1129 {add = true} : memref<64x128xf32, #tpu.memory_space<vmem>>[vector<16xi32>, vector<16xi32>], vector<16xf32>,
      %mul3A_1134 = arith.constant 4 : i32
      %mul3A_1135 = arith.muli %add3A_833, %mul3A_1134 : i32
      %add3A_1136 = arith.constant 3 : i32
      %add3A_1137 = arith.addi %mul3A_1135, %add3A_1136 : i32
      %rem3A_1138 = arith.constant 12 : i32
      %rem3A_1139 = arith.remsi %add3A_1137, %rem3A_1138 : i32
      %dma_wait3A_1140 = arith.constant 0 : i32
      %dma_wait3A_1141 = arith.constant 0 : i32
      %dma_wait3A_1142 = tpu.memref_slice %arg7[%rem3A_1139, %dma_wait3A_1140, %dma_wait3A_1141] : memref<12x64x128xf32, #tpu.memory_space<vmem>> -> memref<1x64x128xf32, #tpu.memory_space<vmem>>
      %dma_wait3A_1143 = tpu.memref_squeeze %dma_wait3A_1142 : memref<1x64x128xf32, #tpu.memory_space<vmem>> -> memref<64x128xf32, #tpu.memory_space<vmem>>
      %dma_wait3A_1144 = arith.constant 0 : i32
      %dma_wait3A_1145 = arith.constant 0 : i32
      %dma_wait3A_1146 = tpu.memref_slice %arg3[%dma_wait3A_1144, %dma_wait3A_1145] : memref<64x1000000xf32, #tpu.memory_space<hbm>> -> memref<64x128xf32, #tpu.memory_space<hbm>>
      %dma_wait3A_1147 = arith.constant 0 : i32
      %dma_wait3A_1148 = arith.constant 0 : i32
      %dma_wait3A_1149 = tpu.memref_slice %arg7[%rem3A_1139, %dma_wait3A_1147, %dma_wait3A_1148] : memref<12x64x128xf32, #tpu.memory_space<vmem>> -> memref<1x64x128xf32, #tpu.memory_space<vmem>>
      %dma_wait3A_1150 = tpu.memref_squeeze %dma_wait3A_1149 : memref<1x64x128xf32, #tpu.memory_space<vmem>> -> memref<64x128xf32, #tpu.memory_space<vmem>>
      %dma_wait3A_1151 = arith.constant 0 : i32
      %dma_wait3A_1152 = arith.constant 0 : i32
      %dma_wait3A_1153 = tpu.memref_slice %arg3[%dma_wait3A_1151, %dma_wait3A_1152] : memref<64x1000000xf32, #tpu.memory_space<hbm>> -> memref<64x128xf32, #tpu.memory_space<hbm>>
      tpu.wait_dma2 semaphore(%arg9 : memref<!tpu.dma_semaphore, #tpu.memory_space<semaphore_mem>>) src(%dma_wait3A_1153 : memref<64x128xf32, #tpu.memory_space<hbm>>) dst(%dma_wait3A_1150 : memref<64x128xf32, #tpu.memory_space<vmem>>)
      %slice3A_1154 = vector.extract_strided_slice %scan3A_388 {offsets = [7], sizes = [1], strides = [1]} : vector<16xi32> to vector<1xi32>
      %squeeze3A_1155 = vector.extract %slice3A_1154[0] : i32 from vector<1xi32>
      %and3A_1156 = arith.constant 127 : i32
      %and3A_1157 = arith.andi %squeeze3A_1155, %and3A_1156 : i32
      %broadcast_in_dim3A_1158 = vector.broadcast %and3A_1157 : i32 to vector<16xi32>
      %rem3A_1159 = arith.constant 128 : i32
      %rem3A_1160 = arith.remsi %add3A_1137, %rem3A_1159 : i32
      %broadcast_in_dim3A_1161 = vector.broadcast %rem3A_1160 : i32 to vector<16xi32>
      %jit3A_1162 = arith.constant 128 : i32
      %div3A_1163 = arith.divsi %add3A_1137, %jit3A_1162 : i32
      %sign3A_1164 = arith.constant 0 : i32
      %sign3A_1165 = arith.cmpi sgt, %add3A_1137, %sign3A_1164 : i32
      %sign3A_1166 = arith.extui %sign3A_1165 : i1 to i32
      %sign3A_1167 = arith.constant 0 : i32
      %sign3A_1168 = arith.cmpi slt, %add3A_1137, %sign3A_1167 : i32
      %sign3A_1169 = arith.extui %sign3A_1168 : i1 to i32
      %sign3A_1170 = arith.subi %sign3A_1166, %sign3A_1169 : i32
      %sign3A_1171 = arith.constant 0 : i32
      %sign3A_1172 = arith.cmpi sgt, %jit3A_1162, %sign3A_1171 : i32
      %sign3A_1173 = arith.extui %sign3A_1172 : i1 to i32
      %sign3A_1174 = arith.constant 0 : i32
      %sign3A_1175 = arith.cmpi slt, %jit3A_1162, %sign3A_1174 : i32
      %sign3A_1176 = arith.extui %sign3A_1175 : i1 to i32
      %sign3A_1177 = arith.subi %sign3A_1173, %sign3A_1176 : i32
      %ne3A_1178 = arith.cmpi ne, %sign3A_1170, %sign3A_1177 : i32
      %rem3A_1179 = arith.remsi %add3A_1137, %jit3A_1162 : i32
      %ne3A_1180 = arith.constant 0 : i32
      %ne3A_1181 = arith.cmpi ne, %rem3A_1179, %ne3A_1180 : i32
      %and3A_1182 = arith.andi %ne3A_1178, %ne3A_1181 : i1
      %sub3A_1183 = arith.constant 1 : i32
      %sub3A_1184 = arith.subi %div3A_1163, %sub3A_1183 : i32
      %select_n3A_1185 = arith.select %and3A_1182, %sub3A_1184, %div3A_1163 : i32
      %add3A_1186 = arith.constant 0 : i32
      %add3A_1187 = vector.broadcast %add3A_1186 : i32 to vector<16xi32>
      %add3A_1188 = arith.addi %iota3A, %add3A_1187 : vector<16xi32>
      %gather3A_1189 = arith.constant 0 : i32
      %gather3A_1190 = arith.constant 0 : i32
      %gather3A_1191 = tpu.memref_slice %arg7[%rem3A_1139, %gather3A_1189, %gather3A_1190] : memref<12x64x128xf32, #tpu.memory_space<vmem>> -> memref<1x64x128xf32, #tpu.memory_space<vmem>>
      %gather3A_1192 = tpu.memref_squeeze %gather3A_1191 : memref<1x64x128xf32, #tpu.memory_space<vmem>> -> memref<64x128xf32, #tpu.memory_space<vmem>>
      %gather3A_1193 = tpu.vector_load_idx %gather3A_1192[%add3A_1188, %broadcast_in_dim3A_1158] : memref<64x128xf32, #tpu.memory_space<vmem>>[vector<16xi32>, vector<16xi32>], vector<16xf32>,
      %scatter3A_1194 = arith.constant 0 : i32
      %scatter3A_1195 = arith.constant 0 : i32
      %scatter3A_1196 = tpu.memref_slice %arg8[%select_n3A_1185, %scatter3A_1194, %scatter3A_1195] : memref<2x64x128xf32, #tpu.memory_space<vmem>> -> memref<1x64x128xf32, #tpu.memory_space<vmem>>
      %scatter3A_1197 = tpu.memref_squeeze %scatter3A_1196 : memref<1x64x128xf32, #tpu.memory_space<vmem>> -> memref<64x128xf32, #tpu.memory_space<vmem>>
      tpu.vector_store_idx %scatter3A_1197[%add3A_1188, %broadcast_in_dim3A_1161], %gather3A_1193 {add = true} : memref<64x128xf32, #tpu.memory_space<vmem>>[vector<16xi32>, vector<16xi32>], vector<16xf32>,
      %add3A_1198 = arith.constant 16 : i32
      %add3A_1199 = vector.broadcast %add3A_1198 : i32 to vector<16xi32>
      %add3A_1200 = arith.addi %iota3A, %add3A_1199 : vector<16xi32>
      %gather3A_1201 = arith.constant 0 : i32
      %gather3A_1202 = arith.constant 0 : i32
      %gather3A_1203 = tpu.memref_slice %arg7[%rem3A_1139, %gather3A_1201, %gather3A_1202] : memref<12x64x128xf32, #tpu.memory_space<vmem>> -> memref<1x64x128xf32, #tpu.memory_space<vmem>>
      %gather3A_1204 = tpu.memref_squeeze %gather3A_1203 : memref<1x64x128xf32, #tpu.memory_space<vmem>> -> memref<64x128xf32, #tpu.memory_space<vmem>>
      %gather3A_1205 = tpu.vector_load_idx %gather3A_1204[%add3A_1200, %broadcast_in_dim3A_1158] : memref<64x128xf32, #tpu.memory_space<vmem>>[vector<16xi32>, vector<16xi32>], vector<16xf32>,
      %scatter3A_1206 = arith.constant 0 : i32
      %scatter3A_1207 = arith.constant 0 : i32
      %scatter3A_1208 = tpu.memref_slice %arg8[%select_n3A_1185, %scatter3A_1206, %scatter3A_1207] : memref<2x64x128xf32, #tpu.memory_space<vmem>> -> memref<1x64x128xf32, #tpu.memory_space<vmem>>
      %scatter3A_1209 = tpu.memref_squeeze %scatter3A_1208 : memref<1x64x128xf32, #tpu.memory_space<vmem>> -> memref<64x128xf32, #tpu.memory_space<vmem>>
      tpu.vector_store_idx %scatter3A_1209[%add3A_1200, %broadcast_in_dim3A_1161], %gather3A_1205 {add = true} : memref<64x128xf32, #tpu.memory_space<vmem>>[vector<16xi32>, vector<16xi32>], vector<16xf32>,
      %add3A_1210 = arith.constant 32 : i32
      %add3A_1211 = vector.broadcast %add3A_1210 : i32 to vector<16xi32>
      %add3A_1212 = arith.addi %iota3A, %add3A_1211 : vector<16xi32>
      %gather3A_1213 = arith.constant 0 : i32
      %gather3A_1214 = arith.constant 0 : i32
      %gather3A_1215 = tpu.memref_slice %arg7[%rem3A_1139, %gather3A_1213, %gather3A_1214] : memref<12x64x128xf32, #tpu.memory_space<vmem>> -> memref<1x64x128xf32, #tpu.memory_space<vmem>>
      %gather3A_1216 = tpu.memref_squeeze %gather3A_1215 : memref<1x64x128xf32, #tpu.memory_space<vmem>> -> memref<64x128xf32, #tpu.memory_space<vmem>>
      %gather3A_1217 = tpu.vector_load_idx %gather3A_1216[%add3A_1212, %broadcast_in_dim3A_1158] : memref<64x128xf32, #tpu.memory_space<vmem>>[vector<16xi32>, vector<16xi32>], vector<16xf32>,
      %scatter3A_1218 = arith.constant 0 : i32
      %scatter3A_1219 = arith.constant 0 : i32
      %scatter3A_1220 = tpu.memref_slice %arg8[%select_n3A_1185, %scatter3A_1218, %scatter3A_1219] : memref<2x64x128xf32, #tpu.memory_space<vmem>> -> memref<1x64x128xf32, #tpu.memory_space<vmem>>
      %scatter3A_1221 = tpu.memref_squeeze %scatter3A_1220 : memref<1x64x128xf32, #tpu.memory_space<vmem>> -> memref<64x128xf32, #tpu.memory_space<vmem>>
      tpu.vector_store_idx %scatter3A_1221[%add3A_1212, %broadcast_in_dim3A_1161], %gather3A_1217 {add = true} : memref<64x128xf32, #tpu.memory_space<vmem>>[vector<16xi32>, vector<16xi32>], vector<16xf32>,
      %add3A_1222 = arith.constant 48 : i32
      %add3A_1223 = vector.broadcast %add3A_1222 : i32 to vector<16xi32>
      %add3A_1224 = arith.addi %iota3A, %add3A_1223 : vector<16xi32>
      %gather3A_1225 = arith.constant 0 : i32
      %gather3A_1226 = arith.constant 0 : i32
      %gather3A_1227 = tpu.memref_slice %arg7[%rem3A_1139, %gather3A_1225, %gather3A_1226] : memref<12x64x128xf32, #tpu.memory_space<vmem>> -> memref<1x64x128xf32, #tpu.memory_space<vmem>>
      %gather3A_1228 = tpu.memref_squeeze %gather3A_1227 : memref<1x64x128xf32, #tpu.memory_space<vmem>> -> memref<64x128xf32, #tpu.memory_space<vmem>>
      %gather3A_1229 = tpu.vector_load_idx %gather3A_1228[%add3A_1224, %broadcast_in_dim3A_1158] : memref<64x128xf32, #tpu.memory_space<vmem>>[vector<16xi32>, vector<16xi32>], vector<16xf32>,
      %scatter3A_1230 = arith.constant 0 : i32
      %scatter3A_1231 = arith.constant 0 : i32
      %scatter3A_1232 = tpu.memref_slice %arg8[%select_n3A_1185, %scatter3A_1230, %scatter3A_1231] : memref<2x64x128xf32, #tpu.memory_space<vmem>> -> memref<1x64x128xf32, #tpu.memory_space<vmem>>
      %scatter3A_1233 = tpu.memref_squeeze %scatter3A_1232 : memref<1x64x128xf32, #tpu.memory_space<vmem>> -> memref<64x128xf32, #tpu.memory_space<vmem>>
      tpu.vector_store_idx %scatter3A_1233[%add3A_1224, %broadcast_in_dim3A_1161], %gather3A_1229 {add = true} : memref<64x128xf32, #tpu.memory_space<vmem>>[vector<16xi32>, vector<16xi32>], vector<16xf32>,
      %add3A_1234 = arith.constant 3 : i32
      %add3A_1235 = arith.addi %add3A_833, %add3A_1234 : i32
      %lt3A_1236 = arith.constant 64 : i32
      %lt3A_1237 = arith.cmpi slt, %add3A_1235, %lt3A_1236 : i32
      %convert_element_type3A_1238 = arith.extui %lt3A_1237 : i1 to i32
      %cond3A_1239 = arith.constant 0 : i32
      %cond3A_1240 = arith.cmpi ne, %convert_element_type3A_1238, %cond3A_1239 : i32
      scf.if %cond3A_1240 {
        %mul3A_2063 = arith.constant 4 : i32
        %mul3A_2064 = arith.muli %add3A_1235, %mul3A_2063 : i32
        %add3A_2065 = arith.constant 0 : i32
        %add3A_2066 = arith.addi %mul3A_2064, %add3A_2065 : i32
        %slice3A_2067 = vector.extract_strided_slice %get3A_424 {offsets = [0], sizes = [1], strides = [1]} : vector<16xi32> to vector<1xi32>
        %squeeze3A_2068 = vector.extract %slice3A_2067[0] : i32 from vector<1xi32>
        %shift_right_logical3A_2069 = arith.constant 7 : i32
        %shift_right_logical3A_2070 = arith.shrui %squeeze3A_2068, %shift_right_logical3A_2069 : i32
        %mul3A_2071 = arith.constant 128 : i32
        %mul3A_2072 = arith.muli %shift_right_logical3A_2070, %mul3A_2071 : i32
        %multiple_of3A_2073 = tpu.assume_multiple %mul3A_2072, 128 : i32
        %rem3A_2074 = arith.constant 12 : i32
        %rem3A_2075 = arith.remsi %add3A_2066, %rem3A_2074 : i32
        %dma_start3A_2076 = arith.constant 0 : i32
        %dma_start3A_2077 = arith.constant 0 : i32
        %dma_start3A_2078 = tpu.memref_slice %arg7[%rem3A_2075, %dma_start3A_2076, %dma_start3A_2077] : memref<12x64x128xf32, #tpu.memory_space<vmem>> -> memref<1x64x128xf32, #tpu.memory_space<vmem>>
        %dma_start3A_2079 = tpu.memref_squeeze %dma_start3A_2078 : memref<1x64x128xf32, #tpu.memory_space<vmem>> -> memref<64x128xf32, #tpu.memory_space<vmem>>
        %dma_start3A_2080 = arith.constant 0 : i32
        %dma_start3A_2081 = tpu.memref_slice %arg3[%dma_start3A_2080, %multiple_of3A_2073] : memref<64x1000000xf32, #tpu.memory_space<hbm>> -> memref<64x128xf32, #tpu.memory_space<hbm>>
        %dma_start3A_2082 = arith.constant 0 : i32
        %dma_start3A_2083 = arith.constant 0 : i32
        %dma_start3A_2084 = tpu.memref_slice %arg7[%rem3A_2075, %dma_start3A_2082, %dma_start3A_2083] : memref<12x64x128xf32, #tpu.memory_space<vmem>> -> memref<1x64x128xf32, #tpu.memory_space<vmem>>
        %dma_start3A_2085 = tpu.memref_squeeze %dma_start3A_2084 : memref<1x64x128xf32, #tpu.memory_space<vmem>> -> memref<64x128xf32, #tpu.memory_space<vmem>>
        %dma_start3A_2086 = arith.constant 0 : i32
        %dma_start3A_2087 = tpu.memref_slice %arg3[%dma_start3A_2086, %multiple_of3A_2073] : memref<64x1000000xf32, #tpu.memory_space<hbm>> -> memref<64x128xf32, #tpu.memory_space<hbm>>
        tpu.enqueue_dma source(%dma_start3A_2087 : memref<64x128xf32, #tpu.memory_space<hbm>>) target(%dma_start3A_2085 : memref<64x128xf32, #tpu.memory_space<vmem>>) target_semaphore(%arg9 : memref<!tpu.dma_semaphore, #tpu.memory_space<semaphore_mem>>)
        %mul3A_2088 = arith.constant 4 : i32
        %mul3A_2089 = arith.muli %add3A_1235, %mul3A_2088 : i32
        %add3A_2090 = arith.constant 1 : i32
        %add3A_2091 = arith.addi %mul3A_2089, %add3A_2090 : i32
        %slice3A_2092 = vector.extract_strided_slice %get3A_424 {offsets = [1], sizes = [1], strides = [1]} : vector<16xi32> to vector<1xi32>
        %squeeze3A_2093 = vector.extract %slice3A_2092[0] : i32 from vector<1xi32>
        %shift_right_logical3A_2094 = arith.constant 7 : i32
        %shift_right_logical3A_2095 = arith.shrui %squeeze3A_2093, %shift_right_logical3A_2094 : i32
        %mul3A_2096 = arith.constant 128 : i32
        %mul3A_2097 = arith.muli %shift_right_logical3A_2095, %mul3A_2096 : i32
        %multiple_of3A_2098 = tpu.assume_multiple %mul3A_2097, 128 : i32
        %rem3A_2099 = arith.constant 12 : i32
        %rem3A_2100 = arith.remsi %add3A_2091, %rem3A_2099 : i32
        %dma_start3A_2101 = arith.constant 0 : i32
        %dma_start3A_2102 = arith.constant 0 : i32
        %dma_start3A_2103 = tpu.memref_slice %arg7[%rem3A_2100, %dma_start3A_2101, %dma_start3A_2102] : memref<12x64x128xf32, #tpu.memory_space<vmem>> -> memref<1x64x128xf32, #tpu.memory_space<vmem>>
        %dma_start3A_2104 = tpu.memref_squeeze %dma_start3A_2103 : memref<1x64x128xf32, #tpu.memory_space<vmem>> -> memref<64x128xf32, #tpu.memory_space<vmem>>
        %dma_start3A_2105 = arith.constant 0 : i32
        %dma_start3A_2106 = tpu.memref_slice %arg3[%dma_start3A_2105, %multiple_of3A_2098] : memref<64x1000000xf32, #tpu.memory_space<hbm>> -> memref<64x128xf32, #tpu.memory_space<hbm>>
        %dma_start3A_2107 = arith.constant 0 : i32
        %dma_start3A_2108 = arith.constant 0 : i32
        %dma_start3A_2109 = tpu.memref_slice %arg7[%rem3A_2100, %dma_start3A_2107, %dma_start3A_2108] : memref<12x64x128xf32, #tpu.memory_space<vmem>> -> memref<1x64x128xf32, #tpu.memory_space<vmem>>
        %dma_start3A_2110 = tpu.memref_squeeze %dma_start3A_2109 : memref<1x64x128xf32, #tpu.memory_space<vmem>> -> memref<64x128xf32, #tpu.memory_space<vmem>>
        %dma_start3A_2111 = arith.constant 0 : i32
        %dma_start3A_2112 = tpu.memref_slice %arg3[%dma_start3A_2111, %multiple_of3A_2098] : memref<64x1000000xf32, #tpu.memory_space<hbm>> -> memref<64x128xf32, #tpu.memory_space<hbm>>
        tpu.enqueue_dma source(%dma_start3A_2112 : memref<64x128xf32, #tpu.memory_space<hbm>>) target(%dma_start3A_2110 : memref<64x128xf32, #tpu.memory_space<vmem>>) target_semaphore(%arg9 : memref<!tpu.dma_semaphore, #tpu.memory_space<semaphore_mem>>)
        %mul3A_2113 = arith.constant 4 : i32
        %mul3A_2114 = arith.muli %add3A_1235, %mul3A_2113 : i32
        %add3A_2115 = arith.constant 2 : i32
        %add3A_2116 = arith.addi %mul3A_2114, %add3A_2115 : i32
        %slice3A_2117 = vector.extract_strided_slice %get3A_424 {offsets = [2], sizes = [1], strides = [1]} : vector<16xi32> to vector<1xi32>
        %squeeze3A_2118 = vector.extract %slice3A_2117[0] : i32 from vector<1xi32>
        %shift_right_logical3A_2119 = arith.constant 7 : i32
        %shift_right_logical3A_2120 = arith.shrui %squeeze3A_2118, %shift_right_logical3A_2119 : i32
        %mul3A_2121 = arith.constant 128 : i32
        %mul3A_2122 = arith.muli %shift_right_logical3A_2120, %mul3A_2121 : i32
        %multiple_of3A_2123 = tpu.assume_multiple %mul3A_2122, 128 : i32
        %rem3A_2124 = arith.constant 12 : i32
        %rem3A_2125 = arith.remsi %add3A_2116, %rem3A_2124 : i32
        %dma_start3A_2126 = arith.constant 0 : i32
        %dma_start3A_2127 = arith.constant 0 : i32
        %dma_start3A_2128 = tpu.memref_slice %arg7[%rem3A_2125, %dma_start3A_2126, %dma_start3A_2127] : memref<12x64x128xf32, #tpu.memory_space<vmem>> -> memref<1x64x128xf32, #tpu.memory_space<vmem>>
        %dma_start3A_2129 = tpu.memref_squeeze %dma_start3A_2128 : memref<1x64x128xf32, #tpu.memory_space<vmem>> -> memref<64x128xf32, #tpu.memory_space<vmem>>
        %dma_start3A_2130 = arith.constant 0 : i32
        %dma_start3A_2131 = tpu.memref_slice %arg3[%dma_start3A_2130, %multiple_of3A_2123] : memref<64x1000000xf32, #tpu.memory_space<hbm>> -> memref<64x128xf32, #tpu.memory_space<hbm>>
        %dma_start3A_2132 = arith.constant 0 : i32
        %dma_start3A_2133 = arith.constant 0 : i32
        %dma_start3A_2134 = tpu.memref_slice %arg7[%rem3A_2125, %dma_start3A_2132, %dma_start3A_2133] : memref<12x64x128xf32, #tpu.memory_space<vmem>> -> memref<1x64x128xf32, #tpu.memory_space<vmem>>
        %dma_start3A_2135 = tpu.memref_squeeze %dma_start3A_2134 : memref<1x64x128xf32, #tpu.memory_space<vmem>> -> memref<64x128xf32, #tpu.memory_space<vmem>>
        %dma_start3A_2136 = arith.constant 0 : i32
        %dma_start3A_2137 = tpu.memref_slice %arg3[%dma_start3A_2136, %multiple_of3A_2123] : memref<64x1000000xf32, #tpu.memory_space<hbm>> -> memref<64x128xf32, #tpu.memory_space<hbm>>
        tpu.enqueue_dma source(%dma_start3A_2137 : memref<64x128xf32, #tpu.memory_space<hbm>>) target(%dma_start3A_2135 : memref<64x128xf32, #tpu.memory_space<vmem>>) target_semaphore(%arg9 : memref<!tpu.dma_semaphore, #tpu.memory_space<semaphore_mem>>)
        %mul3A_2138 = arith.constant 4 : i32
        %mul3A_2139 = arith.muli %add3A_1235, %mul3A_2138 : i32
        %add3A_2140 = arith.constant 3 : i32
        %add3A_2141 = arith.addi %mul3A_2139, %add3A_2140 : i32
        %slice3A_2142 = vector.extract_strided_slice %get3A_424 {offsets = [3], sizes = [1], strides = [1]} : vector<16xi32> to vector<1xi32>
        %squeeze3A_2143 = vector.extract %slice3A_2142[0] : i32 from vector<1xi32>
        %shift_right_logical3A_2144 = arith.constant 7 : i32
        %shift_right_logical3A_2145 = arith.shrui %squeeze3A_2143, %shift_right_logical3A_2144 : i32
        %mul3A_2146 = arith.constant 128 : i32
        %mul3A_2147 = arith.muli %shift_right_logical3A_2145, %mul3A_2146 : i32
        %multiple_of3A_2148 = tpu.assume_multiple %mul3A_2147, 128 : i32
        %rem3A_2149 = arith.constant 12 : i32
        %rem3A_2150 = arith.remsi %add3A_2141, %rem3A_2149 : i32
        %dma_start3A_2151 = arith.constant 0 : i32
        %dma_start3A_2152 = arith.constant 0 : i32
        %dma_start3A_2153 = tpu.memref_slice %arg7[%rem3A_2150, %dma_start3A_2151, %dma_start3A_2152] : memref<12x64x128xf32, #tpu.memory_space<vmem>> -> memref<1x64x128xf32, #tpu.memory_space<vmem>>
        %dma_start3A_2154 = tpu.memref_squeeze %dma_start3A_2153 : memref<1x64x128xf32, #tpu.memory_space<vmem>> -> memref<64x128xf32, #tpu.memory_space<vmem>>
        %dma_start3A_2155 = arith.constant 0 : i32
        %dma_start3A_2156 = tpu.memref_slice %arg3[%dma_start3A_2155, %multiple_of3A_2148] : memref<64x1000000xf32, #tpu.memory_space<hbm>> -> memref<64x128xf32, #tpu.memory_space<hbm>>
        %dma_start3A_2157 = arith.constant 0 : i32
        %dma_start3A_2158 = arith.constant 0 : i32
        %dma_start3A_2159 = tpu.memref_slice %arg7[%rem3A_2150, %dma_start3A_2157, %dma_start3A_2158] : memref<12x64x128xf32, #tpu.memory_space<vmem>> -> memref<1x64x128xf32, #tpu.memory_space<vmem>>
        %dma_start3A_2160 = tpu.memref_squeeze %dma_start3A_2159 : memref<1x64x128xf32, #tpu.memory_space<vmem>> -> memref<64x128xf32, #tpu.memory_space<vmem>>
        %dma_start3A_2161 = arith.constant 0 : i32
        %dma_start3A_2162 = tpu.memref_slice %arg3[%dma_start3A_2161, %multiple_of3A_2148] : memref<64x1000000xf32, #tpu.memory_space<hbm>> -> memref<64x128xf32, #tpu.memory_space<hbm>>
        tpu.enqueue_dma source(%dma_start3A_2162 : memref<64x128xf32, #tpu.memory_space<hbm>>) target(%dma_start3A_2160 : memref<64x128xf32, #tpu.memory_space<vmem>>) target_semaphore(%arg9 : memref<!tpu.dma_semaphore, #tpu.memory_space<semaphore_mem>>)
      } else {
      }
      %mul3A_1241 = arith.constant 4 : i32
      %mul3A_1242 = arith.muli %scan3A_387, %mul3A_1241 : i32
      %add3A_1243 = arith.constant 2 : i32
      %add3A_1244 = arith.addi %mul3A_1242, %add3A_1243 : i32
      %mul3A_1245 = arith.constant 4 : i32
      %mul3A_1246 = arith.muli %add3A_1244, %mul3A_1245 : i32
      %add3A_1247 = arith.constant 0 : i32
      %add3A_1248 = arith.addi %mul3A_1246, %add3A_1247 : i32
      %rem3A_1249 = arith.constant 12 : i32
      %rem3A_1250 = arith.remsi %add3A_1248, %rem3A_1249 : i32
      %dma_wait3A_1251 = arith.constant 0 : i32
      %dma_wait3A_1252 = arith.constant 0 : i32
      %dma_wait3A_1253 = tpu.memref_slice %arg7[%rem3A_1250, %dma_wait3A_1251, %dma_wait3A_1252] : memref<12x64x128xf32, #tpu.memory_space<vmem>> -> memref<1x64x128xf32, #tpu.memory_space<vmem>>
      %dma_wait3A_1254 = tpu.memref_squeeze %dma_wait3A_1253 : memref<1x64x128xf32, #tpu.memory_space<vmem>> -> memref<64x128xf32, #tpu.memory_space<vmem>>
      %dma_wait3A_1255 = arith.constant 0 : i32
      %dma_wait3A_1256 = arith.constant 0 : i32
      %dma_wait3A_1257 = tpu.memref_slice %arg3[%dma_wait3A_1255, %dma_wait3A_1256] : memref<64x1000000xf32, #tpu.memory_space<hbm>> -> memref<64x128xf32, #tpu.memory_space<hbm>>
      %dma_wait3A_1258 = arith.constant 0 : i32
      %dma_wait3A_1259 = arith.constant 0 : i32
      %dma_wait3A_1260 = tpu.memref_slice %arg7[%rem3A_1250, %dma_wait3A_1258, %dma_wait3A_1259] : memref<12x64x128xf32, #tpu.memory_space<vmem>> -> memref<1x64x128xf32, #tpu.memory_space<vmem>>
      %dma_wait3A_1261 = tpu.memref_squeeze %dma_wait3A_1260 : memref<1x64x128xf32, #tpu.memory_space<vmem>> -> memref<64x128xf32, #tpu.memory_space<vmem>>
      %dma_wait3A_1262 = arith.constant 0 : i32
      %dma_wait3A_1263 = arith.constant 0 : i32
      %dma_wait3A_1264 = tpu.memref_slice %arg3[%dma_wait3A_1262, %dma_wait3A_1263] : memref<64x1000000xf32, #tpu.memory_space<hbm>> -> memref<64x128xf32, #tpu.memory_space<hbm>>
      tpu.wait_dma2 semaphore(%arg9 : memref<!tpu.dma_semaphore, #tpu.memory_space<semaphore_mem>>) src(%dma_wait3A_1264 : memref<64x128xf32, #tpu.memory_space<hbm>>) dst(%dma_wait3A_1261 : memref<64x128xf32, #tpu.memory_space<vmem>>)
      %slice3A_1265 = vector.extract_strided_slice %scan3A_388 {offsets = [8], sizes = [1], strides = [1]} : vector<16xi32> to vector<1xi32>
      %squeeze3A_1266 = vector.extract %slice3A_1265[0] : i32 from vector<1xi32>
      %and3A_1267 = arith.constant 127 : i32
      %and3A_1268 = arith.andi %squeeze3A_1266, %and3A_1267 : i32
      %broadcast_in_dim3A_1269 = vector.broadcast %and3A_1268 : i32 to vector<16xi32>
      %rem3A_1270 = arith.constant 128 : i32
      %rem3A_1271 = arith.remsi %add3A_1248, %rem3A_1270 : i32
      %broadcast_in_dim3A_1272 = vector.broadcast %rem3A_1271 : i32 to vector<16xi32>
      %jit3A_1273 = arith.constant 128 : i32
      %div3A_1274 = arith.divsi %add3A_1248, %jit3A_1273 : i32
      %sign3A_1275 = arith.constant 0 : i32
      %sign3A_1276 = arith.cmpi sgt, %add3A_1248, %sign3A_1275 : i32
      %sign3A_1277 = arith.extui %sign3A_1276 : i1 to i32
      %sign3A_1278 = arith.constant 0 : i32
      %sign3A_1279 = arith.cmpi slt, %add3A_1248, %sign3A_1278 : i32
      %sign3A_1280 = arith.extui %sign3A_1279 : i1 to i32
      %sign3A_1281 = arith.subi %sign3A_1277, %sign3A_1280 : i32
      %sign3A_1282 = arith.constant 0 : i32
      %sign3A_1283 = arith.cmpi sgt, %jit3A_1273, %sign3A_1282 : i32
      %sign3A_1284 = arith.extui %sign3A_1283 : i1 to i32
      %sign3A_1285 = arith.constant 0 : i32
      %sign3A_1286 = arith.cmpi slt, %jit3A_1273, %sign3A_1285 : i32
      %sign3A_1287 = arith.extui %sign3A_1286 : i1 to i32
      %sign3A_1288 = arith.subi %sign3A_1284, %sign3A_1287 : i32
      %ne3A_1289 = arith.cmpi ne, %sign3A_1281, %sign3A_1288 : i32
      %rem3A_1290 = arith.remsi %add3A_1248, %jit3A_1273 : i32
      %ne3A_1291 = arith.constant 0 : i32
      %ne3A_1292 = arith.cmpi ne, %rem3A_1290, %ne3A_1291 : i32
      %and3A_1293 = arith.andi %ne3A_1289, %ne3A_1292 : i1
      %sub3A_1294 = arith.constant 1 : i32
      %sub3A_1295 = arith.subi %div3A_1274, %sub3A_1294 : i32
      %select_n3A_1296 = arith.select %and3A_1293, %sub3A_1295, %div3A_1274 : i32
      %add3A_1297 = arith.constant 0 : i32
      %add3A_1298 = vector.broadcast %add3A_1297 : i32 to vector<16xi32>
      %add3A_1299 = arith.addi %iota3A, %add3A_1298 : vector<16xi32>
      %gather3A_1300 = arith.constant 0 : i32
      %gather3A_1301 = arith.constant 0 : i32
      %gather3A_1302 = tpu.memref_slice %arg7[%rem3A_1250, %gather3A_1300, %gather3A_1301] : memref<12x64x128xf32, #tpu.memory_space<vmem>> -> memref<1x64x128xf32, #tpu.memory_space<vmem>>
      %gather3A_1303 = tpu.memref_squeeze %gather3A_1302 : memref<1x64x128xf32, #tpu.memory_space<vmem>> -> memref<64x128xf32, #tpu.memory_space<vmem>>
      %gather3A_1304 = tpu.vector_load_idx %gather3A_1303[%add3A_1299, %broadcast_in_dim3A_1269] : memref<64x128xf32, #tpu.memory_space<vmem>>[vector<16xi32>, vector<16xi32>], vector<16xf32>,
      %scatter3A_1305 = arith.constant 0 : i32
      %scatter3A_1306 = arith.constant 0 : i32
      %scatter3A_1307 = tpu.memref_slice %arg8[%select_n3A_1296, %scatter3A_1305, %scatter3A_1306] : memref<2x64x128xf32, #tpu.memory_space<vmem>> -> memref<1x64x128xf32, #tpu.memory_space<vmem>>
      %scatter3A_1308 = tpu.memref_squeeze %scatter3A_1307 : memref<1x64x128xf32, #tpu.memory_space<vmem>> -> memref<64x128xf32, #tpu.memory_space<vmem>>
      tpu.vector_store_idx %scatter3A_1308[%add3A_1299, %broadcast_in_dim3A_1272], %gather3A_1304 {add = true} : memref<64x128xf32, #tpu.memory_space<vmem>>[vector<16xi32>, vector<16xi32>], vector<16xf32>,
      %add3A_1309 = arith.constant 16 : i32
      %add3A_1310 = vector.broadcast %add3A_1309 : i32 to vector<16xi32>
      %add3A_1311 = arith.addi %iota3A, %add3A_1310 : vector<16xi32>
      %gather3A_1312 = arith.constant 0 : i32
      %gather3A_1313 = arith.constant 0 : i32
      %gather3A_1314 = tpu.memref_slice %arg7[%rem3A_1250, %gather3A_1312, %gather3A_1313] : memref<12x64x128xf32, #tpu.memory_space<vmem>> -> memref<1x64x128xf32, #tpu.memory_space<vmem>>
      %gather3A_1315 = tpu.memref_squeeze %gather3A_1314 : memref<1x64x128xf32, #tpu.memory_space<vmem>> -> memref<64x128xf32, #tpu.memory_space<vmem>>
      %gather3A_1316 = tpu.vector_load_idx %gather3A_1315[%add3A_1311, %broadcast_in_dim3A_1269] : memref<64x128xf32, #tpu.memory_space<vmem>>[vector<16xi32>, vector<16xi32>], vector<16xf32>,
      %scatter3A_1317 = arith.constant 0 : i32
      %scatter3A_1318 = arith.constant 0 : i32
      %scatter3A_1319 = tpu.memref_slice %arg8[%select_n3A_1296, %scatter3A_1317, %scatter3A_1318] : memref<2x64x128xf32, #tpu.memory_space<vmem>> -> memref<1x64x128xf32, #tpu.memory_space<vmem>>
      %scatter3A_1320 = tpu.memref_squeeze %scatter3A_1319 : memref<1x64x128xf32, #tpu.memory_space<vmem>> -> memref<64x128xf32, #tpu.memory_space<vmem>>
      tpu.vector_store_idx %scatter3A_1320[%add3A_1311, %broadcast_in_dim3A_1272], %gather3A_1316 {add = true} : memref<64x128xf32, #tpu.memory_space<vmem>>[vector<16xi32>, vector<16xi32>], vector<16xf32>,
      %add3A_1321 = arith.constant 32 : i32
      %add3A_1322 = vector.broadcast %add3A_1321 : i32 to vector<16xi32>
      %add3A_1323 = arith.addi %iota3A, %add3A_1322 : vector<16xi32>
      %gather3A_1324 = arith.constant 0 : i32
      %gather3A_1325 = arith.constant 0 : i32
      %gather3A_1326 = tpu.memref_slice %arg7[%rem3A_1250, %gather3A_1324, %gather3A_1325] : memref<12x64x128xf32, #tpu.memory_space<vmem>> -> memref<1x64x128xf32, #tpu.memory_space<vmem>>
      %gather3A_1327 = tpu.memref_squeeze %gather3A_1326 : memref<1x64x128xf32, #tpu.memory_space<vmem>> -> memref<64x128xf32, #tpu.memory_space<vmem>>
      %gather3A_1328 = tpu.vector_load_idx %gather3A_1327[%add3A_1323, %broadcast_in_dim3A_1269] : memref<64x128xf32, #tpu.memory_space<vmem>>[vector<16xi32>, vector<16xi32>], vector<16xf32>,
      %scatter3A_1329 = arith.constant 0 : i32
      %scatter3A_1330 = arith.constant 0 : i32
      %scatter3A_1331 = tpu.memref_slice %arg8[%select_n3A_1296, %scatter3A_1329, %scatter3A_1330] : memref<2x64x128xf32, #tpu.memory_space<vmem>> -> memref<1x64x128xf32, #tpu.memory_space<vmem>>
      %scatter3A_1332 = tpu.memref_squeeze %scatter3A_1331 : memref<1x64x128xf32, #tpu.memory_space<vmem>> -> memref<64x128xf32, #tpu.memory_space<vmem>>
      tpu.vector_store_idx %scatter3A_1332[%add3A_1323, %broadcast_in_dim3A_1272], %gather3A_1328 {add = true} : memref<64x128xf32, #tpu.memory_space<vmem>>[vector<16xi32>, vector<16xi32>], vector<16xf32>,
      %add3A_1333 = arith.constant 48 : i32
      %add3A_1334 = vector.broadcast %add3A_1333 : i32 to vector<16xi32>
      %add3A_1335 = arith.addi %iota3A, %add3A_1334 : vector<16xi32>
      %gather3A_1336 = arith.constant 0 : i32
      %gather3A_1337 = arith.constant 0 : i32
      %gather3A_1338 = tpu.memref_slice %arg7[%rem3A_1250, %gather3A_1336, %gather3A_1337] : memref<12x64x128xf32, #tpu.memory_space<vmem>> -> memref<1x64x128xf32, #tpu.memory_space<vmem>>
      %gather3A_1339 = tpu.memref_squeeze %gather3A_1338 : memref<1x64x128xf32, #tpu.memory_space<vmem>> -> memref<64x128xf32, #tpu.memory_space<vmem>>
      %gather3A_1340 = tpu.vector_load_idx %gather3A_1339[%add3A_1335, %broadcast_in_dim3A_1269] : memref<64x128xf32, #tpu.memory_space<vmem>>[vector<16xi32>, vector<16xi32>], vector<16xf32>,
      %scatter3A_1341 = arith.constant 0 : i32
      %scatter3A_1342 = arith.constant 0 : i32
      %scatter3A_1343 = tpu.memref_slice %arg8[%select_n3A_1296, %scatter3A_1341, %scatter3A_1342] : memref<2x64x128xf32, #tpu.memory_space<vmem>> -> memref<1x64x128xf32, #tpu.memory_space<vmem>>
      %scatter3A_1344 = tpu.memref_squeeze %scatter3A_1343 : memref<1x64x128xf32, #tpu.memory_space<vmem>> -> memref<64x128xf32, #tpu.memory_space<vmem>>
      tpu.vector_store_idx %scatter3A_1344[%add3A_1335, %broadcast_in_dim3A_1272], %gather3A_1340 {add = true} : memref<64x128xf32, #tpu.memory_space<vmem>>[vector<16xi32>, vector<16xi32>], vector<16xf32>,
      %mul3A_1345 = arith.constant 4 : i32
      %mul3A_1346 = arith.muli %add3A_1244, %mul3A_1345 : i32
      %add3A_1347 = arith.constant 1 : i32
      %add3A_1348 = arith.addi %mul3A_1346, %add3A_1347 : i32
      %rem3A_1349 = arith.constant 12 : i32
      %rem3A_1350 = arith.remsi %add3A_1348, %rem3A_1349 : i32
      %dma_wait3A_1351 = arith.constant 0 : i32
      %dma_wait3A_1352 = arith.constant 0 : i32
      %dma_wait3A_1353 = tpu.memref_slice %arg7[%rem3A_1350, %dma_wait3A_1351, %dma_wait3A_1352] : memref<12x64x128xf32, #tpu.memory_space<vmem>> -> memref<1x64x128xf32, #tpu.memory_space<vmem>>
      %dma_wait3A_1354 = tpu.memref_squeeze %dma_wait3A_1353 : memref<1x64x128xf32, #tpu.memory_space<vmem>> -> memref<64x128xf32, #tpu.memory_space<vmem>>
      %dma_wait3A_1355 = arith.constant 0 : i32
      %dma_wait3A_1356 = arith.constant 0 : i32
      %dma_wait3A_1357 = tpu.memref_slice %arg3[%dma_wait3A_1355, %dma_wait3A_1356] : memref<64x1000000xf32, #tpu.memory_space<hbm>> -> memref<64x128xf32, #tpu.memory_space<hbm>>
      %dma_wait3A_1358 = arith.constant 0 : i32
      %dma_wait3A_1359 = arith.constant 0 : i32
      %dma_wait3A_1360 = tpu.memref_slice %arg7[%rem3A_1350, %dma_wait3A_1358, %dma_wait3A_1359] : memref<12x64x128xf32, #tpu.memory_space<vmem>> -> memref<1x64x128xf32, #tpu.memory_space<vmem>>
      %dma_wait3A_1361 = tpu.memref_squeeze %dma_wait3A_1360 : memref<1x64x128xf32, #tpu.memory_space<vmem>> -> memref<64x128xf32, #tpu.memory_space<vmem>>
      %dma_wait3A_1362 = arith.constant 0 : i32
      %dma_wait3A_1363 = arith.constant 0 : i32
      %dma_wait3A_1364 = tpu.memref_slice %arg3[%dma_wait3A_1362, %dma_wait3A_1363] : memref<64x1000000xf32, #tpu.memory_space<hbm>> -> memref<64x128xf32, #tpu.memory_space<hbm>>
      tpu.wait_dma2 semaphore(%arg9 : memref<!tpu.dma_semaphore, #tpu.memory_space<semaphore_mem>>) src(%dma_wait3A_1364 : memref<64x128xf32, #tpu.memory_space<hbm>>) dst(%dma_wait3A_1361 : memref<64x128xf32, #tpu.memory_space<vmem>>)
      %slice3A_1365 = vector.extract_strided_slice %scan3A_388 {offsets = [9], sizes = [1], strides = [1]} : vector<16xi32> to vector<1xi32>
      %squeeze3A_1366 = vector.extract %slice3A_1365[0] : i32 from vector<1xi32>
      %and3A_1367 = arith.constant 127 : i32
      %and3A_1368 = arith.andi %squeeze3A_1366, %and3A_1367 : i32
      %broadcast_in_dim3A_1369 = vector.broadcast %and3A_1368 : i32 to vector<16xi32>
      %rem3A_1370 = arith.constant 128 : i32
      %rem3A_1371 = arith.remsi %add3A_1348, %rem3A_1370 : i32
      %broadcast_in_dim3A_1372 = vector.broadcast %rem3A_1371 : i32 to vector<16xi32>
      %jit3A_1373 = arith.constant 128 : i32
      %div3A_1374 = arith.divsi %add3A_1348, %jit3A_1373 : i32
      %sign3A_1375 = arith.constant 0 : i32
      %sign3A_1376 = arith.cmpi sgt, %add3A_1348, %sign3A_1375 : i32
      %sign3A_1377 = arith.extui %sign3A_1376 : i1 to i32
      %sign3A_1378 = arith.constant 0 : i32
      %sign3A_1379 = arith.cmpi slt, %add3A_1348, %sign3A_1378 : i32
      %sign3A_1380 = arith.extui %sign3A_1379 : i1 to i32
      %sign3A_1381 = arith.subi %sign3A_1377, %sign3A_1380 : i32
      %sign3A_1382 = arith.constant 0 : i32
      %sign3A_1383 = arith.cmpi sgt, %jit3A_1373, %sign3A_1382 : i32
      %sign3A_1384 = arith.extui %sign3A_1383 : i1 to i32
      %sign3A_1385 = arith.constant 0 : i32
      %sign3A_1386 = arith.cmpi slt, %jit3A_1373, %sign3A_1385 : i32
      %sign3A_1387 = arith.extui %sign3A_1386 : i1 to i32
      %sign3A_1388 = arith.subi %sign3A_1384, %sign3A_1387 : i32
      %ne3A_1389 = arith.cmpi ne, %sign3A_1381, %sign3A_1388 : i32
      %rem3A_1390 = arith.remsi %add3A_1348, %jit3A_1373 : i32
      %ne3A_1391 = arith.constant 0 : i32
      %ne3A_1392 = arith.cmpi ne, %rem3A_1390, %ne3A_1391 : i32
      %and3A_1393 = arith.andi %ne3A_1389, %ne3A_1392 : i1
      %sub3A_1394 = arith.constant 1 : i32
      %sub3A_1395 = arith.subi %div3A_1374, %sub3A_1394 : i32
      %select_n3A_1396 = arith.select %and3A_1393, %sub3A_1395, %div3A_1374 : i32
      %add3A_1397 = arith.constant 0 : i32
      %add3A_1398 = vector.broadcast %add3A_1397 : i32 to vector<16xi32>
      %add3A_1399 = arith.addi %iota3A, %add3A_1398 : vector<16xi32>
      %gather3A_1400 = arith.constant 0 : i32
      %gather3A_1401 = arith.constant 0 : i32
      %gather3A_1402 = tpu.memref_slice %arg7[%rem3A_1350, %gather3A_1400, %gather3A_1401] : memref<12x64x128xf32, #tpu.memory_space<vmem>> -> memref<1x64x128xf32, #tpu.memory_space<vmem>>
      %gather3A_1403 = tpu.memref_squeeze %gather3A_1402 : memref<1x64x128xf32, #tpu.memory_space<vmem>> -> memref<64x128xf32, #tpu.memory_space<vmem>>
      %gather3A_1404 = tpu.vector_load_idx %gather3A_1403[%add3A_1399, %broadcast_in_dim3A_1369] : memref<64x128xf32, #tpu.memory_space<vmem>>[vector<16xi32>, vector<16xi32>], vector<16xf32>,
      %scatter3A_1405 = arith.constant 0 : i32
      %scatter3A_1406 = arith.constant 0 : i32
      %scatter3A_1407 = tpu.memref_slice %arg8[%select_n3A_1396, %scatter3A_1405, %scatter3A_1406] : memref<2x64x128xf32, #tpu.memory_space<vmem>> -> memref<1x64x128xf32, #tpu.memory_space<vmem>>
      %scatter3A_1408 = tpu.memref_squeeze %scatter3A_1407 : memref<1x64x128xf32, #tpu.memory_space<vmem>> -> memref<64x128xf32, #tpu.memory_space<vmem>>
      tpu.vector_store_idx %scatter3A_1408[%add3A_1399, %broadcast_in_dim3A_1372], %gather3A_1404 {add = true} : memref<64x128xf32, #tpu.memory_space<vmem>>[vector<16xi32>, vector<16xi32>], vector<16xf32>,
      %add3A_1409 = arith.constant 16 : i32
      %add3A_1410 = vector.broadcast %add3A_1409 : i32 to vector<16xi32>
      %add3A_1411 = arith.addi %iota3A, %add3A_1410 : vector<16xi32>
      %gather3A_1412 = arith.constant 0 : i32
      %gather3A_1413 = arith.constant 0 : i32
      %gather3A_1414 = tpu.memref_slice %arg7[%rem3A_1350, %gather3A_1412, %gather3A_1413] : memref<12x64x128xf32, #tpu.memory_space<vmem>> -> memref<1x64x128xf32, #tpu.memory_space<vmem>>
      %gather3A_1415 = tpu.memref_squeeze %gather3A_1414 : memref<1x64x128xf32, #tpu.memory_space<vmem>> -> memref<64x128xf32, #tpu.memory_space<vmem>>
      %gather3A_1416 = tpu.vector_load_idx %gather3A_1415[%add3A_1411, %broadcast_in_dim3A_1369] : memref<64x128xf32, #tpu.memory_space<vmem>>[vector<16xi32>, vector<16xi32>], vector<16xf32>,
      %scatter3A_1417 = arith.constant 0 : i32
      %scatter3A_1418 = arith.constant 0 : i32
      %scatter3A_1419 = tpu.memref_slice %arg8[%select_n3A_1396, %scatter3A_1417, %scatter3A_1418] : memref<2x64x128xf32, #tpu.memory_space<vmem>> -> memref<1x64x128xf32, #tpu.memory_space<vmem>>
      %scatter3A_1420 = tpu.memref_squeeze %scatter3A_1419 : memref<1x64x128xf32, #tpu.memory_space<vmem>> -> memref<64x128xf32, #tpu.memory_space<vmem>>
      tpu.vector_store_idx %scatter3A_1420[%add3A_1411, %broadcast_in_dim3A_1372], %gather3A_1416 {add = true} : memref<64x128xf32, #tpu.memory_space<vmem>>[vector<16xi32>, vector<16xi32>], vector<16xf32>,
      %add3A_1421 = arith.constant 32 : i32
      %add3A_1422 = vector.broadcast %add3A_1421 : i32 to vector<16xi32>
      %add3A_1423 = arith.addi %iota3A, %add3A_1422 : vector<16xi32>
      %gather3A_1424 = arith.constant 0 : i32
      %gather3A_1425 = arith.constant 0 : i32
      %gather3A_1426 = tpu.memref_slice %arg7[%rem3A_1350, %gather3A_1424, %gather3A_1425] : memref<12x64x128xf32, #tpu.memory_space<vmem>> -> memref<1x64x128xf32, #tpu.memory_space<vmem>>
      %gather3A_1427 = tpu.memref_squeeze %gather3A_1426 : memref<1x64x128xf32, #tpu.memory_space<vmem>> -> memref<64x128xf32, #tpu.memory_space<vmem>>
      %gather3A_1428 = tpu.vector_load_idx %gather3A_1427[%add3A_1423, %broadcast_in_dim3A_1369] : memref<64x128xf32, #tpu.memory_space<vmem>>[vector<16xi32>, vector<16xi32>], vector<16xf32>,
      %scatter3A_1429 = arith.constant 0 : i32
      %scatter3A_1430 = arith.constant 0 : i32
      %scatter3A_1431 = tpu.memref_slice %arg8[%select_n3A_1396, %scatter3A_1429, %scatter3A_1430] : memref<2x64x128xf32, #tpu.memory_space<vmem>> -> memref<1x64x128xf32, #tpu.memory_space<vmem>>
      %scatter3A_1432 = tpu.memref_squeeze %scatter3A_1431 : memref<1x64x128xf32, #tpu.memory_space<vmem>> -> memref<64x128xf32, #tpu.memory_space<vmem>>
      tpu.vector_store_idx %scatter3A_1432[%add3A_1423, %broadcast_in_dim3A_1372], %gather3A_1428 {add = true} : memref<64x128xf32, #tpu.memory_space<vmem>>[vector<16xi32>, vector<16xi32>], vector<16xf32>,
      %add3A_1433 = arith.constant 48 : i32
      %add3A_1434 = vector.broadcast %add3A_1433 : i32 to vector<16xi32>
      %add3A_1435 = arith.addi %iota3A, %add3A_1434 : vector<16xi32>
      %gather3A_1436 = arith.constant 0 : i32
      %gather3A_1437 = arith.constant 0 : i32
      %gather3A_1438 = tpu.memref_slice %arg7[%rem3A_1350, %gather3A_1436, %gather3A_1437] : memref<12x64x128xf32, #tpu.memory_space<vmem>> -> memref<1x64x128xf32, #tpu.memory_space<vmem>>
      %gather3A_1439 = tpu.memref_squeeze %gather3A_1438 : memref<1x64x128xf32, #tpu.memory_space<vmem>> -> memref<64x128xf32, #tpu.memory_space<vmem>>
      %gather3A_1440 = tpu.vector_load_idx %gather3A_1439[%add3A_1435, %broadcast_in_dim3A_1369] : memref<64x128xf32, #tpu.memory_space<vmem>>[vector<16xi32>, vector<16xi32>], vector<16xf32>,
      %scatter3A_1441 = arith.constant 0 : i32
      %scatter3A_1442 = arith.constant 0 : i32
      %scatter3A_1443 = tpu.memref_slice %arg8[%select_n3A_1396, %scatter3A_1441, %scatter3A_1442] : memref<2x64x128xf32, #tpu.memory_space<vmem>> -> memref<1x64x128xf32, #tpu.memory_space<vmem>>
      %scatter3A_1444 = tpu.memref_squeeze %scatter3A_1443 : memref<1x64x128xf32, #tpu.memory_space<vmem>> -> memref<64x128xf32, #tpu.memory_space<vmem>>
      tpu.vector_store_idx %scatter3A_1444[%add3A_1435, %broadcast_in_dim3A_1372], %gather3A_1440 {add = true} : memref<64x128xf32, #tpu.memory_space<vmem>>[vector<16xi32>, vector<16xi32>], vector<16xf32>,
      %mul3A_1445 = arith.constant 4 : i32
      %mul3A_1446 = arith.muli %add3A_1244, %mul3A_1445 : i32
      %add3A_1447 = arith.constant 2 : i32
      %add3A_1448 = arith.addi %mul3A_1446, %add3A_1447 : i32
      %rem3A_1449 = arith.constant 12 : i32
      %rem3A_1450 = arith.remsi %add3A_1448, %rem3A_1449 : i32
      %dma_wait3A_1451 = arith.constant 0 : i32
      %dma_wait3A_1452 = arith.constant 0 : i32
      %dma_wait3A_1453 = tpu.memref_slice %arg7[%rem3A_1450, %dma_wait3A_1451, %dma_wait3A_1452] : memref<12x64x128xf32, #tpu.memory_space<vmem>> -> memref<1x64x128xf32, #tpu.memory_space<vmem>>
      %dma_wait3A_1454 = tpu.memref_squeeze %dma_wait3A_1453 : memref<1x64x128xf32, #tpu.memory_space<vmem>> -> memref<64x128xf32, #tpu.memory_space<vmem>>
      %dma_wait3A_1455 = arith.constant 0 : i32
      %dma_wait3A_1456 = arith.constant 0 : i32
      %dma_wait3A_1457 = tpu.memref_slice %arg3[%dma_wait3A_1455, %dma_wait3A_1456] : memref<64x1000000xf32, #tpu.memory_space<hbm>> -> memref<64x128xf32, #tpu.memory_space<hbm>>
      %dma_wait3A_1458 = arith.constant 0 : i32
      %dma_wait3A_1459 = arith.constant 0 : i32
      %dma_wait3A_1460 = tpu.memref_slice %arg7[%rem3A_1450, %dma_wait3A_1458, %dma_wait3A_1459] : memref<12x64x128xf32, #tpu.memory_space<vmem>> -> memref<1x64x128xf32, #tpu.memory_space<vmem>>
      %dma_wait3A_1461 = tpu.memref_squeeze %dma_wait3A_1460 : memref<1x64x128xf32, #tpu.memory_space<vmem>> -> memref<64x128xf32, #tpu.memory_space<vmem>>
      %dma_wait3A_1462 = arith.constant 0 : i32
      %dma_wait3A_1463 = arith.constant 0 : i32
      %dma_wait3A_1464 = tpu.memref_slice %arg3[%dma_wait3A_1462, %dma_wait3A_1463] : memref<64x1000000xf32, #tpu.memory_space<hbm>> -> memref<64x128xf32, #tpu.memory_space<hbm>>
      tpu.wait_dma2 semaphore(%arg9 : memref<!tpu.dma_semaphore, #tpu.memory_space<semaphore_mem>>) src(%dma_wait3A_1464 : memref<64x128xf32, #tpu.memory_space<hbm>>) dst(%dma_wait3A_1461 : memref<64x128xf32, #tpu.memory_space<vmem>>)
      %slice3A_1465 = vector.extract_strided_slice %scan3A_388 {offsets = [10], sizes = [1], strides = [1]} : vector<16xi32> to vector<1xi32>
      %squeeze3A_1466 = vector.extract %slice3A_1465[0] : i32 from vector<1xi32>
      %and3A_1467 = arith.constant 127 : i32
      %and3A_1468 = arith.andi %squeeze3A_1466, %and3A_1467 : i32
      %broadcast_in_dim3A_1469 = vector.broadcast %and3A_1468 : i32 to vector<16xi32>
      %rem3A_1470 = arith.constant 128 : i32
      %rem3A_1471 = arith.remsi %add3A_1448, %rem3A_1470 : i32
      %broadcast_in_dim3A_1472 = vector.broadcast %rem3A_1471 : i32 to vector<16xi32>
      %jit3A_1473 = arith.constant 128 : i32
      %div3A_1474 = arith.divsi %add3A_1448, %jit3A_1473 : i32
      %sign3A_1475 = arith.constant 0 : i32
      %sign3A_1476 = arith.cmpi sgt, %add3A_1448, %sign3A_1475 : i32
      %sign3A_1477 = arith.extui %sign3A_1476 : i1 to i32
      %sign3A_1478 = arith.constant 0 : i32
      %sign3A_1479 = arith.cmpi slt, %add3A_1448, %sign3A_1478 : i32
      %sign3A_1480 = arith.extui %sign3A_1479 : i1 to i32
      %sign3A_1481 = arith.subi %sign3A_1477, %sign3A_1480 : i32
      %sign3A_1482 = arith.constant 0 : i32
      %sign3A_1483 = arith.cmpi sgt, %jit3A_1473, %sign3A_1482 : i32
      %sign3A_1484 = arith.extui %sign3A_1483 : i1 to i32
      %sign3A_1485 = arith.constant 0 : i32
      %sign3A_1486 = arith.cmpi slt, %jit3A_1473, %sign3A_1485 : i32
      %sign3A_1487 = arith.extui %sign3A_1486 : i1 to i32
      %sign3A_1488 = arith.subi %sign3A_1484, %sign3A_1487 : i32
      %ne3A_1489 = arith.cmpi ne, %sign3A_1481, %sign3A_1488 : i32
      %rem3A_1490 = arith.remsi %add3A_1448, %jit3A_1473 : i32
      %ne3A_1491 = arith.constant 0 : i32
      %ne3A_1492 = arith.cmpi ne, %rem3A_1490, %ne3A_1491 : i32
      %and3A_1493 = arith.andi %ne3A_1489, %ne3A_1492 : i1
      %sub3A_1494 = arith.constant 1 : i32
      %sub3A_1495 = arith.subi %div3A_1474, %sub3A_1494 : i32
      %select_n3A_1496 = arith.select %and3A_1493, %sub3A_1495, %div3A_1474 : i32
      %add3A_1497 = arith.constant 0 : i32
      %add3A_1498 = vector.broadcast %add3A_1497 : i32 to vector<16xi32>
      %add3A_1499 = arith.addi %iota3A, %add3A_1498 : vector<16xi32>
      %gather3A_1500 = arith.constant 0 : i32
      %gather3A_1501 = arith.constant 0 : i32
      %gather3A_1502 = tpu.memref_slice %arg7[%rem3A_1450, %gather3A_1500, %gather3A_1501] : memref<12x64x128xf32, #tpu.memory_space<vmem>> -> memref<1x64x128xf32, #tpu.memory_space<vmem>>
      %gather3A_1503 = tpu.memref_squeeze %gather3A_1502 : memref<1x64x128xf32, #tpu.memory_space<vmem>> -> memref<64x128xf32, #tpu.memory_space<vmem>>
      %gather3A_1504 = tpu.vector_load_idx %gather3A_1503[%add3A_1499, %broadcast_in_dim3A_1469] : memref<64x128xf32, #tpu.memory_space<vmem>>[vector<16xi32>, vector<16xi32>], vector<16xf32>,
      %scatter3A_1505 = arith.constant 0 : i32
      %scatter3A_1506 = arith.constant 0 : i32
      %scatter3A_1507 = tpu.memref_slice %arg8[%select_n3A_1496, %scatter3A_1505, %scatter3A_1506] : memref<2x64x128xf32, #tpu.memory_space<vmem>> -> memref<1x64x128xf32, #tpu.memory_space<vmem>>
      %scatter3A_1508 = tpu.memref_squeeze %scatter3A_1507 : memref<1x64x128xf32, #tpu.memory_space<vmem>> -> memref<64x128xf32, #tpu.memory_space<vmem>>
      tpu.vector_store_idx %scatter3A_1508[%add3A_1499, %broadcast_in_dim3A_1472], %gather3A_1504 {add = true} : memref<64x128xf32, #tpu.memory_space<vmem>>[vector<16xi32>, vector<16xi32>], vector<16xf32>,
      %add3A_1509 = arith.constant 16 : i32
      %add3A_1510 = vector.broadcast %add3A_1509 : i32 to vector<16xi32>
      %add3A_1511 = arith.addi %iota3A, %add3A_1510 : vector<16xi32>
      %gather3A_1512 = arith.constant 0 : i32
      %gather3A_1513 = arith.constant 0 : i32
      %gather3A_1514 = tpu.memref_slice %arg7[%rem3A_1450, %gather3A_1512, %gather3A_1513] : memref<12x64x128xf32, #tpu.memory_space<vmem>> -> memref<1x64x128xf32, #tpu.memory_space<vmem>>
      %gather3A_1515 = tpu.memref_squeeze %gather3A_1514 : memref<1x64x128xf32, #tpu.memory_space<vmem>> -> memref<64x128xf32, #tpu.memory_space<vmem>>
      %gather3A_1516 = tpu.vector_load_idx %gather3A_1515[%add3A_1511, %broadcast_in_dim3A_1469] : memref<64x128xf32, #tpu.memory_space<vmem>>[vector<16xi32>, vector<16xi32>], vector<16xf32>,
      %scatter3A_1517 = arith.constant 0 : i32
      %scatter3A_1518 = arith.constant 0 : i32
      %scatter3A_1519 = tpu.memref_slice %arg8[%select_n3A_1496, %scatter3A_1517, %scatter3A_1518] : memref<2x64x128xf32, #tpu.memory_space<vmem>> -> memref<1x64x128xf32, #tpu.memory_space<vmem>>
      %scatter3A_1520 = tpu.memref_squeeze %scatter3A_1519 : memref<1x64x128xf32, #tpu.memory_space<vmem>> -> memref<64x128xf32, #tpu.memory_space<vmem>>
      tpu.vector_store_idx %scatter3A_1520[%add3A_1511, %broadcast_in_dim3A_1472], %gather3A_1516 {add = true} : memref<64x128xf32, #tpu.memory_space<vmem>>[vector<16xi32>, vector<16xi32>], vector<16xf32>,
      %add3A_1521 = arith.constant 32 : i32
      %add3A_1522 = vector.broadcast %add3A_1521 : i32 to vector<16xi32>
      %add3A_1523 = arith.addi %iota3A, %add3A_1522 : vector<16xi32>
      %gather3A_1524 = arith.constant 0 : i32
      %gather3A_1525 = arith.constant 0 : i32
      %gather3A_1526 = tpu.memref_slice %arg7[%rem3A_1450, %gather3A_1524, %gather3A_1525] : memref<12x64x128xf32, #tpu.memory_space<vmem>> -> memref<1x64x128xf32, #tpu.memory_space<vmem>>
      %gather3A_1527 = tpu.memref_squeeze %gather3A_1526 : memref<1x64x128xf32, #tpu.memory_space<vmem>> -> memref<64x128xf32, #tpu.memory_space<vmem>>
      %gather3A_1528 = tpu.vector_load_idx %gather3A_1527[%add3A_1523, %broadcast_in_dim3A_1469] : memref<64x128xf32, #tpu.memory_space<vmem>>[vector<16xi32>, vector<16xi32>], vector<16xf32>,
      %scatter3A_1529 = arith.constant 0 : i32
      %scatter3A_1530 = arith.constant 0 : i32
      %scatter3A_1531 = tpu.memref_slice %arg8[%select_n3A_1496, %scatter3A_1529, %scatter3A_1530] : memref<2x64x128xf32, #tpu.memory_space<vmem>> -> memref<1x64x128xf32, #tpu.memory_space<vmem>>
      %scatter3A_1532 = tpu.memref_squeeze %scatter3A_1531 : memref<1x64x128xf32, #tpu.memory_space<vmem>> -> memref<64x128xf32, #tpu.memory_space<vmem>>
      tpu.vector_store_idx %scatter3A_1532[%add3A_1523, %broadcast_in_dim3A_1472], %gather3A_1528 {add = true} : memref<64x128xf32, #tpu.memory_space<vmem>>[vector<16xi32>, vector<16xi32>], vector<16xf32>,
      %add3A_1533 = arith.constant 48 : i32
      %add3A_1534 = vector.broadcast %add3A_1533 : i32 to vector<16xi32>
      %add3A_1535 = arith.addi %iota3A, %add3A_1534 : vector<16xi32>
      %gather3A_1536 = arith.constant 0 : i32
      %gather3A_1537 = arith.constant 0 : i32
      %gather3A_1538 = tpu.memref_slice %arg7[%rem3A_1450, %gather3A_1536, %gather3A_1537] : memref<12x64x128xf32, #tpu.memory_space<vmem>> -> memref<1x64x128xf32, #tpu.memory_space<vmem>>
      %gather3A_1539 = tpu.memref_squeeze %gather3A_1538 : memref<1x64x128xf32, #tpu.memory_space<vmem>> -> memref<64x128xf32, #tpu.memory_space<vmem>>
      %gather3A_1540 = tpu.vector_load_idx %gather3A_1539[%add3A_1535, %broadcast_in_dim3A_1469] : memref<64x128xf32, #tpu.memory_space<vmem>>[vector<16xi32>, vector<16xi32>], vector<16xf32>,
      %scatter3A_1541 = arith.constant 0 : i32
      %scatter3A_1542 = arith.constant 0 : i32
      %scatter3A_1543 = tpu.memref_slice %arg8[%select_n3A_1496, %scatter3A_1541, %scatter3A_1542] : memref<2x64x128xf32, #tpu.memory_space<vmem>> -> memref<1x64x128xf32, #tpu.memory_space<vmem>>
      %scatter3A_1544 = tpu.memref_squeeze %scatter3A_1543 : memref<1x64x128xf32, #tpu.memory_space<vmem>> -> memref<64x128xf32, #tpu.memory_space<vmem>>
      tpu.vector_store_idx %scatter3A_1544[%add3A_1535, %broadcast_in_dim3A_1472], %gather3A_1540 {add = true} : memref<64x128xf32, #tpu.memory_space<vmem>>[vector<16xi32>, vector<16xi32>], vector<16xf32>,
      %mul3A_1545 = arith.constant 4 : i32
      %mul3A_1546 = arith.muli %add3A_1244, %mul3A_1545 : i32
      %add3A_1547 = arith.constant 3 : i32
      %add3A_1548 = arith.addi %mul3A_1546, %add3A_1547 : i32
      %rem3A_1549 = arith.constant 12 : i32
      %rem3A_1550 = arith.remsi %add3A_1548, %rem3A_1549 : i32
      %dma_wait3A_1551 = arith.constant 0 : i32
      %dma_wait3A_1552 = arith.constant 0 : i32
      %dma_wait3A_1553 = tpu.memref_slice %arg7[%rem3A_1550, %dma_wait3A_1551, %dma_wait3A_1552] : memref<12x64x128xf32, #tpu.memory_space<vmem>> -> memref<1x64x128xf32, #tpu.memory_space<vmem>>
      %dma_wait3A_1554 = tpu.memref_squeeze %dma_wait3A_1553 : memref<1x64x128xf32, #tpu.memory_space<vmem>> -> memref<64x128xf32, #tpu.memory_space<vmem>>
      %dma_wait3A_1555 = arith.constant 0 : i32
      %dma_wait3A_1556 = arith.constant 0 : i32
      %dma_wait3A_1557 = tpu.memref_slice %arg3[%dma_wait3A_1555, %dma_wait3A_1556] : memref<64x1000000xf32, #tpu.memory_space<hbm>> -> memref<64x128xf32, #tpu.memory_space<hbm>>
      %dma_wait3A_1558 = arith.constant 0 : i32
      %dma_wait3A_1559 = arith.constant 0 : i32
      %dma_wait3A_1560 = tpu.memref_slice %arg7[%rem3A_1550, %dma_wait3A_1558, %dma_wait3A_1559] : memref<12x64x128xf32, #tpu.memory_space<vmem>> -> memref<1x64x128xf32, #tpu.memory_space<vmem>>
      %dma_wait3A_1561 = tpu.memref_squeeze %dma_wait3A_1560 : memref<1x64x128xf32, #tpu.memory_space<vmem>> -> memref<64x128xf32, #tpu.memory_space<vmem>>
      %dma_wait3A_1562 = arith.constant 0 : i32
      %dma_wait3A_1563 = arith.constant 0 : i32
      %dma_wait3A_1564 = tpu.memref_slice %arg3[%dma_wait3A_1562, %dma_wait3A_1563] : memref<64x1000000xf32, #tpu.memory_space<hbm>> -> memref<64x128xf32, #tpu.memory_space<hbm>>
      tpu.wait_dma2 semaphore(%arg9 : memref<!tpu.dma_semaphore, #tpu.memory_space<semaphore_mem>>) src(%dma_wait3A_1564 : memref<64x128xf32, #tpu.memory_space<hbm>>) dst(%dma_wait3A_1561 : memref<64x128xf32, #tpu.memory_space<vmem>>)
      %slice3A_1565 = vector.extract_strided_slice %scan3A_388 {offsets = [11], sizes = [1], strides = [1]} : vector<16xi32> to vector<1xi32>
      %squeeze3A_1566 = vector.extract %slice3A_1565[0] : i32 from vector<1xi32>
      %and3A_1567 = arith.constant 127 : i32
      %and3A_1568 = arith.andi %squeeze3A_1566, %and3A_1567 : i32
      %broadcast_in_dim3A_1569 = vector.broadcast %and3A_1568 : i32 to vector<16xi32>
      %rem3A_1570 = arith.constant 128 : i32
      %rem3A_1571 = arith.remsi %add3A_1548, %rem3A_1570 : i32
      %broadcast_in_dim3A_1572 = vector.broadcast %rem3A_1571 : i32 to vector<16xi32>
      %jit3A_1573 = arith.constant 128 : i32
      %div3A_1574 = arith.divsi %add3A_1548, %jit3A_1573 : i32
      %sign3A_1575 = arith.constant 0 : i32
      %sign3A_1576 = arith.cmpi sgt, %add3A_1548, %sign3A_1575 : i32
      %sign3A_1577 = arith.extui %sign3A_1576 : i1 to i32
      %sign3A_1578 = arith.constant 0 : i32
      %sign3A_1579 = arith.cmpi slt, %add3A_1548, %sign3A_1578 : i32
      %sign3A_1580 = arith.extui %sign3A_1579 : i1 to i32
      %sign3A_1581 = arith.subi %sign3A_1577, %sign3A_1580 : i32
      %sign3A_1582 = arith.constant 0 : i32
      %sign3A_1583 = arith.cmpi sgt, %jit3A_1573, %sign3A_1582 : i32
      %sign3A_1584 = arith.extui %sign3A_1583 : i1 to i32
      %sign3A_1585 = arith.constant 0 : i32
      %sign3A_1586 = arith.cmpi slt, %jit3A_1573, %sign3A_1585 : i32
      %sign3A_1587 = arith.extui %sign3A_1586 : i1 to i32
      %sign3A_1588 = arith.subi %sign3A_1584, %sign3A_1587 : i32
      %ne3A_1589 = arith.cmpi ne, %sign3A_1581, %sign3A_1588 : i32
      %rem3A_1590 = arith.remsi %add3A_1548, %jit3A_1573 : i32
      %ne3A_1591 = arith.constant 0 : i32
      %ne3A_1592 = arith.cmpi ne, %rem3A_1590, %ne3A_1591 : i32
      %and3A_1593 = arith.andi %ne3A_1589, %ne3A_1592 : i1
      %sub3A_1594 = arith.constant 1 : i32
      %sub3A_1595 = arith.subi %div3A_1574, %sub3A_1594 : i32
      %select_n3A_1596 = arith.select %and3A_1593, %sub3A_1595, %div3A_1574 : i32
      %add3A_1597 = arith.constant 0 : i32
      %add3A_1598 = vector.broadcast %add3A_1597 : i32 to vector<16xi32>
      %add3A_1599 = arith.addi %iota3A, %add3A_1598 : vector<16xi32>
      %gather3A_1600 = arith.constant 0 : i32
      %gather3A_1601 = arith.constant 0 : i32
      %gather3A_1602 = tpu.memref_slice %arg7[%rem3A_1550, %gather3A_1600, %gather3A_1601] : memref<12x64x128xf32, #tpu.memory_space<vmem>> -> memref<1x64x128xf32, #tpu.memory_space<vmem>>
      %gather3A_1603 = tpu.memref_squeeze %gather3A_1602 : memref<1x64x128xf32, #tpu.memory_space<vmem>> -> memref<64x128xf32, #tpu.memory_space<vmem>>
      %gather3A_1604 = tpu.vector_load_idx %gather3A_1603[%add3A_1599, %broadcast_in_dim3A_1569] : memref<64x128xf32, #tpu.memory_space<vmem>>[vector<16xi32>, vector<16xi32>], vector<16xf32>,
      %scatter3A_1605 = arith.constant 0 : i32
      %scatter3A_1606 = arith.constant 0 : i32
      %scatter3A_1607 = tpu.memref_slice %arg8[%select_n3A_1596, %scatter3A_1605, %scatter3A_1606] : memref<2x64x128xf32, #tpu.memory_space<vmem>> -> memref<1x64x128xf32, #tpu.memory_space<vmem>>
      %scatter3A_1608 = tpu.memref_squeeze %scatter3A_1607 : memref<1x64x128xf32, #tpu.memory_space<vmem>> -> memref<64x128xf32, #tpu.memory_space<vmem>>
      tpu.vector_store_idx %scatter3A_1608[%add3A_1599, %broadcast_in_dim3A_1572], %gather3A_1604 {add = true} : memref<64x128xf32, #tpu.memory_space<vmem>>[vector<16xi32>, vector<16xi32>], vector<16xf32>,
      %add3A_1609 = arith.constant 16 : i32
      %add3A_1610 = vector.broadcast %add3A_1609 : i32 to vector<16xi32>
      %add3A_1611 = arith.addi %iota3A, %add3A_1610 : vector<16xi32>
      %gather3A_1612 = arith.constant 0 : i32
      %gather3A_1613 = arith.constant 0 : i32
      %gather3A_1614 = tpu.memref_slice %arg7[%rem3A_1550, %gather3A_1612, %gather3A_1613] : memref<12x64x128xf32, #tpu.memory_space<vmem>> -> memref<1x64x128xf32, #tpu.memory_space<vmem>>
      %gather3A_1615 = tpu.memref_squeeze %gather3A_1614 : memref<1x64x128xf32, #tpu.memory_space<vmem>> -> memref<64x128xf32, #tpu.memory_space<vmem>>
      %gather3A_1616 = tpu.vector_load_idx %gather3A_1615[%add3A_1611, %broadcast_in_dim3A_1569] : memref<64x128xf32, #tpu.memory_space<vmem>>[vector<16xi32>, vector<16xi32>], vector<16xf32>,
      %scatter3A_1617 = arith.constant 0 : i32
      %scatter3A_1618 = arith.constant 0 : i32
      %scatter3A_1619 = tpu.memref_slice %arg8[%select_n3A_1596, %scatter3A_1617, %scatter3A_1618] : memref<2x64x128xf32, #tpu.memory_space<vmem>> -> memref<1x64x128xf32, #tpu.memory_space<vmem>>
      %scatter3A_1620 = tpu.memref_squeeze %scatter3A_1619 : memref<1x64x128xf32, #tpu.memory_space<vmem>> -> memref<64x128xf32, #tpu.memory_space<vmem>>
      tpu.vector_store_idx %scatter3A_1620[%add3A_1611, %broadcast_in_dim3A_1572], %gather3A_1616 {add = true} : memref<64x128xf32, #tpu.memory_space<vmem>>[vector<16xi32>, vector<16xi32>], vector<16xf32>,
      %add3A_1621 = arith.constant 32 : i32
      %add3A_1622 = vector.broadcast %add3A_1621 : i32 to vector<16xi32>
      %add3A_1623 = arith.addi %iota3A, %add3A_1622 : vector<16xi32>
      %gather3A_1624 = arith.constant 0 : i32
      %gather3A_1625 = arith.constant 0 : i32
      %gather3A_1626 = tpu.memref_slice %arg7[%rem3A_1550, %gather3A_1624, %gather3A_1625] : memref<12x64x128xf32, #tpu.memory_space<vmem>> -> memref<1x64x128xf32, #tpu.memory_space<vmem>>
      %gather3A_1627 = tpu.memref_squeeze %gather3A_1626 : memref<1x64x128xf32, #tpu.memory_space<vmem>> -> memref<64x128xf32, #tpu.memory_space<vmem>>
      %gather3A_1628 = tpu.vector_load_idx %gather3A_1627[%add3A_1623, %broadcast_in_dim3A_1569] : memref<64x128xf32, #tpu.memory_space<vmem>>[vector<16xi32>, vector<16xi32>], vector<16xf32>,
      %scatter3A_1629 = arith.constant 0 : i32
      %scatter3A_1630 = arith.constant 0 : i32
      %scatter3A_1631 = tpu.memref_slice %arg8[%select_n3A_1596, %scatter3A_1629, %scatter3A_1630] : memref<2x64x128xf32, #tpu.memory_space<vmem>> -> memref<1x64x128xf32, #tpu.memory_space<vmem>>
      %scatter3A_1632 = tpu.memref_squeeze %scatter3A_1631 : memref<1x64x128xf32, #tpu.memory_space<vmem>> -> memref<64x128xf32, #tpu.memory_space<vmem>>
      tpu.vector_store_idx %scatter3A_1632[%add3A_1623, %broadcast_in_dim3A_1572], %gather3A_1628 {add = true} : memref<64x128xf32, #tpu.memory_space<vmem>>[vector<16xi32>, vector<16xi32>], vector<16xf32>,
      %add3A_1633 = arith.constant 48 : i32
      %add3A_1634 = vector.broadcast %add3A_1633 : i32 to vector<16xi32>
      %add3A_1635 = arith.addi %iota3A, %add3A_1634 : vector<16xi32>
      %gather3A_1636 = arith.constant 0 : i32
      %gather3A_1637 = arith.constant 0 : i32
      %gather3A_1638 = tpu.memref_slice %arg7[%rem3A_1550, %gather3A_1636, %gather3A_1637] : memref<12x64x128xf32, #tpu.memory_space<vmem>> -> memref<1x64x128xf32, #tpu.memory_space<vmem>>
      %gather3A_1639 = tpu.memref_squeeze %gather3A_1638 : memref<1x64x128xf32, #tpu.memory_space<vmem>> -> memref<64x128xf32, #tpu.memory_space<vmem>>
      %gather3A_1640 = tpu.vector_load_idx %gather3A_1639[%add3A_1635, %broadcast_in_dim3A_1569] : memref<64x128xf32, #tpu.memory_space<vmem>>[vector<16xi32>, vector<16xi32>], vector<16xf32>,
      %scatter3A_1641 = arith.constant 0 : i32
      %scatter3A_1642 = arith.constant 0 : i32
      %scatter3A_1643 = tpu.memref_slice %arg8[%select_n3A_1596, %scatter3A_1641, %scatter3A_1642] : memref<2x64x128xf32, #tpu.memory_space<vmem>> -> memref<1x64x128xf32, #tpu.memory_space<vmem>>
      %scatter3A_1644 = tpu.memref_squeeze %scatter3A_1643 : memref<1x64x128xf32, #tpu.memory_space<vmem>> -> memref<64x128xf32, #tpu.memory_space<vmem>>
      tpu.vector_store_idx %scatter3A_1644[%add3A_1635, %broadcast_in_dim3A_1572], %gather3A_1640 {add = true} : memref<64x128xf32, #tpu.memory_space<vmem>>[vector<16xi32>, vector<16xi32>], vector<16xf32>,
      %add3A_1645 = arith.constant 3 : i32
      %add3A_1646 = arith.addi %add3A_1244, %add3A_1645 : i32
      %lt3A_1647 = arith.constant 64 : i32
      %lt3A_1648 = arith.cmpi slt, %add3A_1646, %lt3A_1647 : i32
      %convert_element_type3A_1649 = arith.extui %lt3A_1648 : i1 to i32
      %cond3A_1650 = arith.constant 0 : i32
      %cond3A_1651 = arith.cmpi ne, %convert_element_type3A_1649, %cond3A_1650 : i32
      scf.if %cond3A_1651 {
        %mul3A_2063 = arith.constant 4 : i32
        %mul3A_2064 = arith.muli %add3A_1646, %mul3A_2063 : i32
        %add3A_2065 = arith.constant 0 : i32
        %add3A_2066 = arith.addi %mul3A_2064, %add3A_2065 : i32
        %slice3A_2067 = vector.extract_strided_slice %get3A_424 {offsets = [4], sizes = [1], strides = [1]} : vector<16xi32> to vector<1xi32>
        %squeeze3A_2068 = vector.extract %slice3A_2067[0] : i32 from vector<1xi32>
        %shift_right_logical3A_2069 = arith.constant 7 : i32
        %shift_right_logical3A_2070 = arith.shrui %squeeze3A_2068, %shift_right_logical3A_2069 : i32
        %mul3A_2071 = arith.constant 128 : i32
        %mul3A_2072 = arith.muli %shift_right_logical3A_2070, %mul3A_2071 : i32
        %multiple_of3A_2073 = tpu.assume_multiple %mul3A_2072, 128 : i32
        %rem3A_2074 = arith.constant 12 : i32
        %rem3A_2075 = arith.remsi %add3A_2066, %rem3A_2074 : i32
        %dma_start3A_2076 = arith.constant 0 : i32
        %dma_start3A_2077 = arith.constant 0 : i32
        %dma_start3A_2078 = tpu.memref_slice %arg7[%rem3A_2075, %dma_start3A_2076, %dma_start3A_2077] : memref<12x64x128xf32, #tpu.memory_space<vmem>> -> memref<1x64x128xf32, #tpu.memory_space<vmem>>
        %dma_start3A_2079 = tpu.memref_squeeze %dma_start3A_2078 : memref<1x64x128xf32, #tpu.memory_space<vmem>> -> memref<64x128xf32, #tpu.memory_space<vmem>>
        %dma_start3A_2080 = arith.constant 0 : i32
        %dma_start3A_2081 = tpu.memref_slice %arg3[%dma_start3A_2080, %multiple_of3A_2073] : memref<64x1000000xf32, #tpu.memory_space<hbm>> -> memref<64x128xf32, #tpu.memory_space<hbm>>
        %dma_start3A_2082 = arith.constant 0 : i32
        %dma_start3A_2083 = arith.constant 0 : i32
        %dma_start3A_2084 = tpu.memref_slice %arg7[%rem3A_2075, %dma_start3A_2082, %dma_start3A_2083] : memref<12x64x128xf32, #tpu.memory_space<vmem>> -> memref<1x64x128xf32, #tpu.memory_space<vmem>>
        %dma_start3A_2085 = tpu.memref_squeeze %dma_start3A_2084 : memref<1x64x128xf32, #tpu.memory_space<vmem>> -> memref<64x128xf32, #tpu.memory_space<vmem>>
        %dma_start3A_2086 = arith.constant 0 : i32
        %dma_start3A_2087 = tpu.memref_slice %arg3[%dma_start3A_2086, %multiple_of3A_2073] : memref<64x1000000xf32, #tpu.memory_space<hbm>> -> memref<64x128xf32, #tpu.memory_space<hbm>>
        tpu.enqueue_dma source(%dma_start3A_2087 : memref<64x128xf32, #tpu.memory_space<hbm>>) target(%dma_start3A_2085 : memref<64x128xf32, #tpu.memory_space<vmem>>) target_semaphore(%arg9 : memref<!tpu.dma_semaphore, #tpu.memory_space<semaphore_mem>>)
        %mul3A_2088 = arith.constant 4 : i32
        %mul3A_2089 = arith.muli %add3A_1646, %mul3A_2088 : i32
        %add3A_2090 = arith.constant 1 : i32
        %add3A_2091 = arith.addi %mul3A_2089, %add3A_2090 : i32
        %slice3A_2092 = vector.extract_strided_slice %get3A_424 {offsets = [5], sizes = [1], strides = [1]} : vector<16xi32> to vector<1xi32>
        %squeeze3A_2093 = vector.extract %slice3A_2092[0] : i32 from vector<1xi32>
        %shift_right_logical3A_2094 = arith.constant 7 : i32
        %shift_right_logical3A_2095 = arith.shrui %squeeze3A_2093, %shift_right_logical3A_2094 : i32
        %mul3A_2096 = arith.constant 128 : i32
        %mul3A_2097 = arith.muli %shift_right_logical3A_2095, %mul3A_2096 : i32
        %multiple_of3A_2098 = tpu.assume_multiple %mul3A_2097, 128 : i32
        %rem3A_2099 = arith.constant 12 : i32
        %rem3A_2100 = arith.remsi %add3A_2091, %rem3A_2099 : i32
        %dma_start3A_2101 = arith.constant 0 : i32
        %dma_start3A_2102 = arith.constant 0 : i32
        %dma_start3A_2103 = tpu.memref_slice %arg7[%rem3A_2100, %dma_start3A_2101, %dma_start3A_2102] : memref<12x64x128xf32, #tpu.memory_space<vmem>> -> memref<1x64x128xf32, #tpu.memory_space<vmem>>
        %dma_start3A_2104 = tpu.memref_squeeze %dma_start3A_2103 : memref<1x64x128xf32, #tpu.memory_space<vmem>> -> memref<64x128xf32, #tpu.memory_space<vmem>>
        %dma_start3A_2105 = arith.constant 0 : i32
        %dma_start3A_2106 = tpu.memref_slice %arg3[%dma_start3A_2105, %multiple_of3A_2098] : memref<64x1000000xf32, #tpu.memory_space<hbm>> -> memref<64x128xf32, #tpu.memory_space<hbm>>
        %dma_start3A_2107 = arith.constant 0 : i32
        %dma_start3A_2108 = arith.constant 0 : i32
        %dma_start3A_2109 = tpu.memref_slice %arg7[%rem3A_2100, %dma_start3A_2107, %dma_start3A_2108] : memref<12x64x128xf32, #tpu.memory_space<vmem>> -> memref<1x64x128xf32, #tpu.memory_space<vmem>>
        %dma_start3A_2110 = tpu.memref_squeeze %dma_start3A_2109 : memref<1x64x128xf32, #tpu.memory_space<vmem>> -> memref<64x128xf32, #tpu.memory_space<vmem>>
        %dma_start3A_2111 = arith.constant 0 : i32
        %dma_start3A_2112 = tpu.memref_slice %arg3[%dma_start3A_2111, %multiple_of3A_2098] : memref<64x1000000xf32, #tpu.memory_space<hbm>> -> memref<64x128xf32, #tpu.memory_space<hbm>>
        tpu.enqueue_dma source(%dma_start3A_2112 : memref<64x128xf32, #tpu.memory_space<hbm>>) target(%dma_start3A_2110 : memref<64x128xf32, #tpu.memory_space<vmem>>) target_semaphore(%arg9 : memref<!tpu.dma_semaphore, #tpu.memory_space<semaphore_mem>>)
        %mul3A_2113 = arith.constant 4 : i32
        %mul3A_2114 = arith.muli %add3A_1646, %mul3A_2113 : i32
        %add3A_2115 = arith.constant 2 : i32
        %add3A_2116 = arith.addi %mul3A_2114, %add3A_2115 : i32
        %slice3A_2117 = vector.extract_strided_slice %get3A_424 {offsets = [6], sizes = [1], strides = [1]} : vector<16xi32> to vector<1xi32>
        %squeeze3A_2118 = vector.extract %slice3A_2117[0] : i32 from vector<1xi32>
        %shift_right_logical3A_2119 = arith.constant 7 : i32
        %shift_right_logical3A_2120 = arith.shrui %squeeze3A_2118, %shift_right_logical3A_2119 : i32
        %mul3A_2121 = arith.constant 128 : i32
        %mul3A_2122 = arith.muli %shift_right_logical3A_2120, %mul3A_2121 : i32
        %multiple_of3A_2123 = tpu.assume_multiple %mul3A_2122, 128 : i32
        %rem3A_2124 = arith.constant 12 : i32
        %rem3A_2125 = arith.remsi %add3A_2116, %rem3A_2124 : i32
        %dma_start3A_2126 = arith.constant 0 : i32
        %dma_start3A_2127 = arith.constant 0 : i32
        %dma_start3A_2128 = tpu.memref_slice %arg7[%rem3A_2125, %dma_start3A_2126, %dma_start3A_2127] : memref<12x64x128xf32, #tpu.memory_space<vmem>> -> memref<1x64x128xf32, #tpu.memory_space<vmem>>
        %dma_start3A_2129 = tpu.memref_squeeze %dma_start3A_2128 : memref<1x64x128xf32, #tpu.memory_space<vmem>> -> memref<64x128xf32, #tpu.memory_space<vmem>>
        %dma_start3A_2130 = arith.constant 0 : i32
        %dma_start3A_2131 = tpu.memref_slice %arg3[%dma_start3A_2130, %multiple_of3A_2123] : memref<64x1000000xf32, #tpu.memory_space<hbm>> -> memref<64x128xf32, #tpu.memory_space<hbm>>
        %dma_start3A_2132 = arith.constant 0 : i32
        %dma_start3A_2133 = arith.constant 0 : i32
        %dma_start3A_2134 = tpu.memref_slice %arg7[%rem3A_2125, %dma_start3A_2132, %dma_start3A_2133] : memref<12x64x128xf32, #tpu.memory_space<vmem>> -> memref<1x64x128xf32, #tpu.memory_space<vmem>>
        %dma_start3A_2135 = tpu.memref_squeeze %dma_start3A_2134 : memref<1x64x128xf32, #tpu.memory_space<vmem>> -> memref<64x128xf32, #tpu.memory_space<vmem>>
        %dma_start3A_2136 = arith.constant 0 : i32
        %dma_start3A_2137 = tpu.memref_slice %arg3[%dma_start3A_2136, %multiple_of3A_2123] : memref<64x1000000xf32, #tpu.memory_space<hbm>> -> memref<64x128xf32, #tpu.memory_space<hbm>>
        tpu.enqueue_dma source(%dma_start3A_2137 : memref<64x128xf32, #tpu.memory_space<hbm>>) target(%dma_start3A_2135 : memref<64x128xf32, #tpu.memory_space<vmem>>) target_semaphore(%arg9 : memref<!tpu.dma_semaphore, #tpu.memory_space<semaphore_mem>>)
        %mul3A_2138 = arith.constant 4 : i32
        %mul3A_2139 = arith.muli %add3A_1646, %mul3A_2138 : i32
        %add3A_2140 = arith.constant 3 : i32
        %add3A_2141 = arith.addi %mul3A_2139, %add3A_2140 : i32
        %slice3A_2142 = vector.extract_strided_slice %get3A_424 {offsets = [7], sizes = [1], strides = [1]} : vector<16xi32> to vector<1xi32>
        %squeeze3A_2143 = vector.extract %slice3A_2142[0] : i32 from vector<1xi32>
        %shift_right_logical3A_2144 = arith.constant 7 : i32
        %shift_right_logical3A_2145 = arith.shrui %squeeze3A_2143, %shift_right_logical3A_2144 : i32
        %mul3A_2146 = arith.constant 128 : i32
        %mul3A_2147 = arith.muli %shift_right_logical3A_2145, %mul3A_2146 : i32
        %multiple_of3A_2148 = tpu.assume_multiple %mul3A_2147, 128 : i32
        %rem3A_2149 = arith.constant 12 : i32
        %rem3A_2150 = arith.remsi %add3A_2141, %rem3A_2149 : i32
        %dma_start3A_2151 = arith.constant 0 : i32
        %dma_start3A_2152 = arith.constant 0 : i32
        %dma_start3A_2153 = tpu.memref_slice %arg7[%rem3A_2150, %dma_start3A_2151, %dma_start3A_2152] : memref<12x64x128xf32, #tpu.memory_space<vmem>> -> memref<1x64x128xf32, #tpu.memory_space<vmem>>
        %dma_start3A_2154 = tpu.memref_squeeze %dma_start3A_2153 : memref<1x64x128xf32, #tpu.memory_space<vmem>> -> memref<64x128xf32, #tpu.memory_space<vmem>>
        %dma_start3A_2155 = arith.constant 0 : i32
        %dma_start3A_2156 = tpu.memref_slice %arg3[%dma_start3A_2155, %multiple_of3A_2148] : memref<64x1000000xf32, #tpu.memory_space<hbm>> -> memref<64x128xf32, #tpu.memory_space<hbm>>
        %dma_start3A_2157 = arith.constant 0 : i32
        %dma_start3A_2158 = arith.constant 0 : i32
        %dma_start3A_2159 = tpu.memref_slice %arg7[%rem3A_2150, %dma_start3A_2157, %dma_start3A_2158] : memref<12x64x128xf32, #tpu.memory_space<vmem>> -> memref<1x64x128xf32, #tpu.memory_space<vmem>>
        %dma_start3A_2160 = tpu.memref_squeeze %dma_start3A_2159 : memref<1x64x128xf32, #tpu.memory_space<vmem>> -> memref<64x128xf32, #tpu.memory_space<vmem>>
        %dma_start3A_2161 = arith.constant 0 : i32
        %dma_start3A_2162 = tpu.memref_slice %arg3[%dma_start3A_2161, %multiple_of3A_2148] : memref<64x1000000xf32, #tpu.memory_space<hbm>> -> memref<64x128xf32, #tpu.memory_space<hbm>>
        tpu.enqueue_dma source(%dma_start3A_2162 : memref<64x128xf32, #tpu.memory_space<hbm>>) target(%dma_start3A_2160 : memref<64x128xf32, #tpu.memory_space<vmem>>) target_semaphore(%arg9 : memref<!tpu.dma_semaphore, #tpu.memory_space<semaphore_mem>>)
      } else {
      }
      %mul3A_1652 = arith.constant 4 : i32
      %mul3A_1653 = arith.muli %scan3A_387, %mul3A_1652 : i32
      %add3A_1654 = arith.constant 3 : i32
      %add3A_1655 = arith.addi %mul3A_1653, %add3A_1654 : i32
      %mul3A_1656 = arith.constant 4 : i32
      %mul3A_1657 = arith.muli %add3A_1655, %mul3A_1656 : i32
      %add3A_1658 = arith.constant 0 : i32
      %add3A_1659 = arith.addi %mul3A_1657, %add3A_1658 : i32
      %rem3A_1660 = arith.constant 12 : i32
      %rem3A_1661 = arith.remsi %add3A_1659, %rem3A_1660 : i32
      %dma_wait3A_1662 = arith.constant 0 : i32
      %dma_wait3A_1663 = arith.constant 0 : i32
      %dma_wait3A_1664 = tpu.memref_slice %arg7[%rem3A_1661, %dma_wait3A_1662, %dma_wait3A_1663] : memref<12x64x128xf32, #tpu.memory_space<vmem>> -> memref<1x64x128xf32, #tpu.memory_space<vmem>>
      %dma_wait3A_1665 = tpu.memref_squeeze %dma_wait3A_1664 : memref<1x64x128xf32, #tpu.memory_space<vmem>> -> memref<64x128xf32, #tpu.memory_space<vmem>>
      %dma_wait3A_1666 = arith.constant 0 : i32
      %dma_wait3A_1667 = arith.constant 0 : i32
      %dma_wait3A_1668 = tpu.memref_slice %arg3[%dma_wait3A_1666, %dma_wait3A_1667] : memref<64x1000000xf32, #tpu.memory_space<hbm>> -> memref<64x128xf32, #tpu.memory_space<hbm>>
      %dma_wait3A_1669 = arith.constant 0 : i32
      %dma_wait3A_1670 = arith.constant 0 : i32
      %dma_wait3A_1671 = tpu.memref_slice %arg7[%rem3A_1661, %dma_wait3A_1669, %dma_wait3A_1670] : memref<12x64x128xf32, #tpu.memory_space<vmem>> -> memref<1x64x128xf32, #tpu.memory_space<vmem>>
      %dma_wait3A_1672 = tpu.memref_squeeze %dma_wait3A_1671 : memref<1x64x128xf32, #tpu.memory_space<vmem>> -> memref<64x128xf32, #tpu.memory_space<vmem>>
      %dma_wait3A_1673 = arith.constant 0 : i32
      %dma_wait3A_1674 = arith.constant 0 : i32
      %dma_wait3A_1675 = tpu.memref_slice %arg3[%dma_wait3A_1673, %dma_wait3A_1674] : memref<64x1000000xf32, #tpu.memory_space<hbm>> -> memref<64x128xf32, #tpu.memory_space<hbm>>
      tpu.wait_dma2 semaphore(%arg9 : memref<!tpu.dma_semaphore, #tpu.memory_space<semaphore_mem>>) src(%dma_wait3A_1675 : memref<64x128xf32, #tpu.memory_space<hbm>>) dst(%dma_wait3A_1672 : memref<64x128xf32, #tpu.memory_space<vmem>>)
      %slice3A_1676 = vector.extract_strided_slice %scan3A_388 {offsets = [12], sizes = [1], strides = [1]} : vector<16xi32> to vector<1xi32>
      %squeeze3A_1677 = vector.extract %slice3A_1676[0] : i32 from vector<1xi32>
      %and3A_1678 = arith.constant 127 : i32
      %and3A_1679 = arith.andi %squeeze3A_1677, %and3A_1678 : i32
      %broadcast_in_dim3A_1680 = vector.broadcast %and3A_1679 : i32 to vector<16xi32>
      %rem3A_1681 = arith.constant 128 : i32
      %rem3A_1682 = arith.remsi %add3A_1659, %rem3A_1681 : i32
      %broadcast_in_dim3A_1683 = vector.broadcast %rem3A_1682 : i32 to vector<16xi32>
      %jit3A_1684 = arith.constant 128 : i32
      %div3A_1685 = arith.divsi %add3A_1659, %jit3A_1684 : i32
      %sign3A_1686 = arith.constant 0 : i32
      %sign3A_1687 = arith.cmpi sgt, %add3A_1659, %sign3A_1686 : i32
      %sign3A_1688 = arith.extui %sign3A_1687 : i1 to i32
      %sign3A_1689 = arith.constant 0 : i32
      %sign3A_1690 = arith.cmpi slt, %add3A_1659, %sign3A_1689 : i32
      %sign3A_1691 = arith.extui %sign3A_1690 : i1 to i32
      %sign3A_1692 = arith.subi %sign3A_1688, %sign3A_1691 : i32
      %sign3A_1693 = arith.constant 0 : i32
      %sign3A_1694 = arith.cmpi sgt, %jit3A_1684, %sign3A_1693 : i32
      %sign3A_1695 = arith.extui %sign3A_1694 : i1 to i32
      %sign3A_1696 = arith.constant 0 : i32
      %sign3A_1697 = arith.cmpi slt, %jit3A_1684, %sign3A_1696 : i32
      %sign3A_1698 = arith.extui %sign3A_1697 : i1 to i32
      %sign3A_1699 = arith.subi %sign3A_1695, %sign3A_1698 : i32
      %ne3A_1700 = arith.cmpi ne, %sign3A_1692, %sign3A_1699 : i32
      %rem3A_1701 = arith.remsi %add3A_1659, %jit3A_1684 : i32
      %ne3A_1702 = arith.constant 0 : i32
      %ne3A_1703 = arith.cmpi ne, %rem3A_1701, %ne3A_1702 : i32
      %and3A_1704 = arith.andi %ne3A_1700, %ne3A_1703 : i1
      %sub3A_1705 = arith.constant 1 : i32
      %sub3A_1706 = arith.subi %div3A_1685, %sub3A_1705 : i32
      %select_n3A_1707 = arith.select %and3A_1704, %sub3A_1706, %div3A_1685 : i32
      %add3A_1708 = arith.constant 0 : i32
      %add3A_1709 = vector.broadcast %add3A_1708 : i32 to vector<16xi32>
      %add3A_1710 = arith.addi %iota3A, %add3A_1709 : vector<16xi32>
      %gather3A_1711 = arith.constant 0 : i32
      %gather3A_1712 = arith.constant 0 : i32
      %gather3A_1713 = tpu.memref_slice %arg7[%rem3A_1661, %gather3A_1711, %gather3A_1712] : memref<12x64x128xf32, #tpu.memory_space<vmem>> -> memref<1x64x128xf32, #tpu.memory_space<vmem>>
      %gather3A_1714 = tpu.memref_squeeze %gather3A_1713 : memref<1x64x128xf32, #tpu.memory_space<vmem>> -> memref<64x128xf32, #tpu.memory_space<vmem>>
      %gather3A_1715 = tpu.vector_load_idx %gather3A_1714[%add3A_1710, %broadcast_in_dim3A_1680] : memref<64x128xf32, #tpu.memory_space<vmem>>[vector<16xi32>, vector<16xi32>], vector<16xf32>,
      %scatter3A_1716 = arith.constant 0 : i32
      %scatter3A_1717 = arith.constant 0 : i32
      %scatter3A_1718 = tpu.memref_slice %arg8[%select_n3A_1707, %scatter3A_1716, %scatter3A_1717] : memref<2x64x128xf32, #tpu.memory_space<vmem>> -> memref<1x64x128xf32, #tpu.memory_space<vmem>>
      %scatter3A_1719 = tpu.memref_squeeze %scatter3A_1718 : memref<1x64x128xf32, #tpu.memory_space<vmem>> -> memref<64x128xf32, #tpu.memory_space<vmem>>
      tpu.vector_store_idx %scatter3A_1719[%add3A_1710, %broadcast_in_dim3A_1683], %gather3A_1715 {add = true} : memref<64x128xf32, #tpu.memory_space<vmem>>[vector<16xi32>, vector<16xi32>], vector<16xf32>,
      %add3A_1720 = arith.constant 16 : i32
      %add3A_1721 = vector.broadcast %add3A_1720 : i32 to vector<16xi32>
      %add3A_1722 = arith.addi %iota3A, %add3A_1721 : vector<16xi32>
      %gather3A_1723 = arith.constant 0 : i32
      %gather3A_1724 = arith.constant 0 : i32
      %gather3A_1725 = tpu.memref_slice %arg7[%rem3A_1661, %gather3A_1723, %gather3A_1724] : memref<12x64x128xf32, #tpu.memory_space<vmem>> -> memref<1x64x128xf32, #tpu.memory_space<vmem>>
      %gather3A_1726 = tpu.memref_squeeze %gather3A_1725 : memref<1x64x128xf32, #tpu.memory_space<vmem>> -> memref<64x128xf32, #tpu.memory_space<vmem>>
      %gather3A_1727 = tpu.vector_load_idx %gather3A_1726[%add3A_1722, %broadcast_in_dim3A_1680] : memref<64x128xf32, #tpu.memory_space<vmem>>[vector<16xi32>, vector<16xi32>], vector<16xf32>,
      %scatter3A_1728 = arith.constant 0 : i32
      %scatter3A_1729 = arith.constant 0 : i32
      %scatter3A_1730 = tpu.memref_slice %arg8[%select_n3A_1707, %scatter3A_1728, %scatter3A_1729] : memref<2x64x128xf32, #tpu.memory_space<vmem>> -> memref<1x64x128xf32, #tpu.memory_space<vmem>>
      %scatter3A_1731 = tpu.memref_squeeze %scatter3A_1730 : memref<1x64x128xf32, #tpu.memory_space<vmem>> -> memref<64x128xf32, #tpu.memory_space<vmem>>
      tpu.vector_store_idx %scatter3A_1731[%add3A_1722, %broadcast_in_dim3A_1683], %gather3A_1727 {add = true} : memref<64x128xf32, #tpu.memory_space<vmem>>[vector<16xi32>, vector<16xi32>], vector<16xf32>,
      %add3A_1732 = arith.constant 32 : i32
      %add3A_1733 = vector.broadcast %add3A_1732 : i32 to vector<16xi32>
      %add3A_1734 = arith.addi %iota3A, %add3A_1733 : vector<16xi32>
      %gather3A_1735 = arith.constant 0 : i32
      %gather3A_1736 = arith.constant 0 : i32
      %gather3A_1737 = tpu.memref_slice %arg7[%rem3A_1661, %gather3A_1735, %gather3A_1736] : memref<12x64x128xf32, #tpu.memory_space<vmem>> -> memref<1x64x128xf32, #tpu.memory_space<vmem>>
      %gather3A_1738 = tpu.memref_squeeze %gather3A_1737 : memref<1x64x128xf32, #tpu.memory_space<vmem>> -> memref<64x128xf32, #tpu.memory_space<vmem>>
      %gather3A_1739 = tpu.vector_load_idx %gather3A_1738[%add3A_1734, %broadcast_in_dim3A_1680] : memref<64x128xf32, #tpu.memory_space<vmem>>[vector<16xi32>, vector<16xi32>], vector<16xf32>,
      %scatter3A_1740 = arith.constant 0 : i32
      %scatter3A_1741 = arith.constant 0 : i32
      %scatter3A_1742 = tpu.memref_slice %arg8[%select_n3A_1707, %scatter3A_1740, %scatter3A_1741] : memref<2x64x128xf32, #tpu.memory_space<vmem>> -> memref<1x64x128xf32, #tpu.memory_space<vmem>>
      %scatter3A_1743 = tpu.memref_squeeze %scatter3A_1742 : memref<1x64x128xf32, #tpu.memory_space<vmem>> -> memref<64x128xf32, #tpu.memory_space<vmem>>
      tpu.vector_store_idx %scatter3A_1743[%add3A_1734, %broadcast_in_dim3A_1683], %gather3A_1739 {add = true} : memref<64x128xf32, #tpu.memory_space<vmem>>[vector<16xi32>, vector<16xi32>], vector<16xf32>,
      %add3A_1744 = arith.constant 48 : i32
      %add3A_1745 = vector.broadcast %add3A_1744 : i32 to vector<16xi32>
      %add3A_1746 = arith.addi %iota3A, %add3A_1745 : vector<16xi32>
      %gather3A_1747 = arith.constant 0 : i32
      %gather3A_1748 = arith.constant 0 : i32
      %gather3A_1749 = tpu.memref_slice %arg7[%rem3A_1661, %gather3A_1747, %gather3A_1748] : memref<12x64x128xf32, #tpu.memory_space<vmem>> -> memref<1x64x128xf32, #tpu.memory_space<vmem>>
      %gather3A_1750 = tpu.memref_squeeze %gather3A_1749 : memref<1x64x128xf32, #tpu.memory_space<vmem>> -> memref<64x128xf32, #tpu.memory_space<vmem>>
      %gather3A_1751 = tpu.vector_load_idx %gather3A_1750[%add3A_1746, %broadcast_in_dim3A_1680] : memref<64x128xf32, #tpu.memory_space<vmem>>[vector<16xi32>, vector<16xi32>], vector<16xf32>,
      %scatter3A_1752 = arith.constant 0 : i32
      %scatter3A_1753 = arith.constant 0 : i32
      %scatter3A_1754 = tpu.memref_slice %arg8[%select_n3A_1707, %scatter3A_1752, %scatter3A_1753] : memref<2x64x128xf32, #tpu.memory_space<vmem>> -> memref<1x64x128xf32, #tpu.memory_space<vmem>>
      %scatter3A_1755 = tpu.memref_squeeze %scatter3A_1754 : memref<1x64x128xf32, #tpu.memory_space<vmem>> -> memref<64x128xf32, #tpu.memory_space<vmem>>
      tpu.vector_store_idx %scatter3A_1755[%add3A_1746, %broadcast_in_dim3A_1683], %gather3A_1751 {add = true} : memref<64x128xf32, #tpu.memory_space<vmem>>[vector<16xi32>, vector<16xi32>], vector<16xf32>,
      %mul3A_1756 = arith.constant 4 : i32
      %mul3A_1757 = arith.muli %add3A_1655, %mul3A_1756 : i32
      %add3A_1758 = arith.constant 1 : i32
      %add3A_1759 = arith.addi %mul3A_1757, %add3A_1758 : i32
      %rem3A_1760 = arith.constant 12 : i32
      %rem3A_1761 = arith.remsi %add3A_1759, %rem3A_1760 : i32
      %dma_wait3A_1762 = arith.constant 0 : i32
      %dma_wait3A_1763 = arith.constant 0 : i32
      %dma_wait3A_1764 = tpu.memref_slice %arg7[%rem3A_1761, %dma_wait3A_1762, %dma_wait3A_1763] : memref<12x64x128xf32, #tpu.memory_space<vmem>> -> memref<1x64x128xf32, #tpu.memory_space<vmem>>
      %dma_wait3A_1765 = tpu.memref_squeeze %dma_wait3A_1764 : memref<1x64x128xf32, #tpu.memory_space<vmem>> -> memref<64x128xf32, #tpu.memory_space<vmem>>
      %dma_wait3A_1766 = arith.constant 0 : i32
      %dma_wait3A_1767 = arith.constant 0 : i32
      %dma_wait3A_1768 = tpu.memref_slice %arg3[%dma_wait3A_1766, %dma_wait3A_1767] : memref<64x1000000xf32, #tpu.memory_space<hbm>> -> memref<64x128xf32, #tpu.memory_space<hbm>>
      %dma_wait3A_1769 = arith.constant 0 : i32
      %dma_wait3A_1770 = arith.constant 0 : i32
      %dma_wait3A_1771 = tpu.memref_slice %arg7[%rem3A_1761, %dma_wait3A_1769, %dma_wait3A_1770] : memref<12x64x128xf32, #tpu.memory_space<vmem>> -> memref<1x64x128xf32, #tpu.memory_space<vmem>>
      %dma_wait3A_1772 = tpu.memref_squeeze %dma_wait3A_1771 : memref<1x64x128xf32, #tpu.memory_space<vmem>> -> memref<64x128xf32, #tpu.memory_space<vmem>>
      %dma_wait3A_1773 = arith.constant 0 : i32
      %dma_wait3A_1774 = arith.constant 0 : i32
      %dma_wait3A_1775 = tpu.memref_slice %arg3[%dma_wait3A_1773, %dma_wait3A_1774] : memref<64x1000000xf32, #tpu.memory_space<hbm>> -> memref<64x128xf32, #tpu.memory_space<hbm>>
      tpu.wait_dma2 semaphore(%arg9 : memref<!tpu.dma_semaphore, #tpu.memory_space<semaphore_mem>>) src(%dma_wait3A_1775 : memref<64x128xf32, #tpu.memory_space<hbm>>) dst(%dma_wait3A_1772 : memref<64x128xf32, #tpu.memory_space<vmem>>)
      %slice3A_1776 = vector.extract_strided_slice %scan3A_388 {offsets = [13], sizes = [1], strides = [1]} : vector<16xi32> to vector<1xi32>
      %squeeze3A_1777 = vector.extract %slice3A_1776[0] : i32 from vector<1xi32>
      %and3A_1778 = arith.constant 127 : i32
      %and3A_1779 = arith.andi %squeeze3A_1777, %and3A_1778 : i32
      %broadcast_in_dim3A_1780 = vector.broadcast %and3A_1779 : i32 to vector<16xi32>
      %rem3A_1781 = arith.constant 128 : i32
      %rem3A_1782 = arith.remsi %add3A_1759, %rem3A_1781 : i32
      %broadcast_in_dim3A_1783 = vector.broadcast %rem3A_1782 : i32 to vector<16xi32>
      %jit3A_1784 = arith.constant 128 : i32
      %div3A_1785 = arith.divsi %add3A_1759, %jit3A_1784 : i32
      %sign3A_1786 = arith.constant 0 : i32
      %sign3A_1787 = arith.cmpi sgt, %add3A_1759, %sign3A_1786 : i32
      %sign3A_1788 = arith.extui %sign3A_1787 : i1 to i32
      %sign3A_1789 = arith.constant 0 : i32
      %sign3A_1790 = arith.cmpi slt, %add3A_1759, %sign3A_1789 : i32
      %sign3A_1791 = arith.extui %sign3A_1790 : i1 to i32
      %sign3A_1792 = arith.subi %sign3A_1788, %sign3A_1791 : i32
      %sign3A_1793 = arith.constant 0 : i32
      %sign3A_1794 = arith.cmpi sgt, %jit3A_1784, %sign3A_1793 : i32
      %sign3A_1795 = arith.extui %sign3A_1794 : i1 to i32
      %sign3A_1796 = arith.constant 0 : i32
      %sign3A_1797 = arith.cmpi slt, %jit3A_1784, %sign3A_1796 : i32
      %sign3A_1798 = arith.extui %sign3A_1797 : i1 to i32
      %sign3A_1799 = arith.subi %sign3A_1795, %sign3A_1798 : i32
      %ne3A_1800 = arith.cmpi ne, %sign3A_1792, %sign3A_1799 : i32
      %rem3A_1801 = arith.remsi %add3A_1759, %jit3A_1784 : i32
      %ne3A_1802 = arith.constant 0 : i32
      %ne3A_1803 = arith.cmpi ne, %rem3A_1801, %ne3A_1802 : i32
      %and3A_1804 = arith.andi %ne3A_1800, %ne3A_1803 : i1
      %sub3A_1805 = arith.constant 1 : i32
      %sub3A_1806 = arith.subi %div3A_1785, %sub3A_1805 : i32
      %select_n3A_1807 = arith.select %and3A_1804, %sub3A_1806, %div3A_1785 : i32
      %add3A_1808 = arith.constant 0 : i32
      %add3A_1809 = vector.broadcast %add3A_1808 : i32 to vector<16xi32>
      %add3A_1810 = arith.addi %iota3A, %add3A_1809 : vector<16xi32>
      %gather3A_1811 = arith.constant 0 : i32
      %gather3A_1812 = arith.constant 0 : i32
      %gather3A_1813 = tpu.memref_slice %arg7[%rem3A_1761, %gather3A_1811, %gather3A_1812] : memref<12x64x128xf32, #tpu.memory_space<vmem>> -> memref<1x64x128xf32, #tpu.memory_space<vmem>>
      %gather3A_1814 = tpu.memref_squeeze %gather3A_1813 : memref<1x64x128xf32, #tpu.memory_space<vmem>> -> memref<64x128xf32, #tpu.memory_space<vmem>>
      %gather3A_1815 = tpu.vector_load_idx %gather3A_1814[%add3A_1810, %broadcast_in_dim3A_1780] : memref<64x128xf32, #tpu.memory_space<vmem>>[vector<16xi32>, vector<16xi32>], vector<16xf32>,
      %scatter3A_1816 = arith.constant 0 : i32
      %scatter3A_1817 = arith.constant 0 : i32
      %scatter3A_1818 = tpu.memref_slice %arg8[%select_n3A_1807, %scatter3A_1816, %scatter3A_1817] : memref<2x64x128xf32, #tpu.memory_space<vmem>> -> memref<1x64x128xf32, #tpu.memory_space<vmem>>
      %scatter3A_1819 = tpu.memref_squeeze %scatter3A_1818 : memref<1x64x128xf32, #tpu.memory_space<vmem>> -> memref<64x128xf32, #tpu.memory_space<vmem>>
      tpu.vector_store_idx %scatter3A_1819[%add3A_1810, %broadcast_in_dim3A_1783], %gather3A_1815 {add = true} : memref<64x128xf32, #tpu.memory_space<vmem>>[vector<16xi32>, vector<16xi32>], vector<16xf32>,
      %add3A_1820 = arith.constant 16 : i32
      %add3A_1821 = vector.broadcast %add3A_1820 : i32 to vector<16xi32>
      %add3A_1822 = arith.addi %iota3A, %add3A_1821 : vector<16xi32>
      %gather3A_1823 = arith.constant 0 : i32
      %gather3A_1824 = arith.constant 0 : i32
      %gather3A_1825 = tpu.memref_slice %arg7[%rem3A_1761, %gather3A_1823, %gather3A_1824] : memref<12x64x128xf32, #tpu.memory_space<vmem>> -> memref<1x64x128xf32, #tpu.memory_space<vmem>>
      %gather3A_1826 = tpu.memref_squeeze %gather3A_1825 : memref<1x64x128xf32, #tpu.memory_space<vmem>> -> memref<64x128xf32, #tpu.memory_space<vmem>>
      %gather3A_1827 = tpu.vector_load_idx %gather3A_1826[%add3A_1822, %broadcast_in_dim3A_1780] : memref<64x128xf32, #tpu.memory_space<vmem>>[vector<16xi32>, vector<16xi32>], vector<16xf32>,
      %scatter3A_1828 = arith.constant 0 : i32
      %scatter3A_1829 = arith.constant 0 : i32
      %scatter3A_1830 = tpu.memref_slice %arg8[%select_n3A_1807, %scatter3A_1828, %scatter3A_1829] : memref<2x64x128xf32, #tpu.memory_space<vmem>> -> memref<1x64x128xf32, #tpu.memory_space<vmem>>
      %scatter3A_1831 = tpu.memref_squeeze %scatter3A_1830 : memref<1x64x128xf32, #tpu.memory_space<vmem>> -> memref<64x128xf32, #tpu.memory_space<vmem>>
      tpu.vector_store_idx %scatter3A_1831[%add3A_1822, %broadcast_in_dim3A_1783], %gather3A_1827 {add = true} : memref<64x128xf32, #tpu.memory_space<vmem>>[vector<16xi32>, vector<16xi32>], vector<16xf32>,
      %add3A_1832 = arith.constant 32 : i32
      %add3A_1833 = vector.broadcast %add3A_1832 : i32 to vector<16xi32>
      %add3A_1834 = arith.addi %iota3A, %add3A_1833 : vector<16xi32>
      %gather3A_1835 = arith.constant 0 : i32
      %gather3A_1836 = arith.constant 0 : i32
      %gather3A_1837 = tpu.memref_slice %arg7[%rem3A_1761, %gather3A_1835, %gather3A_1836] : memref<12x64x128xf32, #tpu.memory_space<vmem>> -> memref<1x64x128xf32, #tpu.memory_space<vmem>>
      %gather3A_1838 = tpu.memref_squeeze %gather3A_1837 : memref<1x64x128xf32, #tpu.memory_space<vmem>> -> memref<64x128xf32, #tpu.memory_space<vmem>>
      %gather3A_1839 = tpu.vector_load_idx %gather3A_1838[%add3A_1834, %broadcast_in_dim3A_1780] : memref<64x128xf32, #tpu.memory_space<vmem>>[vector<16xi32>, vector<16xi32>], vector<16xf32>,
      %scatter3A_1840 = arith.constant 0 : i32
      %scatter3A_1841 = arith.constant 0 : i32
      %scatter3A_1842 = tpu.memref_slice %arg8[%select_n3A_1807, %scatter3A_1840, %scatter3A_1841] : memref<2x64x128xf32, #tpu.memory_space<vmem>> -> memref<1x64x128xf32, #tpu.memory_space<vmem>>
      %scatter3A_1843 = tpu.memref_squeeze %scatter3A_1842 : memref<1x64x128xf32, #tpu.memory_space<vmem>> -> memref<64x128xf32, #tpu.memory_space<vmem>>
      tpu.vector_store_idx %scatter3A_1843[%add3A_1834, %broadcast_in_dim3A_1783], %gather3A_1839 {add = true} : memref<64x128xf32, #tpu.memory_space<vmem>>[vector<16xi32>, vector<16xi32>], vector<16xf32>,
      %add3A_1844 = arith.constant 48 : i32
      %add3A_1845 = vector.broadcast %add3A_1844 : i32 to vector<16xi32>
      %add3A_1846 = arith.addi %iota3A, %add3A_1845 : vector<16xi32>
      %gather3A_1847 = arith.constant 0 : i32
      %gather3A_1848 = arith.constant 0 : i32
      %gather3A_1849 = tpu.memref_slice %arg7[%rem3A_1761, %gather3A_1847, %gather3A_1848] : memref<12x64x128xf32, #tpu.memory_space<vmem>> -> memref<1x64x128xf32, #tpu.memory_space<vmem>>
      %gather3A_1850 = tpu.memref_squeeze %gather3A_1849 : memref<1x64x128xf32, #tpu.memory_space<vmem>> -> memref<64x128xf32, #tpu.memory_space<vmem>>
      %gather3A_1851 = tpu.vector_load_idx %gather3A_1850[%add3A_1846, %broadcast_in_dim3A_1780] : memref<64x128xf32, #tpu.memory_space<vmem>>[vector<16xi32>, vector<16xi32>], vector<16xf32>,
      %scatter3A_1852 = arith.constant 0 : i32
      %scatter3A_1853 = arith.constant 0 : i32
      %scatter3A_1854 = tpu.memref_slice %arg8[%select_n3A_1807, %scatter3A_1852, %scatter3A_1853] : memref<2x64x128xf32, #tpu.memory_space<vmem>> -> memref<1x64x128xf32, #tpu.memory_space<vmem>>
      %scatter3A_1855 = tpu.memref_squeeze %scatter3A_1854 : memref<1x64x128xf32, #tpu.memory_space<vmem>> -> memref<64x128xf32, #tpu.memory_space<vmem>>
      tpu.vector_store_idx %scatter3A_1855[%add3A_1846, %broadcast_in_dim3A_1783], %gather3A_1851 {add = true} : memref<64x128xf32, #tpu.memory_space<vmem>>[vector<16xi32>, vector<16xi32>], vector<16xf32>,
      %mul3A_1856 = arith.constant 4 : i32
      %mul3A_1857 = arith.muli %add3A_1655, %mul3A_1856 : i32
      %add3A_1858 = arith.constant 2 : i32
      %add3A_1859 = arith.addi %mul3A_1857, %add3A_1858 : i32
      %rem3A_1860 = arith.constant 12 : i32
      %rem3A_1861 = arith.remsi %add3A_1859, %rem3A_1860 : i32
      %dma_wait3A_1862 = arith.constant 0 : i32
      %dma_wait3A_1863 = arith.constant 0 : i32
      %dma_wait3A_1864 = tpu.memref_slice %arg7[%rem3A_1861, %dma_wait3A_1862, %dma_wait3A_1863] : memref<12x64x128xf32, #tpu.memory_space<vmem>> -> memref<1x64x128xf32, #tpu.memory_space<vmem>>
      %dma_wait3A_1865 = tpu.memref_squeeze %dma_wait3A_1864 : memref<1x64x128xf32, #tpu.memory_space<vmem>> -> memref<64x128xf32, #tpu.memory_space<vmem>>
      %dma_wait3A_1866 = arith.constant 0 : i32
      %dma_wait3A_1867 = arith.constant 0 : i32
      %dma_wait3A_1868 = tpu.memref_slice %arg3[%dma_wait3A_1866, %dma_wait3A_1867] : memref<64x1000000xf32, #tpu.memory_space<hbm>> -> memref<64x128xf32, #tpu.memory_space<hbm>>
      %dma_wait3A_1869 = arith.constant 0 : i32
      %dma_wait3A_1870 = arith.constant 0 : i32
      %dma_wait3A_1871 = tpu.memref_slice %arg7[%rem3A_1861, %dma_wait3A_1869, %dma_wait3A_1870] : memref<12x64x128xf32, #tpu.memory_space<vmem>> -> memref<1x64x128xf32, #tpu.memory_space<vmem>>
      %dma_wait3A_1872 = tpu.memref_squeeze %dma_wait3A_1871 : memref<1x64x128xf32, #tpu.memory_space<vmem>> -> memref<64x128xf32, #tpu.memory_space<vmem>>
      %dma_wait3A_1873 = arith.constant 0 : i32
      %dma_wait3A_1874 = arith.constant 0 : i32
      %dma_wait3A_1875 = tpu.memref_slice %arg3[%dma_wait3A_1873, %dma_wait3A_1874] : memref<64x1000000xf32, #tpu.memory_space<hbm>> -> memref<64x128xf32, #tpu.memory_space<hbm>>
      tpu.wait_dma2 semaphore(%arg9 : memref<!tpu.dma_semaphore, #tpu.memory_space<semaphore_mem>>) src(%dma_wait3A_1875 : memref<64x128xf32, #tpu.memory_space<hbm>>) dst(%dma_wait3A_1872 : memref<64x128xf32, #tpu.memory_space<vmem>>)
      %slice3A_1876 = vector.extract_strided_slice %scan3A_388 {offsets = [14], sizes = [1], strides = [1]} : vector<16xi32> to vector<1xi32>
      %squeeze3A_1877 = vector.extract %slice3A_1876[0] : i32 from vector<1xi32>
      %and3A_1878 = arith.constant 127 : i32
      %and3A_1879 = arith.andi %squeeze3A_1877, %and3A_1878 : i32
      %broadcast_in_dim3A_1880 = vector.broadcast %and3A_1879 : i32 to vector<16xi32>
      %rem3A_1881 = arith.constant 128 : i32
      %rem3A_1882 = arith.remsi %add3A_1859, %rem3A_1881 : i32
      %broadcast_in_dim3A_1883 = vector.broadcast %rem3A_1882 : i32 to vector<16xi32>
      %jit3A_1884 = arith.constant 128 : i32
      %div3A_1885 = arith.divsi %add3A_1859, %jit3A_1884 : i32
      %sign3A_1886 = arith.constant 0 : i32
      %sign3A_1887 = arith.cmpi sgt, %add3A_1859, %sign3A_1886 : i32
      %sign3A_1888 = arith.extui %sign3A_1887 : i1 to i32
      %sign3A_1889 = arith.constant 0 : i32
      %sign3A_1890 = arith.cmpi slt, %add3A_1859, %sign3A_1889 : i32
      %sign3A_1891 = arith.extui %sign3A_1890 : i1 to i32
      %sign3A_1892 = arith.subi %sign3A_1888, %sign3A_1891 : i32
      %sign3A_1893 = arith.constant 0 : i32
      %sign3A_1894 = arith.cmpi sgt, %jit3A_1884, %sign3A_1893 : i32
      %sign3A_1895 = arith.extui %sign3A_1894 : i1 to i32
      %sign3A_1896 = arith.constant 0 : i32
      %sign3A_1897 = arith.cmpi slt, %jit3A_1884, %sign3A_1896 : i32
      %sign3A_1898 = arith.extui %sign3A_1897 : i1 to i32
      %sign3A_1899 = arith.subi %sign3A_1895, %sign3A_1898 : i32
      %ne3A_1900 = arith.cmpi ne, %sign3A_1892, %sign3A_1899 : i32
      %rem3A_1901 = arith.remsi %add3A_1859, %jit3A_1884 : i32
      %ne3A_1902 = arith.constant 0 : i32
      %ne3A_1903 = arith.cmpi ne, %rem3A_1901, %ne3A_1902 : i32
      %and3A_1904 = arith.andi %ne3A_1900, %ne3A_1903 : i1
      %sub3A_1905 = arith.constant 1 : i32
      %sub3A_1906 = arith.subi %div3A_1885, %sub3A_1905 : i32
      %select_n3A_1907 = arith.select %and3A_1904, %sub3A_1906, %div3A_1885 : i32
      %add3A_1908 = arith.constant 0 : i32
      %add3A_1909 = vector.broadcast %add3A_1908 : i32 to vector<16xi32>
      %add3A_1910 = arith.addi %iota3A, %add3A_1909 : vector<16xi32>
      %gather3A_1911 = arith.constant 0 : i32
      %gather3A_1912 = arith.constant 0 : i32
      %gather3A_1913 = tpu.memref_slice %arg7[%rem3A_1861, %gather3A_1911, %gather3A_1912] : memref<12x64x128xf32, #tpu.memory_space<vmem>> -> memref<1x64x128xf32, #tpu.memory_space<vmem>>
      %gather3A_1914 = tpu.memref_squeeze %gather3A_1913 : memref<1x64x128xf32, #tpu.memory_space<vmem>> -> memref<64x128xf32, #tpu.memory_space<vmem>>
      %gather3A_1915 = tpu.vector_load_idx %gather3A_1914[%add3A_1910, %broadcast_in_dim3A_1880] : memref<64x128xf32, #tpu.memory_space<vmem>>[vector<16xi32>, vector<16xi32>], vector<16xf32>,
      %scatter3A_1916 = arith.constant 0 : i32
      %scatter3A_1917 = arith.constant 0 : i32
      %scatter3A_1918 = tpu.memref_slice %arg8[%select_n3A_1907, %scatter3A_1916, %scatter3A_1917] : memref<2x64x128xf32, #tpu.memory_space<vmem>> -> memref<1x64x128xf32, #tpu.memory_space<vmem>>
      %scatter3A_1919 = tpu.memref_squeeze %scatter3A_1918 : memref<1x64x128xf32, #tpu.memory_space<vmem>> -> memref<64x128xf32, #tpu.memory_space<vmem>>
      tpu.vector_store_idx %scatter3A_1919[%add3A_1910, %broadcast_in_dim3A_1883], %gather3A_1915 {add = true} : memref<64x128xf32, #tpu.memory_space<vmem>>[vector<16xi32>, vector<16xi32>], vector<16xf32>,
      %add3A_1920 = arith.constant 16 : i32
      %add3A_1921 = vector.broadcast %add3A_1920 : i32 to vector<16xi32>
      %add3A_1922 = arith.addi %iota3A, %add3A_1921 : vector<16xi32>
      %gather3A_1923 = arith.constant 0 : i32
      %gather3A_1924 = arith.constant 0 : i32
      %gather3A_1925 = tpu.memref_slice %arg7[%rem3A_1861, %gather3A_1923, %gather3A_1924] : memref<12x64x128xf32, #tpu.memory_space<vmem>> -> memref<1x64x128xf32, #tpu.memory_space<vmem>>
      %gather3A_1926 = tpu.memref_squeeze %gather3A_1925 : memref<1x64x128xf32, #tpu.memory_space<vmem>> -> memref<64x128xf32, #tpu.memory_space<vmem>>
      %gather3A_1927 = tpu.vector_load_idx %gather3A_1926[%add3A_1922, %broadcast_in_dim3A_1880] : memref<64x128xf32, #tpu.memory_space<vmem>>[vector<16xi32>, vector<16xi32>], vector<16xf32>,
      %scatter3A_1928 = arith.constant 0 : i32
      %scatter3A_1929 = arith.constant 0 : i32
      %scatter3A_1930 = tpu.memref_slice %arg8[%select_n3A_1907, %scatter3A_1928, %scatter3A_1929] : memref<2x64x128xf32, #tpu.memory_space<vmem>> -> memref<1x64x128xf32, #tpu.memory_space<vmem>>
      %scatter3A_1931 = tpu.memref_squeeze %scatter3A_1930 : memref<1x64x128xf32, #tpu.memory_space<vmem>> -> memref<64x128xf32, #tpu.memory_space<vmem>>
      tpu.vector_store_idx %scatter3A_1931[%add3A_1922, %broadcast_in_dim3A_1883], %gather3A_1927 {add = true} : memref<64x128xf32, #tpu.memory_space<vmem>>[vector<16xi32>, vector<16xi32>], vector<16xf32>,
      %add3A_1932 = arith.constant 32 : i32
      %add3A_1933 = vector.broadcast %add3A_1932 : i32 to vector<16xi32>
      %add3A_1934 = arith.addi %iota3A, %add3A_1933 : vector<16xi32>
      %gather3A_1935 = arith.constant 0 : i32
      %gather3A_1936 = arith.constant 0 : i32
      %gather3A_1937 = tpu.memref_slice %arg7[%rem3A_1861, %gather3A_1935, %gather3A_1936] : memref<12x64x128xf32, #tpu.memory_space<vmem>> -> memref<1x64x128xf32, #tpu.memory_space<vmem>>
      %gather3A_1938 = tpu.memref_squeeze %gather3A_1937 : memref<1x64x128xf32, #tpu.memory_space<vmem>> -> memref<64x128xf32, #tpu.memory_space<vmem>>
      %gather3A_1939 = tpu.vector_load_idx %gather3A_1938[%add3A_1934, %broadcast_in_dim3A_1880] : memref<64x128xf32, #tpu.memory_space<vmem>>[vector<16xi32>, vector<16xi32>], vector<16xf32>,
      %scatter3A_1940 = arith.constant 0 : i32
      %scatter3A_1941 = arith.constant 0 : i32
      %scatter3A_1942 = tpu.memref_slice %arg8[%select_n3A_1907, %scatter3A_1940, %scatter3A_1941] : memref<2x64x128xf32, #tpu.memory_space<vmem>> -> memref<1x64x128xf32, #tpu.memory_space<vmem>>
      %scatter3A_1943 = tpu.memref_squeeze %scatter3A_1942 : memref<1x64x128xf32, #tpu.memory_space<vmem>> -> memref<64x128xf32, #tpu.memory_space<vmem>>
      tpu.vector_store_idx %scatter3A_1943[%add3A_1934, %broadcast_in_dim3A_1883], %gather3A_1939 {add = true} : memref<64x128xf32, #tpu.memory_space<vmem>>[vector<16xi32>, vector<16xi32>], vector<16xf32>,
      %add3A_1944 = arith.constant 48 : i32
      %add3A_1945 = vector.broadcast %add3A_1944 : i32 to vector<16xi32>
      %add3A_1946 = arith.addi %iota3A, %add3A_1945 : vector<16xi32>
      %gather3A_1947 = arith.constant 0 : i32
      %gather3A_1948 = arith.constant 0 : i32
      %gather3A_1949 = tpu.memref_slice %arg7[%rem3A_1861, %gather3A_1947, %gather3A_1948] : memref<12x64x128xf32, #tpu.memory_space<vmem>> -> memref<1x64x128xf32, #tpu.memory_space<vmem>>
      %gather3A_1950 = tpu.memref_squeeze %gather3A_1949 : memref<1x64x128xf32, #tpu.memory_space<vmem>> -> memref<64x128xf32, #tpu.memory_space<vmem>>
      %gather3A_1951 = tpu.vector_load_idx %gather3A_1950[%add3A_1946, %broadcast_in_dim3A_1880] : memref<64x128xf32, #tpu.memory_space<vmem>>[vector<16xi32>, vector<16xi32>], vector<16xf32>,
      %scatter3A_1952 = arith.constant 0 : i32
      %scatter3A_1953 = arith.constant 0 : i32
      %scatter3A_1954 = tpu.memref_slice %arg8[%select_n3A_1907, %scatter3A_1952, %scatter3A_1953] : memref<2x64x128xf32, #tpu.memory_space<vmem>> -> memref<1x64x128xf32, #tpu.memory_space<vmem>>
      %scatter3A_1955 = tpu.memref_squeeze %scatter3A_1954 : memref<1x64x128xf32, #tpu.memory_space<vmem>> -> memref<64x128xf32, #tpu.memory_space<vmem>>
      tpu.vector_store_idx %scatter3A_1955[%add3A_1946, %broadcast_in_dim3A_1883], %gather3A_1951 {add = true} : memref<64x128xf32, #tpu.memory_space<vmem>>[vector<16xi32>, vector<16xi32>], vector<16xf32>,
      %mul3A_1956 = arith.constant 4 : i32
      %mul3A_1957 = arith.muli %add3A_1655, %mul3A_1956 : i32
      %add3A_1958 = arith.constant 3 : i32
      %add3A_1959 = arith.addi %mul3A_1957, %add3A_1958 : i32
      %rem3A_1960 = arith.constant 12 : i32
      %rem3A_1961 = arith.remsi %add3A_1959, %rem3A_1960 : i32
      %dma_wait3A_1962 = arith.constant 0 : i32
      %dma_wait3A_1963 = arith.constant 0 : i32
      %dma_wait3A_1964 = tpu.memref_slice %arg7[%rem3A_1961, %dma_wait3A_1962, %dma_wait3A_1963] : memref<12x64x128xf32, #tpu.memory_space<vmem>> -> memref<1x64x128xf32, #tpu.memory_space<vmem>>
      %dma_wait3A_1965 = tpu.memref_squeeze %dma_wait3A_1964 : memref<1x64x128xf32, #tpu.memory_space<vmem>> -> memref<64x128xf32, #tpu.memory_space<vmem>>
      %dma_wait3A_1966 = arith.constant 0 : i32
      %dma_wait3A_1967 = arith.constant 0 : i32
      %dma_wait3A_1968 = tpu.memref_slice %arg3[%dma_wait3A_1966, %dma_wait3A_1967] : memref<64x1000000xf32, #tpu.memory_space<hbm>> -> memref<64x128xf32, #tpu.memory_space<hbm>>
      %dma_wait3A_1969 = arith.constant 0 : i32
      %dma_wait3A_1970 = arith.constant 0 : i32
      %dma_wait3A_1971 = tpu.memref_slice %arg7[%rem3A_1961, %dma_wait3A_1969, %dma_wait3A_1970] : memref<12x64x128xf32, #tpu.memory_space<vmem>> -> memref<1x64x128xf32, #tpu.memory_space<vmem>>
      %dma_wait3A_1972 = tpu.memref_squeeze %dma_wait3A_1971 : memref<1x64x128xf32, #tpu.memory_space<vmem>> -> memref<64x128xf32, #tpu.memory_space<vmem>>
      %dma_wait3A_1973 = arith.constant 0 : i32
      %dma_wait3A_1974 = arith.constant 0 : i32
      %dma_wait3A_1975 = tpu.memref_slice %arg3[%dma_wait3A_1973, %dma_wait3A_1974] : memref<64x1000000xf32, #tpu.memory_space<hbm>> -> memref<64x128xf32, #tpu.memory_space<hbm>>
      tpu.wait_dma2 semaphore(%arg9 : memref<!tpu.dma_semaphore, #tpu.memory_space<semaphore_mem>>) src(%dma_wait3A_1975 : memref<64x128xf32, #tpu.memory_space<hbm>>) dst(%dma_wait3A_1972 : memref<64x128xf32, #tpu.memory_space<vmem>>)
      %slice3A_1976 = vector.extract_strided_slice %scan3A_388 {offsets = [15], sizes = [1], strides = [1]} : vector<16xi32> to vector<1xi32>
      %squeeze3A_1977 = vector.extract %slice3A_1976[0] : i32 from vector<1xi32>
      %and3A_1978 = arith.constant 127 : i32
      %and3A_1979 = arith.andi %squeeze3A_1977, %and3A_1978 : i32
      %broadcast_in_dim3A_1980 = vector.broadcast %and3A_1979 : i32 to vector<16xi32>
      %rem3A_1981 = arith.constant 128 : i32
      %rem3A_1982 = arith.remsi %add3A_1959, %rem3A_1981 : i32
      %broadcast_in_dim3A_1983 = vector.broadcast %rem3A_1982 : i32 to vector<16xi32>
      %jit3A_1984 = arith.constant 128 : i32
      %div3A_1985 = arith.divsi %add3A_1959, %jit3A_1984 : i32
      %sign3A_1986 = arith.constant 0 : i32
      %sign3A_1987 = arith.cmpi sgt, %add3A_1959, %sign3A_1986 : i32
      %sign3A_1988 = arith.extui %sign3A_1987 : i1 to i32
      %sign3A_1989 = arith.constant 0 : i32
      %sign3A_1990 = arith.cmpi slt, %add3A_1959, %sign3A_1989 : i32
      %sign3A_1991 = arith.extui %sign3A_1990 : i1 to i32
      %sign3A_1992 = arith.subi %sign3A_1988, %sign3A_1991 : i32
      %sign3A_1993 = arith.constant 0 : i32
      %sign3A_1994 = arith.cmpi sgt, %jit3A_1984, %sign3A_1993 : i32
      %sign3A_1995 = arith.extui %sign3A_1994 : i1 to i32
      %sign3A_1996 = arith.constant 0 : i32
      %sign3A_1997 = arith.cmpi slt, %jit3A_1984, %sign3A_1996 : i32
      %sign3A_1998 = arith.extui %sign3A_1997 : i1 to i32
      %sign3A_1999 = arith.subi %sign3A_1995, %sign3A_1998 : i32
      %ne3A_2000 = arith.cmpi ne, %sign3A_1992, %sign3A_1999 : i32
      %rem3A_2001 = arith.remsi %add3A_1959, %jit3A_1984 : i32
      %ne3A_2002 = arith.constant 0 : i32
      %ne3A_2003 = arith.cmpi ne, %rem3A_2001, %ne3A_2002 : i32
      %and3A_2004 = arith.andi %ne3A_2000, %ne3A_2003 : i1
      %sub3A_2005 = arith.constant 1 : i32
      %sub3A_2006 = arith.subi %div3A_1985, %sub3A_2005 : i32
      %select_n3A_2007 = arith.select %and3A_2004, %sub3A_2006, %div3A_1985 : i32
      %add3A_2008 = arith.constant 0 : i32
      %add3A_2009 = vector.broadcast %add3A_2008 : i32 to vector<16xi32>
      %add3A_2010 = arith.addi %iota3A, %add3A_2009 : vector<16xi32>
      %gather3A_2011 = arith.constant 0 : i32
      %gather3A_2012 = arith.constant 0 : i32
      %gather3A_2013 = tpu.memref_slice %arg7[%rem3A_1961, %gather3A_2011, %gather3A_2012] : memref<12x64x128xf32, #tpu.memory_space<vmem>> -> memref<1x64x128xf32, #tpu.memory_space<vmem>>
      %gather3A_2014 = tpu.memref_squeeze %gather3A_2013 : memref<1x64x128xf32, #tpu.memory_space<vmem>> -> memref<64x128xf32, #tpu.memory_space<vmem>>
      %gather3A_2015 = tpu.vector_load_idx %gather3A_2014[%add3A_2010, %broadcast_in_dim3A_1980] : memref<64x128xf32, #tpu.memory_space<vmem>>[vector<16xi32>, vector<16xi32>], vector<16xf32>,
      %scatter3A_2016 = arith.constant 0 : i32
      %scatter3A_2017 = arith.constant 0 : i32
      %scatter3A_2018 = tpu.memref_slice %arg8[%select_n3A_2007, %scatter3A_2016, %scatter3A_2017] : memref<2x64x128xf32, #tpu.memory_space<vmem>> -> memref<1x64x128xf32, #tpu.memory_space<vmem>>
      %scatter3A_2019 = tpu.memref_squeeze %scatter3A_2018 : memref<1x64x128xf32, #tpu.memory_space<vmem>> -> memref<64x128xf32, #tpu.memory_space<vmem>>
      tpu.vector_store_idx %scatter3A_2019[%add3A_2010, %broadcast_in_dim3A_1983], %gather3A_2015 {add = true} : memref<64x128xf32, #tpu.memory_space<vmem>>[vector<16xi32>, vector<16xi32>], vector<16xf32>,
      %add3A_2020 = arith.constant 16 : i32
      %add3A_2021 = vector.broadcast %add3A_2020 : i32 to vector<16xi32>
      %add3A_2022 = arith.addi %iota3A, %add3A_2021 : vector<16xi32>
      %gather3A_2023 = arith.constant 0 : i32
      %gather3A_2024 = arith.constant 0 : i32
      %gather3A_2025 = tpu.memref_slice %arg7[%rem3A_1961, %gather3A_2023, %gather3A_2024] : memref<12x64x128xf32, #tpu.memory_space<vmem>> -> memref<1x64x128xf32, #tpu.memory_space<vmem>>
      %gather3A_2026 = tpu.memref_squeeze %gather3A_2025 : memref<1x64x128xf32, #tpu.memory_space<vmem>> -> memref<64x128xf32, #tpu.memory_space<vmem>>
      %gather3A_2027 = tpu.vector_load_idx %gather3A_2026[%add3A_2022, %broadcast_in_dim3A_1980] : memref<64x128xf32, #tpu.memory_space<vmem>>[vector<16xi32>, vector<16xi32>], vector<16xf32>,
      %scatter3A_2028 = arith.constant 0 : i32
      %scatter3A_2029 = arith.constant 0 : i32
      %scatter3A_2030 = tpu.memref_slice %arg8[%select_n3A_2007, %scatter3A_2028, %scatter3A_2029] : memref<2x64x128xf32, #tpu.memory_space<vmem>> -> memref<1x64x128xf32, #tpu.memory_space<vmem>>
      %scatter3A_2031 = tpu.memref_squeeze %scatter3A_2030 : memref<1x64x128xf32, #tpu.memory_space<vmem>> -> memref<64x128xf32, #tpu.memory_space<vmem>>
      tpu.vector_store_idx %scatter3A_2031[%add3A_2022, %broadcast_in_dim3A_1983], %gather3A_2027 {add = true} : memref<64x128xf32, #tpu.memory_space<vmem>>[vector<16xi32>, vector<16xi32>], vector<16xf32>,
      %add3A_2032 = arith.constant 32 : i32
      %add3A_2033 = vector.broadcast %add3A_2032 : i32 to vector<16xi32>
      %add3A_2034 = arith.addi %iota3A, %add3A_2033 : vector<16xi32>
      %gather3A_2035 = arith.constant 0 : i32
      %gather3A_2036 = arith.constant 0 : i32
      %gather3A_2037 = tpu.memref_slice %arg7[%rem3A_1961, %gather3A_2035, %gather3A_2036] : memref<12x64x128xf32, #tpu.memory_space<vmem>> -> memref<1x64x128xf32, #tpu.memory_space<vmem>>
      %gather3A_2038 = tpu.memref_squeeze %gather3A_2037 : memref<1x64x128xf32, #tpu.memory_space<vmem>> -> memref<64x128xf32, #tpu.memory_space<vmem>>
      %gather3A_2039 = tpu.vector_load_idx %gather3A_2038[%add3A_2034, %broadcast_in_dim3A_1980] : memref<64x128xf32, #tpu.memory_space<vmem>>[vector<16xi32>, vector<16xi32>], vector<16xf32>,
      %scatter3A_2040 = arith.constant 0 : i32
      %scatter3A_2041 = arith.constant 0 : i32
      %scatter3A_2042 = tpu.memref_slice %arg8[%select_n3A_2007, %scatter3A_2040, %scatter3A_2041] : memref<2x64x128xf32, #tpu.memory_space<vmem>> -> memref<1x64x128xf32, #tpu.memory_space<vmem>>
      %scatter3A_2043 = tpu.memref_squeeze %scatter3A_2042 : memref<1x64x128xf32, #tpu.memory_space<vmem>> -> memref<64x128xf32, #tpu.memory_space<vmem>>
      tpu.vector_store_idx %scatter3A_2043[%add3A_2034, %broadcast_in_dim3A_1983], %gather3A_2039 {add = true} : memref<64x128xf32, #tpu.memory_space<vmem>>[vector<16xi32>, vector<16xi32>], vector<16xf32>,
      %add3A_2044 = arith.constant 48 : i32
      %add3A_2045 = vector.broadcast %add3A_2044 : i32 to vector<16xi32>
      %add3A_2046 = arith.addi %iota3A, %add3A_2045 : vector<16xi32>
      %gather3A_2047 = arith.constant 0 : i32
      %gather3A_2048 = arith.constant 0 : i32
      %gather3A_2049 = tpu.memref_slice %arg7[%rem3A_1961, %gather3A_2047, %gather3A_2048] : memref<12x64x128xf32, #tpu.memory_space<vmem>> -> memref<1x64x128xf32, #tpu.memory_space<vmem>>
      %gather3A_2050 = tpu.memref_squeeze %gather3A_2049 : memref<1x64x128xf32, #tpu.memory_space<vmem>> -> memref<64x128xf32, #tpu.memory_space<vmem>>
      %gather3A_2051 = tpu.vector_load_idx %gather3A_2050[%add3A_2046, %broadcast_in_dim3A_1980] : memref<64x128xf32, #tpu.memory_space<vmem>>[vector<16xi32>, vector<16xi32>], vector<16xf32>,
      %scatter3A_2052 = arith.constant 0 : i32
      %scatter3A_2053 = arith.constant 0 : i32
      %scatter3A_2054 = tpu.memref_slice %arg8[%select_n3A_2007, %scatter3A_2052, %scatter3A_2053] : memref<2x64x128xf32, #tpu.memory_space<vmem>> -> memref<1x64x128xf32, #tpu.memory_space<vmem>>
      %scatter3A_2055 = tpu.memref_squeeze %scatter3A_2054 : memref<1x64x128xf32, #tpu.memory_space<vmem>> -> memref<64x128xf32, #tpu.memory_space<vmem>>
      tpu.vector_store_idx %scatter3A_2055[%add3A_2046, %broadcast_in_dim3A_1983], %gather3A_2051 {add = true} : memref<64x128xf32, #tpu.memory_space<vmem>>[vector<16xi32>, vector<16xi32>], vector<16xf32>,
      %add3A_2056 = arith.constant 3 : i32
      %add3A_2057 = arith.addi %add3A_1655, %add3A_2056 : i32
      %lt3A_2058 = arith.constant 64 : i32
      %lt3A_2059 = arith.cmpi slt, %add3A_2057, %lt3A_2058 : i32
      %convert_element_type3A_2060 = arith.extui %lt3A_2059 : i1 to i32
      %cond3A_2061 = arith.constant 0 : i32
      %cond3A_2062 = arith.cmpi ne, %convert_element_type3A_2060, %cond3A_2061 : i32
      scf.if %cond3A_2062 {
        %mul3A_2063 = arith.constant 4 : i32
        %mul3A_2064 = arith.muli %add3A_2057, %mul3A_2063 : i32
        %add3A_2065 = arith.constant 0 : i32
        %add3A_2066 = arith.addi %mul3A_2064, %add3A_2065 : i32
        %slice3A_2067 = vector.extract_strided_slice %get3A_424 {offsets = [8], sizes = [1], strides = [1]} : vector<16xi32> to vector<1xi32>
        %squeeze3A_2068 = vector.extract %slice3A_2067[0] : i32 from vector<1xi32>
        %shift_right_logical3A_2069 = arith.constant 7 : i32
        %shift_right_logical3A_2070 = arith.shrui %squeeze3A_2068, %shift_right_logical3A_2069 : i32
        %mul3A_2071 = arith.constant 128 : i32
        %mul3A_2072 = arith.muli %shift_right_logical3A_2070, %mul3A_2071 : i32
        %multiple_of3A_2073 = tpu.assume_multiple %mul3A_2072, 128 : i32
        %rem3A_2074 = arith.constant 12 : i32
        %rem3A_2075 = arith.remsi %add3A_2066, %rem3A_2074 : i32
        %dma_start3A_2076 = arith.constant 0 : i32
        %dma_start3A_2077 = arith.constant 0 : i32
        %dma_start3A_2078 = tpu.memref_slice %arg7[%rem3A_2075, %dma_start3A_2076, %dma_start3A_2077] : memref<12x64x128xf32, #tpu.memory_space<vmem>> -> memref<1x64x128xf32, #tpu.memory_space<vmem>>
        %dma_start3A_2079 = tpu.memref_squeeze %dma_start3A_2078 : memref<1x64x128xf32, #tpu.memory_space<vmem>> -> memref<64x128xf32, #tpu.memory_space<vmem>>
        %dma_start3A_2080 = arith.constant 0 : i32
        %dma_start3A_2081 = tpu.memref_slice %arg3[%dma_start3A_2080, %multiple_of3A_2073] : memref<64x1000000xf32, #tpu.memory_space<hbm>> -> memref<64x128xf32, #tpu.memory_space<hbm>>
        %dma_start3A_2082 = arith.constant 0 : i32
        %dma_start3A_2083 = arith.constant 0 : i32
        %dma_start3A_2084 = tpu.memref_slice %arg7[%rem3A_2075, %dma_start3A_2082, %dma_start3A_2083] : memref<12x64x128xf32, #tpu.memory_space<vmem>> -> memref<1x64x128xf32, #tpu.memory_space<vmem>>
        %dma_start3A_2085 = tpu.memref_squeeze %dma_start3A_2084 : memref<1x64x128xf32, #tpu.memory_space<vmem>> -> memref<64x128xf32, #tpu.memory_space<vmem>>
        %dma_start3A_2086 = arith.constant 0 : i32
        %dma_start3A_2087 = tpu.memref_slice %arg3[%dma_start3A_2086, %multiple_of3A_2073] : memref<64x1000000xf32, #tpu.memory_space<hbm>> -> memref<64x128xf32, #tpu.memory_space<hbm>>
        tpu.enqueue_dma source(%dma_start3A_2087 : memref<64x128xf32, #tpu.memory_space<hbm>>) target(%dma_start3A_2085 : memref<64x128xf32, #tpu.memory_space<vmem>>) target_semaphore(%arg9 : memref<!tpu.dma_semaphore, #tpu.memory_space<semaphore_mem>>)
        %mul3A_2088 = arith.constant 4 : i32
        %mul3A_2089 = arith.muli %add3A_2057, %mul3A_2088 : i32
        %add3A_2090 = arith.constant 1 : i32
        %add3A_2091 = arith.addi %mul3A_2089, %add3A_2090 : i32
        %slice3A_2092 = vector.extract_strided_slice %get3A_424 {offsets = [9], sizes = [1], strides = [1]} : vector<16xi32> to vector<1xi32>
        %squeeze3A_2093 = vector.extract %slice3A_2092[0] : i32 from vector<1xi32>
        %shift_right_logical3A_2094 = arith.constant 7 : i32
        %shift_right_logical3A_2095 = arith.shrui %squeeze3A_2093, %shift_right_logical3A_2094 : i32
        %mul3A_2096 = arith.constant 128 : i32
        %mul3A_2097 = arith.muli %shift_right_logical3A_2095, %mul3A_2096 : i32
        %multiple_of3A_2098 = tpu.assume_multiple %mul3A_2097, 128 : i32
        %rem3A_2099 = arith.constant 12 : i32
        %rem3A_2100 = arith.remsi %add3A_2091, %rem3A_2099 : i32
        %dma_start3A_2101 = arith.constant 0 : i32
        %dma_start3A_2102 = arith.constant 0 : i32
        %dma_start3A_2103 = tpu.memref_slice %arg7[%rem3A_2100, %dma_start3A_2101, %dma_start3A_2102] : memref<12x64x128xf32, #tpu.memory_space<vmem>> -> memref<1x64x128xf32, #tpu.memory_space<vmem>>
        %dma_start3A_2104 = tpu.memref_squeeze %dma_start3A_2103 : memref<1x64x128xf32, #tpu.memory_space<vmem>> -> memref<64x128xf32, #tpu.memory_space<vmem>>
        %dma_start3A_2105 = arith.constant 0 : i32
        %dma_start3A_2106 = tpu.memref_slice %arg3[%dma_start3A_2105, %multiple_of3A_2098] : memref<64x1000000xf32, #tpu.memory_space<hbm>> -> memref<64x128xf32, #tpu.memory_space<hbm>>
        %dma_start3A_2107 = arith.constant 0 : i32
        %dma_start3A_2108 = arith.constant 0 : i32
        %dma_start3A_2109 = tpu.memref_slice %arg7[%rem3A_2100, %dma_start3A_2107, %dma_start3A_2108] : memref<12x64x128xf32, #tpu.memory_space<vmem>> -> memref<1x64x128xf32, #tpu.memory_space<vmem>>
        %dma_start3A_2110 = tpu.memref_squeeze %dma_start3A_2109 : memref<1x64x128xf32, #tpu.memory_space<vmem>> -> memref<64x128xf32, #tpu.memory_space<vmem>>
        %dma_start3A_2111 = arith.constant 0 : i32
        %dma_start3A_2112 = tpu.memref_slice %arg3[%dma_start3A_2111, %multiple_of3A_2098] : memref<64x1000000xf32, #tpu.memory_space<hbm>> -> memref<64x128xf32, #tpu.memory_space<hbm>>
        tpu.enqueue_dma source(%dma_start3A_2112 : memref<64x128xf32, #tpu.memory_space<hbm>>) target(%dma_start3A_2110 : memref<64x128xf32, #tpu.memory_space<vmem>>) target_semaphore(%arg9 : memref<!tpu.dma_semaphore, #tpu.memory_space<semaphore_mem>>)
        %mul3A_2113 = arith.constant 4 : i32
        %mul3A_2114 = arith.muli %add3A_2057, %mul3A_2113 : i32
        %add3A_2115 = arith.constant 2 : i32
        %add3A_2116 = arith.addi %mul3A_2114, %add3A_2115 : i32
        %slice3A_2117 = vector.extract_strided_slice %get3A_424 {offsets = [10], sizes = [1], strides = [1]} : vector<16xi32> to vector<1xi32>
        %squeeze3A_2118 = vector.extract %slice3A_2117[0] : i32 from vector<1xi32>
        %shift_right_logical3A_2119 = arith.constant 7 : i32
        %shift_right_logical3A_2120 = arith.shrui %squeeze3A_2118, %shift_right_logical3A_2119 : i32
        %mul3A_2121 = arith.constant 128 : i32
        %mul3A_2122 = arith.muli %shift_right_logical3A_2120, %mul3A_2121 : i32
        %multiple_of3A_2123 = tpu.assume_multiple %mul3A_2122, 128 : i32
        %rem3A_2124 = arith.constant 12 : i32
        %rem3A_2125 = arith.remsi %add3A_2116, %rem3A_2124 : i32
        %dma_start3A_2126 = arith.constant 0 : i32
        %dma_start3A_2127 = arith.constant 0 : i32
        %dma_start3A_2128 = tpu.memref_slice %arg7[%rem3A_2125, %dma_start3A_2126, %dma_start3A_2127] : memref<12x64x128xf32, #tpu.memory_space<vmem>> -> memref<1x64x128xf32, #tpu.memory_space<vmem>>
        %dma_start3A_2129 = tpu.memref_squeeze %dma_start3A_2128 : memref<1x64x128xf32, #tpu.memory_space<vmem>> -> memref<64x128xf32, #tpu.memory_space<vmem>>
        %dma_start3A_2130 = arith.constant 0 : i32
        %dma_start3A_2131 = tpu.memref_slice %arg3[%dma_start3A_2130, %multiple_of3A_2123] : memref<64x1000000xf32, #tpu.memory_space<hbm>> -> memref<64x128xf32, #tpu.memory_space<hbm>>
        %dma_start3A_2132 = arith.constant 0 : i32
        %dma_start3A_2133 = arith.constant 0 : i32
        %dma_start3A_2134 = tpu.memref_slice %arg7[%rem3A_2125, %dma_start3A_2132, %dma_start3A_2133] : memref<12x64x128xf32, #tpu.memory_space<vmem>> -> memref<1x64x128xf32, #tpu.memory_space<vmem>>
        %dma_start3A_2135 = tpu.memref_squeeze %dma_start3A_2134 : memref<1x64x128xf32, #tpu.memory_space<vmem>> -> memref<64x128xf32, #tpu.memory_space<vmem>>
        %dma_start3A_2136 = arith.constant 0 : i32
        %dma_start3A_2137 = tpu.memref_slice %arg3[%dma_start3A_2136, %multiple_of3A_2123] : memref<64x1000000xf32, #tpu.memory_space<hbm>> -> memref<64x128xf32, #tpu.memory_space<hbm>>
        tpu.enqueue_dma source(%dma_start3A_2137 : memref<64x128xf32, #tpu.memory_space<hbm>>) target(%dma_start3A_2135 : memref<64x128xf32, #tpu.memory_space<vmem>>) target_semaphore(%arg9 : memref<!tpu.dma_semaphore, #tpu.memory_space<semaphore_mem>>)
        %mul3A_2138 = arith.constant 4 : i32
        %mul3A_2139 = arith.muli %add3A_2057, %mul3A_2138 : i32
        %add3A_2140 = arith.constant 3 : i32
        %add3A_2141 = arith.addi %mul3A_2139, %add3A_2140 : i32
        %slice3A_2142 = vector.extract_strided_slice %get3A_424 {offsets = [11], sizes = [1], strides = [1]} : vector<16xi32> to vector<1xi32>
        %squeeze3A_2143 = vector.extract %slice3A_2142[0] : i32 from vector<1xi32>
        %shift_right_logical3A_2144 = arith.constant 7 : i32
        %shift_right_logical3A_2145 = arith.shrui %squeeze3A_2143, %shift_right_logical3A_2144 : i32
        %mul3A_2146 = arith.constant 128 : i32
        %mul3A_2147 = arith.muli %shift_right_logical3A_2145, %mul3A_2146 : i32
        %multiple_of3A_2148 = tpu.assume_multiple %mul3A_2147, 128 : i32
        %rem3A_2149 = arith.constant 12 : i32
        %rem3A_2150 = arith.remsi %add3A_2141, %rem3A_2149 : i32
        %dma_start3A_2151 = arith.constant 0 : i32
        %dma_start3A_2152 = arith.constant 0 : i32
        %dma_start3A_2153 = tpu.memref_slice %arg7[%rem3A_2150, %dma_start3A_2151, %dma_start3A_2152] : memref<12x64x128xf32, #tpu.memory_space<vmem>> -> memref<1x64x128xf32, #tpu.memory_space<vmem>>
        %dma_start3A_2154 = tpu.memref_squeeze %dma_start3A_2153 : memref<1x64x128xf32, #tpu.memory_space<vmem>> -> memref<64x128xf32, #tpu.memory_space<vmem>>
        %dma_start3A_2155 = arith.constant 0 : i32
        %dma_start3A_2156 = tpu.memref_slice %arg3[%dma_start3A_2155, %multiple_of3A_2148] : memref<64x1000000xf32, #tpu.memory_space<hbm>> -> memref<64x128xf32, #tpu.memory_space<hbm>>
        %dma_start3A_2157 = arith.constant 0 : i32
        %dma_start3A_2158 = arith.constant 0 : i32
        %dma_start3A_2159 = tpu.memref_slice %arg7[%rem3A_2150, %dma_start3A_2157, %dma_start3A_2158] : memref<12x64x128xf32, #tpu.memory_space<vmem>> -> memref<1x64x128xf32, #tpu.memory_space<vmem>>
        %dma_start3A_2160 = tpu.memref_squeeze %dma_start3A_2159 : memref<1x64x128xf32, #tpu.memory_space<vmem>> -> memref<64x128xf32, #tpu.memory_space<vmem>>
        %dma_start3A_2161 = arith.constant 0 : i32
        %dma_start3A_2162 = tpu.memref_slice %arg3[%dma_start3A_2161, %multiple_of3A_2148] : memref<64x1000000xf32, #tpu.memory_space<hbm>> -> memref<64x128xf32, #tpu.memory_space<hbm>>
        tpu.enqueue_dma source(%dma_start3A_2162 : memref<64x128xf32, #tpu.memory_space<hbm>>) target(%dma_start3A_2160 : memref<64x128xf32, #tpu.memory_space<vmem>>) target_semaphore(%arg9 : memref<!tpu.dma_semaphore, #tpu.memory_space<semaphore_mem>>)
      } else {
      }
      scf.yield %get3A_424 : vector<16xi32>
    }
    %scan3A_381 = arith.constant 16 : i32
    %add3A_382 = arith.constant 0 : i32
    %add3A_383 = arith.addi %multiple_of3A, %add3A_382 : i32
    %run_scoped3A = arith.constant 0 : i32
    "tpu.region"() ({
      %run_scoped3A_387 = tpu.sem_alloc : memref<!tpu.dma_semaphore, #tpu.memory_space<semaphore_mem>>
      %dma_start3A_388 = arith.constant 0 : i32
      %dma_start3A_389 = arith.constant 0 : i32
      %dma_start3A_390 = tpu.memref_slice %arg8[%run_scoped3A, %dma_start3A_388, %dma_start3A_389] : memref<2x64x128xf32, #tpu.memory_space<vmem>> -> memref<1x64x128xf32, #tpu.memory_space<vmem>>
      %dma_start3A_391 = tpu.memref_squeeze %dma_start3A_390 : memref<1x64x128xf32, #tpu.memory_space<vmem>> -> memref<64x128xf32, #tpu.memory_space<vmem>>
      %dma_start3A_392 = arith.constant 0 : i32
      %dma_start3A_393 = tpu.memref_slice %arg5[%dma_start3A_392, %add3A_383] : memref<64x8192xf32, #tpu.memory_space<hbm>> -> memref<64x128xf32, #tpu.memory_space<hbm>>
      %dma_start3A_394 = arith.constant 0 : i32
      %dma_start3A_395 = tpu.memref_slice %arg5[%dma_start3A_394, %add3A_383] : memref<64x8192xf32, #tpu.memory_space<hbm>> -> memref<64x128xf32, #tpu.memory_space<hbm>>
      %dma_start3A_396 = arith.constant 0 : i32
      %dma_start3A_397 = arith.constant 0 : i32
      %dma_start3A_398 = tpu.memref_slice %arg8[%run_scoped3A, %dma_start3A_396, %dma_start3A_397] : memref<2x64x128xf32, #tpu.memory_space<vmem>> -> memref<1x64x128xf32, #tpu.memory_space<vmem>>
      %dma_start3A_399 = tpu.memref_squeeze %dma_start3A_398 : memref<1x64x128xf32, #tpu.memory_space<vmem>> -> memref<64x128xf32, #tpu.memory_space<vmem>>
      tpu.enqueue_dma source(%dma_start3A_399 : memref<64x128xf32, #tpu.memory_space<vmem>>) target(%dma_start3A_395 : memref<64x128xf32, #tpu.memory_space<hbm>>) target_semaphore(%run_scoped3A_387 : memref<!tpu.dma_semaphore, #tpu.memory_space<semaphore_mem>>)
      %dma_wait3A_400 = arith.constant 0 : i32
      %dma_wait3A_401 = arith.constant 0 : i32
      %dma_wait3A_402 = tpu.memref_slice %arg8[%run_scoped3A, %dma_wait3A_400, %dma_wait3A_401] : memref<2x64x128xf32, #tpu.memory_space<vmem>> -> memref<1x64x128xf32, #tpu.memory_space<vmem>>
      %dma_wait3A_403 = tpu.memref_squeeze %dma_wait3A_402 : memref<1x64x128xf32, #tpu.memory_space<vmem>> -> memref<64x128xf32, #tpu.memory_space<vmem>>
      %dma_wait3A_404 = arith.constant 0 : i32
      %dma_wait3A_405 = tpu.memref_slice %arg5[%dma_wait3A_404, %add3A_383] : memref<64x8192xf32, #tpu.memory_space<hbm>> -> memref<64x128xf32, #tpu.memory_space<hbm>>
      %dma_wait3A_406 = arith.constant 0 : i32
      %dma_wait3A_407 = tpu.memref_slice %arg5[%dma_wait3A_406, %add3A_383] : memref<64x8192xf32, #tpu.memory_space<hbm>> -> memref<64x128xf32, #tpu.memory_space<hbm>>
      %dma_wait3A_408 = arith.constant 0 : i32
      %dma_wait3A_409 = arith.constant 0 : i32
      %dma_wait3A_410 = tpu.memref_slice %arg8[%run_scoped3A, %dma_wait3A_408, %dma_wait3A_409] : memref<2x64x128xf32, #tpu.memory_space<vmem>> -> memref<1x64x128xf32, #tpu.memory_space<vmem>>
      %dma_wait3A_411 = tpu.memref_squeeze %dma_wait3A_410 : memref<1x64x128xf32, #tpu.memory_space<vmem>> -> memref<64x128xf32, #tpu.memory_space<vmem>>
      tpu.wait_dma2 semaphore(%run_scoped3A_387 : memref<!tpu.dma_semaphore, #tpu.memory_space<semaphore_mem>>) src(%dma_wait3A_411 : memref<64x128xf32, #tpu.memory_space<vmem>>) dst(%dma_wait3A_407 : memref<64x128xf32, #tpu.memory_space<hbm>>)
      tpu.yield
    }) : () -> ()
    %add3A_384 = arith.constant 128 : i32
    %add3A_385 = arith.addi %multiple_of3A, %add3A_384 : i32
    %run_scoped3A_386 = arith.constant 1 : i32
    "tpu.region"() ({
      %run_scoped3A_387 = tpu.sem_alloc : memref<!tpu.dma_semaphore, #tpu.memory_space<semaphore_mem>>
      %dma_start3A_388 = arith.constant 0 : i32
      %dma_start3A_389 = arith.constant 0 : i32
      %dma_start3A_390 = tpu.memref_slice %arg8[%run_scoped3A_386, %dma_start3A_388, %dma_start3A_389] : memref<2x64x128xf32, #tpu.memory_space<vmem>> -> memref<1x64x128xf32, #tpu.memory_space<vmem>>
      %dma_start3A_391 = tpu.memref_squeeze %dma_start3A_390 : memref<1x64x128xf32, #tpu.memory_space<vmem>> -> memref<64x128xf32, #tpu.memory_space<vmem>>
      %dma_start3A_392 = arith.constant 0 : i32
      %dma_start3A_393 = tpu.memref_slice %arg5[%dma_start3A_392, %add3A_385] : memref<64x8192xf32, #tpu.memory_space<hbm>> -> memref<64x128xf32, #tpu.memory_space<hbm>>
      %dma_start3A_394 = arith.constant 0 : i32
      %dma_start3A_395 = tpu.memref_slice %arg5[%dma_start3A_394, %add3A_385] : memref<64x8192xf32, #tpu.memory_space<hbm>> -> memref<64x128xf32, #tpu.memory_space<hbm>>
      %dma_start3A_396 = arith.constant 0 : i32
      %dma_start3A_397 = arith.constant 0 : i32
      %dma_start3A_398 = tpu.memref_slice %arg8[%run_scoped3A_386, %dma_start3A_396, %dma_start3A_397] : memref<2x64x128xf32, #tpu.memory_space<vmem>> -> memref<1x64x128xf32, #tpu.memory_space<vmem>>
      %dma_start3A_399 = tpu.memref_squeeze %dma_start3A_398 : memref<1x64x128xf32, #tpu.memory_space<vmem>> -> memref<64x128xf32, #tpu.memory_space<vmem>>
      tpu.enqueue_dma source(%dma_start3A_399 : memref<64x128xf32, #tpu.memory_space<vmem>>) target(%dma_start3A_395 : memref<64x128xf32, #tpu.memory_space<hbm>>) target_semaphore(%run_scoped3A_387 : memref<!tpu.dma_semaphore, #tpu.memory_space<semaphore_mem>>)
      %dma_wait3A_400 = arith.constant 0 : i32
      %dma_wait3A_401 = arith.constant 0 : i32
      %dma_wait3A_402 = tpu.memref_slice %arg8[%run_scoped3A_386, %dma_wait3A_400, %dma_wait3A_401] : memref<2x64x128xf32, #tpu.memory_space<vmem>> -> memref<1x64x128xf32, #tpu.memory_space<vmem>>
      %dma_wait3A_403 = tpu.memref_squeeze %dma_wait3A_402 : memref<1x64x128xf32, #tpu.memory_space<vmem>> -> memref<64x128xf32, #tpu.memory_space<vmem>>
      %dma_wait3A_404 = arith.constant 0 : i32
      %dma_wait3A_405 = tpu.memref_slice %arg5[%dma_wait3A_404, %add3A_385] : memref<64x8192xf32, #tpu.memory_space<hbm>> -> memref<64x128xf32, #tpu.memory_space<hbm>>
      %dma_wait3A_406 = arith.constant 0 : i32
      %dma_wait3A_407 = tpu.memref_slice %arg5[%dma_wait3A_406, %add3A_385] : memref<64x8192xf32, #tpu.memory_space<hbm>> -> memref<64x128xf32, #tpu.memory_space<hbm>>
      %dma_wait3A_408 = arith.constant 0 : i32
      %dma_wait3A_409 = arith.constant 0 : i32
      %dma_wait3A_410 = tpu.memref_slice %arg8[%run_scoped3A_386, %dma_wait3A_408, %dma_wait3A_409] : memref<2x64x128xf32, #tpu.memory_space<vmem>> -> memref<1x64x128xf32, #tpu.memory_space<vmem>>
      %dma_wait3A_411 = tpu.memref_squeeze %dma_wait3A_410 : memref<1x64x128xf32, #tpu.memory_space<vmem>> -> memref<64x128xf32, #tpu.memory_space<vmem>>
      tpu.wait_dma2 semaphore(%run_scoped3A_387 : memref<!tpu.dma_semaphore, #tpu.memory_space<semaphore_mem>>) src(%dma_wait3A_411 : memref<64x128xf32, #tpu.memory_space<vmem>>) dst(%dma_wait3A_407 : memref<64x128xf32, #tpu.memory_space<hbm>>)
      tpu.yield
    }) : () -> ()
    return
  }
}

</mosaic_0001>

<sc_bundles>
// kernel: kernel.3.cloned.1.call-start
scs
__scs_entry_jumppad:
0x0: {  	(pc) =	sbr.rel $0x88, $3  }
0x1: {  	(tag) =	ssettag $0x0;
	lr =	simm.s32 $0x1  }
0x2: {  	[smem:$0x3F9E] =	sst lr;
	_ =	strace $0xD0000000  }
0x3: {  	_ = 	snop  }
0x4: {  	_ = 	snop  }
0x5: {  	_ = 	snop  }
0x6: {  	_ = 	snop  }
0x7: {  	_ = 	snop  }
__scs_overlays_trampoline_lowered:
0x8: {  	[smem:$0x3FAD] =	sst s0  }
0x9: {  	[smem:$0x3FAE] =	sst s1  }
0xa: {  	[smem:$0x3FAF] =	sst s2  }
0xb: {  	[smem:$0x3FB0] =	sst s3  }
0xc: {  	[smem:$0x3FB1] =	sst s4  }
0xd: {  	[smem:$0x3FB2] =	sst s5  }
0xe: {  	[smem:$0x3FB3] =	sst s6  }
0xf: {  	[smem:$0x3FB4] =	sst s7  }
0x10: {  	[smem:$0x3FB5] =	sst s8  }
0x11: {  	[smem:$0x3FB6] =	sst s9;
	s0 =	simm.s32 @!p0 $0x0  }
0x12: {  	s1 =	sld [smem:$0x3F9C];
	s0 =	simm.s32 @p0 $0x1  }
0x13: {  	[smem:$0x3FB7] =	sst s0;
	s0 =	simm.s32 @!p1 $0x0  }
0x14: {  	s2 =	sld [smem:$0x3F9B];
	s0 =	simm.s32 @p1 $0x1  }
0x15: {  	[smem:$0x3FB8] =	sst s0;
	s0 =	simm.s32 @!p2 $0x0  }
0x16: {  	s3 =	sld [smem:$0x3FDB];
	s0 =	simm.s32 @p2 $0x1  }
0x17: {  	s4 =	simm.s32 $0x1BF5;
	[smem:$0x3FBA] =	sst s0  }
0x18: {  	s0 =	sld [smem:$0x3F9D];
	_ =	swait.ge [sflag:s4], $0x0  }
0x19: {  	s7 =	sld [smem:$0x3F9E]  }
0x1a: {  	s8 =	sadd.s32 $0xFFFFE003, lr  }
0x1b: {  	s9 =	sadd.s32 $0xFFFFFEF7, lr;
	s5 =	simm.s32 $0xFFFFFFFF;
	p2 =	slt.u32 s8, $0xFFFFF086  }
0x1c: {  	p1 =	slt.u32 s9, $0xF7A;
	s5 =	simm.s32 @!p2 $0x0  }
0x1d: {  	s5 =	simm.s32 @p1 $0x1;
	p0 =	seq.s32 s7, s2  }
0x1e: {  	s7 =	smul.u32 @!p0 $0xF7A, s2;
	p2 =	seq.s32 @!p0 s5, $0x0  }
0x1f: {  	s9 =	smul.u32 $0xF7A, s1;
	s8 =	simm.s32 @!p0 $0x1BF5;
	p2 =	por !p2, p0  }
0x20: {  	[sflag:s8] =	ssyncset.s32 @!p0 $0xFFFFF086;
	s6 =	sadd.s32 @!p0 s3, s7;
	s7 =	simm.s32 @!p0 $0x108  }
0x21: {  	s3 =	sadd.s32 s3, s9;
	s6 =	sadd.s32 @!p0 $0x88, s6;
	s7 =	simm.s32 @p2 $0x1082  }
0x22: {  	[simem:s7], [sflag:s8] =	dma.local @!p0 [hbm:s6], $0xF7A  }
0x23: {  	s9 =	sor.u32 $0xD0000000, s2;
	s6 =	simm.s32 $0x108;
	_ =	swait.ge @!p0 [sflag:s8], $0x0  }
0x24: {  	s3 =	sadd.s32 $0x88, s3;
	s6 =	simm.s32 @!p1 $0x1082;
	[sflag:s4] =	ssyncset.s32 $0xFFFFF086  }
0x25: {  	[simem:s6], [sflag:s4] =	dma.local [hbm:s3], $0xF7A  }
0x26: {  	[smem:$0x3F9E] =	sst s1;
	(tag) =	ssettag s2;
	_ =	strace s9  }
0x27: {  	s1 =	sld [smem:$0x3FAE]  }
0x28: {  	s2 =	sld [smem:$0x3FAF]  }
0x29: {  	s4 =	sld [smem:$0x3FB1]  }
0x2a: {  	p0 =	seq.s32 s5, $0x0;
	s5 =	sld [smem:$0x3FB2]  }
0x2b: {  	s6 =	sld [smem:$0x3FB3]  }
0x2c: {  	s7 =	sld [smem:$0x3FB4]  }
0x2d: {  	s3 =	simm.s32 $0x108;
	s8 =	sld [smem:$0x3FB5]  }
0x2e: {  	s3 =	simm.s32 @!p0 $0x1082;
	s9 =	sld [smem:$0x3FB6]  }
0x2f: {  	lr =	sadd.s32 s0, s3;
	s0 =	sld [smem:$0x3FAD]  }
0x30: {  	s3 =	sld [smem:$0x3FB0]  }
0x31: {  	[smem:$0x3FB9] =	sst s10  }
0x32: {  	s10 =	sld [smem:$0x3FB7];
	_ =	sdelay $0x3  }
0x33: {  	p0 =	seq.s32 s10, $0x1;
	s10 =	sld [smem:$0x3FB9];
	_ =	sdelay $0x3  }
0x34: {  	[smem:$0x3FB9] =	sst s10  }
0x35: {  	s10 =	sld [smem:$0x3FB8];
	_ =	sdelay $0x3  }
0x36: {  	p1 =	seq.s32 s10, $0x1;
	s10 =	sld [smem:$0x3FB9];
	_ =	sdelay $0x3  }
0x37: {  	[smem:$0x3FB9] =	sst s10  }
0x38: {  	s10 =	sld [smem:$0x3FBA]  }
0x39: {  	_ = 	snop;
	(pc) =	sbr.ind lr, $3  }
0x3a: {  	_ = 	snop  }
0x3b: {  	_ = 	snop  }
0x3c: {  	p2 =	seq.s32 s10, $0x1;
	s10 =	sld [smem:$0x3FB9]  }
0x3d: {  	_ =	shalt  }
0x3e: {  	_ =	shalt  }
0x3f: {  	_ =	shalt  }
0x40: {  	_ =	shalt  }
0x41: {  	_ =	shalt  }
0x42: {  	_ =	shalt  }
0x43: {  	_ =	shalt  }
0x44: {  	_ =	shalt  }
0x45: {  	_ =	shalt  }
0x46: {  	_ =	shalt  }
0x47: {  	_ =	shalt  }
0x48: {  	_ =	shalt  }
0x49: {  	_ =	shalt  }
0x4a: {  	_ =	shalt  }
0x4b: {  	_ =	shalt  }
0x4c: {  	_ =	shalt  }
0x4d: {  	_ =	shalt  }
0x4e: {  	_ =	shalt  }
0x4f: {  	_ =	shalt  }
0x50: {  	_ =	shalt  }
0x51: {  	_ =	shalt  }
0x52: {  	_ =	shalt  }
0x53: {  	_ =	shalt  }
0x54: {  	_ =	shalt  }
0x55: {  	_ =	shalt  }
0x56: {  	_ =	shalt  }
0x57: {  	_ =	shalt  }
0x58: {  	_ =	shalt  }
0x59: {  	_ =	shalt  }
0x5a: {  	_ =	shalt  }
0x5b: {  	_ =	shalt  }
0x5c: {  	_ =	shalt  }
0x5d: {  	_ =	shalt  }
0x5e: {  	_ =	shalt  }
0x5f: {  	_ =	shalt  }
0x60: {  	_ =	shalt  }
0x61: {  	_ =	shalt  }
0x62: {  	_ =	shalt  }
0x63: {  	_ =	shalt  }
0x64: {  	_ =	shalt  }
0x65: {  	_ =	shalt  }
0x66: {  	_ =	shalt  }
0x67: {  	_ =	shalt  }
0x68: {  	_ =	shalt  }
0x69: {  	_ =	shalt  }
0x6a: {  	_ =	shalt  }
0x6b: {  	_ =	shalt  }
0x6c: {  	_ =	shalt  }
0x6d: {  	_ =	shalt  }
0x6e: {  	_ =	shalt  }
0x6f: {  	_ =	shalt  }
0x70: {  	_ =	shalt  }
0x71: {  	_ =	shalt  }
0x72: {  	_ =	shalt  }
0x73: {  	_ =	shalt  }
0x74: {  	_ =	shalt  }
0x75: {  	_ =	shalt  }
0x76: {  	_ =	shalt  }
0x77: {  	_ =	shalt  }
0x78: {  	_ =	shalt  }
0x79: {  	_ =	shalt  }
0x7a: {  	_ =	shalt  }
0x7b: {  	_ =	shalt  }
0x7c: {  	_ =	shalt  }
0x7d: {  	_ =	shalt  }
0x7e: {  	_ =	shalt  }
0x7f: {  	_ =	shalt  }
0x80: {  	_ =	shalt  }
0x81: {  	_ =	shalt  }
0x82: {  	_ =	shalt  }
0x83: {  	_ =	shalt  }
0x84: {  	_ =	shalt  }
0x85: {  	_ =	shalt  }
0x86: {  	_ =	shalt  }
0x87: {  	_ =	shalt  }
.Lfunc_end0:
.L_simem_size_0:
called_computation_lowered:
.L_overlay_start_0:
0x88: {  	s2 =	sld [smem:$0x3FD9]  }
0x89: {  	s3 =	sld [smem:$0x3FFE];
	_ =	sdelay $0x1  }
0x8a: {  	s1 =	srdreg.scid  }
0x8b: {  	s0 =	sand.u32 $0x1, s1  }
0x8c: {  	s17 =	sshll.u32 s0, $0xA;
	s2 =	sadd.s32 s3, s2  }
0x8d: {  	s2 =	sadd.s32 s2, s17  }
0x8e: {  	[smem:$0x3FC5] =	sst s2  }
0x8f: {  	_ = 	snop  }
0x90: {  	s2 =	sld [smem:$0x3FC8]  }
0x91: {  	s18 =	sld [smem:$0x3FC7]  }
0x92: {  	s4 =	sld [smem:$0x3FD0];
	(tm) =	ssettm $0x1  }
0x93: {  	s5 =	sld [smem:$0x3FFB];
	_ =	sdelay $0x3  }
0x94: {  	_ =	strace s5  }
0x95: {  	s5 =	sld [smem:$0x3FFC];
	_ =	sdelay $0x3  }
0x96: {  	_ =	strace s5  }
0x97: {  	s5 =	sld [smem:$0x3FFD];
	_ =	sdelay $0x3  }
0x98: {  	_ =	strace s5  }
0x99: {  	_ =	strace $0x8FFFFFFF  }
0x9a: {  	s19 =	sld [smem:$0x3FDB];
	_ =	sdelay $0x1  }
0x9b: {  	s6 =	simm.s32 $_scs_section_size  }
0x9c: {  	s7 =	simm.s32 $_size__tile_overlayer_lowered;
	s8 =	simm.s32 $_tile_overlayer_lowered  }
0x9d: {  	s22 =	simm.s32 $0x1BFF;
	s21 =	sshll.u32 s8, $0x1;
	s5 =	sadd.s32 s6, s19  }
0x9e: {  	s9 =	simm.s32 $0x0;
	s20 =	sshll.u32 s7, $0x1;
	s7 =	sadd.s32 s21, s5  }
0x9f: {  	[timem:s9], [sflag:s22] =	dma.local [hbm:s7], s20  }
0xa0: {  	_ =	swait.ge [sflag:s22], s20  }
0xa1: {  	s6 =	ssub.s32 $0x0, s20;
	[sflag:s22] =	ssyncset.done $0x0  }
0xa2: {  	[sflag:s22] =	ssyncadd.s32 s6;
	_ =	sdelay $0x1  }
0xa3: {  	s23 =	simm.s32 $0x1B8B  }
0xa4: {  	_ =	swait.ge [sflag:s23], $0x1  }
0xa5: {  	[sflag:s23] =	ssyncset.done $0x0  }
0xa6: {  	s25 =	simm.s32 $0x1B8E;
	s24 =	sld [smem:$0x3FFE];
	[sflag:s23] =	ssyncadd.s32 $0xFFFFFFFF  }
0xa7: {  	s26 =	simm.s32 $execute0_lowered;
	[smem:$0x3FD2] =	sst s25  }
0xa8: {  	s7 =	sshll.u32 s26, $0x1;
	_ =	strace $0x80000046;
	[dreg:$0x1] =	wrdreg $0xFFFFFFFF  }
0xa9: {  	s28 =	simm.s32 $_size_execute0_lowered;
	s5 =	sadd.s32 s5, s7;
	[dreg:$0x0] =	wrdreg $0x0  }
0xaa: {  	s7 =	sshll.u32 s28, $0x1;
	[dreg:$0x2] =	wrdreg s5  }
0xab: {  	[dreg:$0x3] =	wrdreg s7  }
0xac: {  	[dreg:$0x4] =	wrdreg $0xC0  }
0xad: {  	_ =	task [dreg:s9], $0x5FFFF  }
0xae: {  	[dreg:$0x1] =	wrdreg $0xFFFFFFFF  }
0xaf: {  	[dreg:$0x0] =	wrdreg $0x60  }
0xb0: {  	[dreg:$0x2] =	wrdreg s4  }
0xb1: {  	[dreg:$0x3] =	wrdreg s2  }
0xb2: {  	[dreg:$0x4] =	wrdreg s18  }
0xb3: {  	[dreg:$0x5] =	wrdreg s24  }
0xb4: {  	[dreg:$0x6] =	wrdreg $0x9  }
0xb5: {  	_ =	task.clear_ibuf [dreg:s9], $0x7FFFF;
	_ =	strace $0x90000046  }
0xb6: {  	s29 =	simm.s32 $0x9;
	_ =	strace $0x80000048  }
0xb7: {  	_ =	swait.ge [sflag:s29], $0x1  }
0xb8: {  	[sflag:s29] =	ssyncadd.s32 $0xFFFFFFFF  }
0xb9: {  	_ =	strace $0x90000048  }
0xba: {  	_ =	sfence  }
0xbb: {  	s30 =	sld [smem:$0x0];
	_ =	sdelay $0x2  }
0xbc: {  	s31 =	sshll.u32 s1, $0xD;
	s1 =	sshrl.u32 s1, $0x2  }
0xbd: {  	s3 =	sand.u32 $0x4000, s31;
	s1 =	sadd.s32 s1, s30  }
0xbe: {  	s0 =	sor.u32 s3, s0;
	s1 =	sshll.u32 s1, $0x11  }
0xbf: {  	s0 =	sor.u32 s1, s0  }
0xc0: {  	s0 =	sadd.s32 $0x8F2B, s0  }
0xc1: {  	[sflag:s0] =	ssyncadd.remote.s32 $0x1  }
0xc2: {  	_ =	sfence.sel $0xFFFF  }
0xc3: {  	[dreg:$0x0] =	wrdreg $0xFFFFFFFF;
	(pc) =	sbr.abs _section_cstart, $3  }
0xc4: {  	[dreg:$0x1] =	wrdreg $0xFFFFFFFF  }
0xc5: {  	_ =	task.clear_ibuf [dreg:s9], $0x2FFFF;
	_ =	strace $0x9FFFFFFF  }
0xc6: {  	(tm) =	ssettm $0x7FFFFFFF  }
0xc7: {  	_ =	shalt  }
tec
execute0_lowered:
.L_overlay_start_1:
0x0: {  	(tag) =	ssettag $0x1  }
0x1: {  	s0 =	rddreg [dreg:$0x0]  }
0x2: {  	s1 =	rddreg [dreg:$0x1]  }
0x3: {  	s2 =	rddreg [dreg:$0x2]  }
0x4: {  	s3 =	rddreg [dreg:$0x3]  }
0x5: {  	s4 =	srdreg.scid;
	s8 =	stileid.u32;
	s7 =	simm.s32 $0x0  }
0x6: {  	s11 =	simm.s32 $0x3;
	s12 =	simm.s32 $0x400;
	s16 =	simm.s32 $0x7A1400  }
0x7: {  	s30 =	simm.s32 $0x1;
	s4 =	sand.u32 $0x1, s4;
	s5 =	sshll.u32 s8, $0x9  }
0x8: {  	[smem:$0x7FF] =	sst s7;
	s8 =	sshll.u32 s8, $0x6;
	s6 =	sshll.u32 s4, $0x8  }
0x9: {  	_ =	strace $0x80000047;
	s8 =	sand.u32 $0x380, s8;
	s5 =	sor.u32 s6, s5  }
0xa: {  	s4 =	ssub.s32 $0x2, s4;
	s0 =	sadd.s32 s0, s8;
	s25 =	sand.u32 $0x700, s5  }
0xb: {  	s3 =	sadd.s32 s5, s3;
	[dreg:$0x6] =	wrdreg s0;
	s2 =	sadd.s32 s2, s25  }
0xc: {  	s24 =	sshrl.u32 s4, $0x1;
	s28 =	sadd.s32 $0x400, s3;
	[dreg:$0x5] =	wrdreg s2  }
0xd: {  	v0 =	vlaneseq.u32;
	s6 =	ssub.s32 s4, s24;
	s29 =	sadd.s32 $0x480, s3;
	[dreg:$0x8] =	wrdreg s28  }
0xe: {  	v0 =	vmul.u32 $0x80, v0;
	s7 =	sand.u32 $0x300, s5;
	s31 =	smax.u32 s6, $0x1;
	[dreg:$0x9] =	wrdreg s29  }
0xf: {  	s4 =	simm.s32 $0x18400;
	s26 =	sadd.s32 $0x80, s2;
	[dreg:$0xa] =	wrdreg s31  }
0x10: {  	v1 =	vor.u32 $0x800, v0;
	v2 =	vor.u32 $0x1000, v0;
	v3 =	vor.u32 $0x1800, v0;
	s5 =	simm.s32 $0x1A400;
	s0 =	simm.s32 $0x0;
	[dreg:$0x7] =	wrdreg s26  }
.LBB2_1:
0x11: {  	s2 =	simm.s32 $0x0;
	s3 =	rddreg [dreg:$0x6]  }
0x12: {  	[tilespmem:s2], [sflag:$0x3] =	stream.linear.gather [hbm4b:s3+s2], $0x400, $0x38;
	[tilespmem:$0x1C400] =	vst v63  }
0x13: {  	_ =	swait.ge [sflag:s11], $0x400  }
0x14: {  	[sflag:s11] =	ssyncset.done $0x0  }
0x15: {  	s23 =	simm.s32 $0x4000;
	s22 =	rddreg [dreg:$0x5];
	[sflag:s11] =	ssyncadd.s32 $0xFFFFFC00  }
0x16: {  	[tilespmem:s4], [sflag:$0x2] =	stream.strided.gather [hbm4b:s22+s12], $0x2000, s23, s12, $0x38;
	[tilespmem:$0x1C400] =	vst v63  }
0x17: {  	s24 =	rddreg [dreg:$0x7]  }
0x18: {  	[tilespmem:s5], [sflag:$0x2] =	stream.strided.gather [hbm4b:s24+s12], $0x2000, s23, s12, $0x38;
	[tilespmem:$0x1C400] =	vst v63  }
0x19: {  	v5 =	vld [tilespmem:s7+$0x0];
	_ =	sdelay $0x4  }
0x1a: {  	(v2sf) =	vpush v5, $0x0  }
0x1b: {  	(v2sf) =	vpush v5, $0x1;
	_ =	sdelay $0x1  }
0x1c: {  	(v2sf) =	vpush v5, $0x2;
	_ =	sdelay $0x5  }
0x1d: {  	(v2sf) =	vpush v5, $0x3;
	_ =	sdelay $0x5  }
0x1e: {  	s25 =	spop (v2sf);
	(v2sf) =	vpush v5, $0x4  }
0x1f: {  	s26 =	spop (v2sf);
	(v2sf) =	vpush v5, $0x5;
	_ =	sdelay $0x1  }
0x20: {  	s2 =	sand.u32 $0xFFFFF80, s25;
	s29 =	spop (v2sf);
	(v2sf) =	vpush v5, $0x6  }
0x21: {  	s2 =	sadd.s32 s1, s2  }
0x22: {  	[tilespmem:s12], [sflag:$0x1] =	stream.strided.gather [hbm4b:s2+s12], $0x2000, s16, s12, $0x38;
	[tilespmem:$0x1C400] =	vst v63  }
0x23: {  	s2 =	sand.u32 $0xFFFFF80, s26  }
0x24: {  	s28 =	simm.s32 $0x2400;
	s2 =	sadd.s32 s1, s2  }
0x25: {  	(v2sf) =	vpush v5, $0x7;
	[tilespmem:s28], [sflag:$0x1] =	stream.strided.gather [hbm4b:s2+s12], $0x2000, s16, s12, $0x38;
	[tilespmem:$0x1C400] =	vst v63  }
0x26: {  	s3 =	spop (v2sf);
	(v2sf) =	vpush v5, $0x8;
	s2 =	sand.u32 $0xFFFFF80, s29  }
0x27: {  	s31 =	simm.s32 $0x4400;
	s2 =	sadd.s32 s1, s2  }
0x28: {  	[tilespmem:s31], [sflag:$0x1] =	stream.strided.gather [hbm4b:s2+s12], $0x2000, s16, s12, $0x38;
	[tilespmem:$0x1C400] =	vst v63  }
0x29: {  	s2 =	sand.u32 $0xFFFFF80, s3  }
0x2a: {  	s4 =	simm.s32 $0x6400;
	s2 =	sadd.s32 s1, s2  }
0x2b: {  	[tilespmem:s4], [sflag:$0x1] =	stream.strided.gather [hbm4b:s2+s12], $0x2000, s16, s12, $0x38;
	[tilespmem:$0x1C400] =	vst v63  }
0x2c: {  	s5 =	spop (v2sf);
	(v2sf) =	vpush v5, $0x9  }
0x2d: {  	s8 =	spop (v2sf);
	(v2sf) =	vpush v5, $0xA  }
0x2e: {  	s2 =	sand.u32 $0xFFFFF80, s5  }
0x2f: {  	s6 =	simm.s32 $0x8400;
	s2 =	sadd.s32 s1, s2;
	s10 =	spop (v2sf)  }
0x30: {  	(v2sf) =	vpush v5, $0xB;
	[tilespmem:s6], [sflag:$0x1] =	stream.strided.gather [hbm4b:s2+s12], $0x2000, s16, s12, $0x38;
	[tilespmem:$0x1C400] =	vst v63  }
0x31: {  	s2 =	sand.u32 $0xFFFFF80, s8  }
0x32: {  	s9 =	simm.s32 $0xA400;
	s2 =	sadd.s32 s1, s2  }
0x33: {  	[tilespmem:s9], [sflag:$0x1] =	stream.strided.gather [hbm4b:s2+s12], $0x2000, s16, s12, $0x38;
	[tilespmem:$0x1C400] =	vst v63  }
0x34: {  	s14 =	simm.s32 $0xC400;
	s13 =	spop (v2sf);
	s2 =	sand.u32 $0xFFFFF80, s10  }
0x35: {  	s15 =	sand.u32 $0xFFFFF80, s13;
	s17 =	spop (v2sf);
	s2 =	sadd.s32 s1, s2  }
0x36: {  	[tilespmem:s14], [sflag:$0x1] =	stream.strided.gather [hbm4b:s2+s12], $0x2000, s16, s12, $0x38;
	[tilespmem:$0x1C400] =	vst v63  }
0x37: {  	s18 =	simm.s32 $0xE400;
	s19 =	sand.u32 $0xFFFFF80, s17;
	s2 =	sadd.s32 s1, s15  }
0x38: {  	[tilespmem:s18], [sflag:$0x1] =	stream.strided.gather [hbm4b:s2+s12], $0x2000, s16, s12, $0x38;
	[tilespmem:$0x1C400] =	vst v63  }
0x39: {  	s21 =	simm.s32 $0x10400;
	s2 =	sadd.s32 s1, s19  }
0x3a: {  	[tilespmem:s21], [sflag:$0x1] =	stream.strided.gather [hbm4b:s2+s12], $0x2000, s16, s12, $0x38;
	[tilespmem:$0x1C400] =	vst v63  }
0x3b: {  	s20 =	spop (v2sf)  }
0x3c: {  	s22 =	sand.u32 $0xFFFFF80, s20;
	s23 =	spop (v2sf)  }
0x3d: {  	s24 =	simm.s32 $0x12400;
	s2 =	sadd.s32 s1, s22;
	s25 =	sand.u32 $0xFFFFF80, s23  }
0x3e: {  	[tilespmem:s24], [sflag:$0x1] =	stream.strided.gather [hbm4b:s2+s12], $0x2000, s16, s12, $0x38;
	[tilespmem:$0x1C400] =	vst v63  }
0x3f: {  	s26 =	simm.s32 $0x14400;
	s28 =	spop (v2sf);
	s2 =	sadd.s32 s1, s25  }
0x40: {  	[tilespmem:s26], [sflag:$0x1] =	stream.strided.gather [hbm4b:s2+s12], $0x2000, s16, s12, $0x38;
	[tilespmem:$0x1C400] =	vst v63  }
0x41: {  	s2 =	sand.u32 $0xFFFFF80, s28  }
0x42: {  	s29 =	simm.s32 $0x16400;
	s31 =	simm.s32 $0x2;
	s2 =	sadd.s32 s1, s2  }
0x43: {  	[tilespmem:s29], [sflag:$0x1] =	stream.strided.gather [hbm4b:s2+s12], $0x2000, s16, s12, $0x38;
	[tilespmem:$0x1C400] =	vst v63  }
0x44: {  	_ =	swait.ge [sflag:s31], $0x2000  }
0x45: {  	[sflag:s31] =	ssyncset.done $0x0  }
0x46: {  	[sflag:s31] =	ssyncadd.s32 $0xFFFFE000  }
0x47: {  	_ =	swait.ge [sflag:s31], $0x2000  }
0x48: {  	s3 =	simm.s32 $0x0;
	[sflag:s31] =	ssyncset.done $0x0  }
0x49: {  	s17 =	simm.s32 $0x1;
	s2 =	simm.s32 $0x0;
	[sflag:s31] =	ssyncadd.s32 $0xFFFFE000  }
.LBB2_2:
0x4a: {  	s5 =	smin.u32 s17, $0xF  }
0x4b: {  	s5 =	sshll.u32 s5, $0x4  }
0x4c: {  	s6 =	sand.u32 $0x80, s5  }
0x4d: {  	s5 =	sand.u32 $0x70, s5;
	s6 =	sadd.s32 s6, s7  }
0x4e: {  	s5 =	sadd.s32 s5, s6  }
0x4f: {  	v4 =	vld [tilespmem:s5+$0x0];
	_ =	swait.ge [sflag:s30], $0x2000  }
0x50: {  	(v2sf) =	vpush v5, $0x0;
	_ =	sdelay $0xb  }
0x51: {  	s19 =	smul.u32 $0xAB, s3;
	_ =	sdelay $0x1  }
0x52: {  	s26 =	sshrl.u32 s19, $0xB  }
0x53: {  	s5 =	sand.u32 $0x1F, s26;
	s28 =	spop (v2sf)  }
0x54: {  	s5 =	smul.u32 $0xC, s5;
	s6 =	sand.u32 $0x7F, s28  }
0x55: {  	v6 =	vor.u32 s6, v0  }
0x56: {  	v7 =	vmov s3;
	s5 =	ssub.s32 s3, s5  }
0x57: {  	v7 =	vand.u32 $0x70, v7;
	s5 =	sand.u32 $0xFF, s5  }
0x58: {  	v7 =	vbroadcast v7, $0x0;
	[sflag:s30] =	ssyncset.done $0x0;
	s5 =	sshll.u32 s5, $0xD  }
0x59: {  	[sflag:s30] =	ssyncadd.s32 $0xFFFFE000;
	s5 =	sor.u32 $0x400, s5  }
0x5a: {  	v8 =	vor.u32 v0, v7;
	v6 =	vld.idx.msk [tilespmem:v6+s5+$0x0], $0xffff  }
0x5b: {  	v9 =	vor.u32 s6, v1  }
0x5c: {  	s8 =	sand.u32 $0x8000, s2  }
0x5d: {  	s8 =	sshrl.u32 s8, $0x2  }
0x5e: {  	s18 =	sor.u32 $0x18400, s8  }
0x5f: {  	[tilespmem:v8+s18+$0x0] =	vst.idx.add.f32.msk $0xffff, v6  }
0x60: {  	v35 =	vor.u32 v1, v7;
	v6 =	vld.idx.msk [tilespmem:v9+s5+$0x0], $0xffff  }
0x61: {  	v36 =	vor.u32 s6, v2;
	_ =	sdelay $0x3  }
0x62: {  	[tilespmem:v35+s18+$0x0] =	vst.idx.add.f32.msk $0xffff, v6  }
0x63: {  	v37 =	vor.u32 v2, v7;
	v6 =	vld.idx.msk [tilespmem:v36+s5+$0x0], $0xffff  }
0x64: {  	v38 =	vor.u32 s6, v3;
	_ =	sdelay $0x3  }
0x65: {  	[tilespmem:v37+s18+$0x0] =	vst.idx.add.f32.msk $0xffff, v6  }
0x66: {  	v7 =	vor.u32 v3, v7;
	v6 =	vld.idx.msk [tilespmem:v38+s5+$0x0], $0xffff;
	_ =	sdelay $0x4  }
0x67: {  	[tilespmem:v7+s18+$0x0] =	vst.idx.add.f32.msk $0xffff, v6  }
0x68: {  	_ =	swait.ge [sflag:s30], $0x2000  }
0x69: {  	(v2sf) =	vpush v5, $0x1;
	_ =	sdelay $0xc  }
0x6a: {  	s29 =	sadd.s32 $0xAB, s19  }
0x6b: {  	s5 =	sshrl.u32 s29, $0xB  }
0x6c: {  	s5 =	sand.u32 $0x1F, s5;
	s31 =	spop (v2sf)  }
0x6d: {  	s5 =	smul.u32 $0xC, s5;
	s6 =	sand.u32 $0x7F, s31  }
0x6e: {  	s4 =	sadd.s32 $0x1, s3;
	v6 =	vor.u32 s6, v0  }
0x6f: {  	s5 =	ssub.s32 s4, s5;
	v7 =	vmov s4  }
0x70: {  	s5 =	sand.u32 $0xFF, s5;
	v7 =	vand.u32 $0x71, v7  }
0x71: {  	s5 =	sshll.u32 s5, $0xD;
	[sflag:s30] =	ssyncset.done $0x0;
	v7 =	vbroadcast v7, $0x0  }
0x72: {  	s5 =	sor.u32 $0x400, s5;
	[sflag:s30] =	ssyncadd.s32 $0xFFFFE000  }
0x73: {  	v39 =	vor.u32 v0, v7;
	v6 =	vld.idx.msk [tilespmem:v6+s5+$0x0], $0xffff  }
0x74: {  	v40 =	vor.u32 s6, v1;
	_ =	sdelay $0x3  }
0x75: {  	[tilespmem:v39+s18+$0x0] =	vst.idx.add.f32.msk $0xffff, v6  }
0x76: {  	v41 =	vor.u32 v1, v7;
	v6 =	vld.idx.msk [tilespmem:v40+s5+$0x0], $0xffff  }
0x77: {  	v42 =	vor.u32 s6, v2;
	_ =	sdelay $0x3  }
0x78: {  	[tilespmem:v41+s18+$0x0] =	vst.idx.add.f32.msk $0xffff, v6  }
0x79: {  	v43 =	vor.u32 v2, v7;
	v6 =	vld.idx.msk [tilespmem:v42+s5+$0x0], $0xffff  }
0x7a: {  	v44 =	vor.u32 s6, v3;
	_ =	sdelay $0x3  }
0x7b: {  	[tilespmem:v43+s18+$0x0] =	vst.idx.add.f32.msk $0xffff, v6  }
0x7c: {  	v7 =	vor.u32 v3, v7;
	v6 =	vld.idx.msk [tilespmem:v44+s5+$0x0], $0xffff;
	_ =	sdelay $0x4  }
0x7d: {  	[tilespmem:v7+s18+$0x0] =	vst.idx.add.f32.msk $0xffff, v6  }
0x7e: {  	_ =	swait.ge [sflag:s30], $0x2000  }
0x7f: {  	(v2sf) =	vpush v5, $0x2;
	_ =	sdelay $0xc  }
0x80: {  	s9 =	sadd.s32 $0x156, s19  }
0x81: {  	s5 =	sshrl.u32 s9, $0xB  }
0x82: {  	s5 =	sand.u32 $0x1F, s5;
	s10 =	spop (v2sf)  }
0x83: {  	s5 =	smul.u32 $0xC, s5;
	s6 =	sand.u32 $0x7F, s10  }
0x84: {  	s13 =	sadd.s32 $0x2, s3;
	v6 =	vor.u32 s6, v0  }
0x85: {  	s5 =	ssub.s32 s13, s5;
	v7 =	vmov s13  }
0x86: {  	s5 =	sand.u32 $0xFF, s5;
	v7 =	vand.u32 $0x72, v7  }
0x87: {  	s5 =	sshll.u32 s5, $0xD;
	[sflag:s30] =	ssyncset.done $0x0;
	v7 =	vbroadcast v7, $0x0  }
0x88: {  	s5 =	sor.u32 $0x400, s5;
	[sflag:s30] =	ssyncadd.s32 $0xFFFFE000  }
0x89: {  	v45 =	vor.u32 v0, v7;
	v6 =	vld.idx.msk [tilespmem:v6+s5+$0x0], $0xffff  }
0x8a: {  	v46 =	vor.u32 s6, v1;
	_ =	sdelay $0x3  }
0x8b: {  	[tilespmem:v45+s18+$0x0] =	vst.idx.add.f32.msk $0xffff, v6  }
0x8c: {  	v47 =	vor.u32 v1, v7;
	v6 =	vld.idx.msk [tilespmem:v46+s5+$0x0], $0xffff  }
0x8d: {  	v48 =	vor.u32 s6, v2;
	_ =	sdelay $0x3  }
0x8e: {  	[tilespmem:v47+s18+$0x0] =	vst.idx.add.f32.msk $0xffff, v6  }
0x8f: {  	v49 =	vor.u32 v2, v7;
	v6 =	vld.idx.msk [tilespmem:v48+s5+$0x0], $0xffff  }
0x90: {  	v50 =	vor.u32 s6, v3;
	_ =	sdelay $0x3  }
0x91: {  	[tilespmem:v49+s18+$0x0] =	vst.idx.add.f32.msk $0xffff, v6  }
0x92: {  	v7 =	vor.u32 v3, v7;
	v6 =	vld.idx.msk [tilespmem:v50+s5+$0x0], $0xffff;
	_ =	sdelay $0x4  }
0x93: {  	[tilespmem:v7+s18+$0x0] =	vst.idx.add.f32.msk $0xffff, v6  }
0x94: {  	_ =	swait.ge [sflag:s30], $0x2000  }
0x95: {  	(v2sf) =	vpush v5, $0x3;
	_ =	sdelay $0xc  }
0x96: {  	s14 =	sadd.s32 $0x201, s19  }
0x97: {  	s5 =	sshrl.u32 s14, $0xB  }
0x98: {  	s5 =	sand.u32 $0x1F, s5;
	s15 =	spop (v2sf)  }
0x99: {  	s5 =	smul.u32 $0xC, s5;
	s6 =	sand.u32 $0x7F, s15  }
0x9a: {  	s20 =	sadd.s32 $0x3, s3;
	v6 =	vor.u32 s6, v0  }
0x9b: {  	s5 =	ssub.s32 s20, s5;
	v7 =	vmov s20  }
0x9c: {  	s5 =	sand.u32 $0xFF, s5;
	v7 =	vand.u32 $0x73, v7  }
0x9d: {  	s5 =	sshll.u32 s5, $0xD;
	[sflag:s30] =	ssyncset.done $0x0;
	v7 =	vbroadcast v7, $0x0  }
0x9e: {  	s5 =	sor.u32 $0x400, s5;
	[sflag:s30] =	ssyncadd.s32 $0xFFFFE000  }
0x9f: {  	v51 =	vor.u32 v0, v7;
	v6 =	vld.idx.msk [tilespmem:v6+s5+$0x0], $0xffff  }
0xa0: {  	v52 =	vor.u32 s6, v1;
	_ =	sdelay $0x3  }
0xa1: {  	[tilespmem:v51+s18+$0x0] =	vst.idx.add.f32.msk $0xffff, v6  }
0xa2: {  	(v2sf) =	vpush v5, $0xC;
	v53 =	vor.u32 v1, v7;
	v6 =	vld.idx.msk [tilespmem:v52+s5+$0x0], $0xffff  }
0xa3: {  	v54 =	vor.u32 s6, v2;
	_ =	sdelay $0x1  }
0xa4: {  	s21 =	sadd.s32 $0x804, s19  }
0xa5: {  	(v2sf) =	vpush v5, $0xD;
	v56 =	vor.u32 s6, v3;
	s6 =	sshrl.u32 s21, $0xB  }
0xa6: {  	s6 =	sand.u32 $0x1F, s6;
	[tilespmem:v53+s18+$0x0] =	vst.idx.add.f32.msk $0xffff, v6  }
0xa7: {  	v55 =	vor.u32 v2, v7;
	s22 =	smul.u32 $0xC, s6;
	v6 =	vld.idx.msk [tilespmem:v54+s5+$0x0], $0xffff  }
0xa8: {  	s15 =	sadd.s32 $0xC, s3  }
0xa9: {  	s6 =	ssub.s32 s15, s22  }
0xaa: {  	s6 =	sand.u32 $0xFF, s6  }
0xab: {  	s25 =	sadd.s32 $0x8AF, s19;
	s6 =	sshll.u32 s6, $0xD  }
0xac: {  	(v2sf) =	vpush v5, $0xE;
	s28 =	sor.u32 $0x400, s6;
	s6 =	sshrl.u32 s25, $0xB;
	[tilespmem:v55+s18+$0x0] =	vst.idx.add.f32.msk $0xffff, v6  }
0xad: {  	v7 =	vor.u32 v3, v7;
	s6 =	sand.u32 $0x1F, s6;
	v6 =	vld.idx.msk [tilespmem:v56+s5+$0x0], $0xffff  }
0xae: {  	s6 =	smul.u32 $0xC, s6  }
0xaf: {  	s13 =	sadd.s32 $0xD, s3  }
0xb0: {  	s6 =	ssub.s32 s13, s6;
	s5 =	spop (v2sf)  }
0xb1: {  	s6 =	sand.u32 $0xFF, s6;
	(v2sf) =	vpush v5, $0xF;
	s23 =	sand.u32 $0xFFFFF80, s5  }
0xb2: {  	s31 =	sadd.s32 $0x95A, s19;
	s6 =	sshll.u32 s6, $0xD;
	s24 =	sadd.s32 s1, s23;
	[tilespmem:v7+s18+$0x0] =	vst.idx.add.f32.msk $0xffff, v6  }
0xb3: {  	[tilespmem:s28], [sflag:$0x1] =	stream.strided.gather [hbm4b:s24+s12], $0x2000, s16, s12, $0x38;
	[tilespmem:$0x1C400] =	vst v63  }
0xb4: {  	s14 =	spop (v2sf);
	s24 =	sor.u32 $0x400, s6;
	s6 =	sshrl.u32 s31, $0xB  }
0xb5: {  	s26 =	sand.u32 $0xFFFFF80, s14;
	s6 =	sand.u32 $0x1F, s6  }
0xb6: {  	s25 =	sadd.s32 $0xE, s3;
	s29 =	sadd.s32 s1, s26;
	s6 =	smul.u32 $0xC, s6  }
0xb7: {  	[tilespmem:s24], [sflag:$0x1] =	stream.strided.gather [hbm4b:s29+s12], $0x2000, s16, s12, $0x38;
	[tilespmem:$0x1C400] =	vst v63  }
0xb8: {  	s6 =	ssub.s32 s25, s6  }
0xb9: {  	s6 =	sand.u32 $0xFF, s6  }
0xba: {  	s9 =	sadd.s32 $0xA05, s19;
	s6 =	sshll.u32 s6, $0xD  }
0xbb: {  	s26 =	spop (v2sf);
	s21 =	sor.u32 $0x400, s6;
	s6 =	sshrl.u32 s9, $0xB  }
0xbc: {  	s4 =	sand.u32 $0xFFFFF80, s26;
	s6 =	sand.u32 $0x1F, s6  }
0xbd: {  	s22 =	sadd.s32 $0xF, s3;
	s8 =	sadd.s32 s1, s4;
	s6 =	smul.u32 $0xC, s6  }
0xbe: {  	[tilespmem:s21], [sflag:$0x1] =	stream.strided.gather [hbm4b:s8+s12], $0x2000, s16, s12, $0x38;
	[tilespmem:$0x1C400] =	vst v63  }
0xbf: {  	s6 =	ssub.s32 s22, s6  }
0xc0: {  	s23 =	spop (v2sf);
	s6 =	sand.u32 $0xFF, s6  }
0xc1: {  	s10 =	sand.u32 $0xFFFFF80, s23;
	s6 =	sshll.u32 s6, $0xD  }
0xc2: {  	s29 =	sadd.s32 s1, s10;
	s20 =	sor.u32 $0x400, s6  }
0xc3: {  	[tilespmem:s20], [sflag:$0x1] =	stream.strided.gather [hbm4b:s29+s12], $0x2000, s16, s12, $0x38;
	[tilespmem:$0x1C400] =	vst v63  }
0xc4: {  	_ =	swait.ge [sflag:s30], $0x2000  }
0xc5: {  	(v2sf) =	vpush v5, $0x4;
	_ =	sdelay $0xc  }
0xc6: {  	s31 =	sadd.s32 $0x2AC, s19  }
0xc7: {  	s6 =	sshrl.u32 s31, $0xB  }
0xc8: {  	s6 =	sand.u32 $0x1F, s6;
	s4 =	spop (v2sf)  }
0xc9: {  	s6 =	smul.u32 $0xC, s6;
	s8 =	sand.u32 $0x7F, s4  }
0xca: {  	s9 =	sadd.s32 $0x4, s3;
	v6 =	vor.u32 s8, v0  }
0xcb: {  	v7 =	vmov s9;
	s6 =	ssub.s32 s9, s6  }
0xcc: {  	v7 =	vand.u32 $0x74, v7;
	s6 =	sand.u32 $0xFF, s6  }
0xcd: {  	v7 =	vbroadcast v7, $0x0;
	[sflag:s30] =	ssyncset.done $0x0;
	s6 =	sshll.u32 s6, $0xD  }
0xce: {  	[sflag:s30] =	ssyncadd.s32 $0xFFFFE000;
	s6 =	sor.u32 $0x400, s6  }
0xcf: {  	v57 =	vor.u32 v0, v7;
	v6 =	vld.idx.msk [tilespmem:v6+s6+$0x0], $0xffff  }
0xd0: {  	v58 =	vor.u32 s8, v1;
	_ =	sdelay $0x3  }
0xd1: {  	[tilespmem:v57+s18+$0x0] =	vst.idx.add.f32.msk $0xffff, v6  }
0xd2: {  	v59 =	vor.u32 v1, v7;
	v6 =	vld.idx.msk [tilespmem:v58+s6+$0x0], $0xffff  }
0xd3: {  	v60 =	vor.u32 s8, v2;
	_ =	sdelay $0x3  }
0xd4: {  	[tilespmem:v59+s18+$0x0] =	vst.idx.add.f32.msk $0xffff, v6  }
0xd5: {  	v61 =	vor.u32 v2, v7;
	v6 =	vld.idx.msk [tilespmem:v60+s6+$0x0], $0xffff  }
0xd6: {  	v62 =	vor.u32 s8, v3;
	_ =	sdelay $0x3  }
0xd7: {  	[tilespmem:v61+s18+$0x0] =	vst.idx.add.f32.msk $0xffff, v6  }
0xd8: {  	v7 =	vor.u32 v3, v7;
	v6 =	vld.idx.msk [tilespmem:v62+s6+$0x0], $0xffff;
	_ =	sdelay $0x4  }
0xd9: {  	[tilespmem:v7+s18+$0x0] =	vst.idx.add.f32.msk $0xffff, v6  }
0xda: {  	_ =	swait.ge [sflag:s30], $0x2000  }
0xdb: {  	(v2sf) =	vpush v5, $0x5;
	_ =	sdelay $0xc  }
0xdc: {  	s8 =	sadd.s32 $0x357, s19  }
0xdd: {  	s6 =	sshrl.u32 s8, $0xB  }
0xde: {  	s6 =	sand.u32 $0x1F, s6;
	s9 =	spop (v2sf)  }
0xdf: {  	s6 =	smul.u32 $0xC, s6;
	s8 =	sand.u32 $0x7F, s9  }
0xe0: {  	s10 =	sadd.s32 $0x5, s3;
	v6 =	vor.u32 s8, v0  }
0xe1: {  	s6 =	ssub.s32 s10, s6;
	v7 =	vmov s10  }
0xe2: {  	s6 =	sand.u32 $0xFF, s6;
	v7 =	vand.u32 $0x75, v7  }
0xe3: {  	s6 =	sshll.u32 s6, $0xD;
	[sflag:s30] =	ssyncset.done $0x0;
	v7 =	vbroadcast v7, $0x0  }
0xe4: {  	s6 =	sor.u32 $0x400, s6;
	[sflag:s30] =	ssyncadd.s32 $0xFFFFE000  }
0xe5: {  	v63 =	vor.u32 v0, v7;
	v6 =	vld.idx.msk [tilespmem:v6+s6+$0x0], $0xffff  }
0xe6: {  	v12 =	vor.u32 s8, v1;
	_ =	sdelay $0x3  }
0xe7: {  	[tilespmem:v63+s18+$0x0] =	vst.idx.add.f32.msk $0xffff, v6  }
0xe8: {  	v13 =	vor.u32 v1, v7;
	v6 =	vld.idx.msk [tilespmem:v12+s6+$0x0], $0xffff  }
0xe9: {  	v14 =	vor.u32 s8, v2;
	_ =	sdelay $0x3  }
0xea: {  	[tilespmem:v13+s18+$0x0] =	vst.idx.add.f32.msk $0xffff, v6  }
0xeb: {  	v15 =	vor.u32 v2, v7;
	v6 =	vld.idx.msk [tilespmem:v14+s6+$0x0], $0xffff  }
0xec: {  	v16 =	vor.u32 s8, v3;
	_ =	sdelay $0x3  }
0xed: {  	[tilespmem:v15+s18+$0x0] =	vst.idx.add.f32.msk $0xffff, v6  }
0xee: {  	v7 =	vor.u32 v3, v7;
	v6 =	vld.idx.msk [tilespmem:v16+s6+$0x0], $0xffff;
	_ =	sdelay $0x4  }
0xef: {  	[tilespmem:v7+s18+$0x0] =	vst.idx.add.f32.msk $0xffff, v6  }
0xf0: {  	_ =	swait.ge [sflag:s30], $0x2000  }
0xf1: {  	(v2sf) =	vpush v5, $0x6;
	_ =	sdelay $0xc  }
0xf2: {  	s29 =	sadd.s32 $0x402, s19  }
0xf3: {  	s6 =	sshrl.u32 s29, $0xB  }
0xf4: {  	s6 =	sand.u32 $0x1F, s6;
	s31 =	spop (v2sf)  }
0xf5: {  	s6 =	smul.u32 $0xC, s6;
	s8 =	sand.u32 $0x7F, s31  }
0xf6: {  	s4 =	sadd.s32 $0x6, s3;
	v6 =	vor.u32 s8, v0  }
0xf7: {  	s6 =	ssub.s32 s4, s6;
	v7 =	vmov s4  }
0xf8: {  	s6 =	sand.u32 $0xFF, s6;
	v7 =	vand.u32 $0x76, v7  }
0xf9: {  	s6 =	sshll.u32 s6, $0xD;
	[sflag:s30] =	ssyncset.done $0x0;
	v7 =	vbroadcast v7, $0x0  }
0xfa: {  	s6 =	sor.u32 $0x400, s6;
	[sflag:s30] =	ssyncadd.s32 $0xFFFFE000  }
0xfb: {  	v17 =	vor.u32 v0, v7;
	v6 =	vld.idx.msk [tilespmem:v6+s6+$0x0], $0xffff  }
0xfc: {  	v18 =	vor.u32 s8, v1;
	_ =	sdelay $0x3  }
0xfd: {  	[tilespmem:v17+s18+$0x0] =	vst.idx.add.f32.msk $0xffff, v6  }
0xfe: {  	v19 =	vor.u32 v1, v7;
	v6 =	vld.idx.msk [tilespmem:v18+s6+$0x0], $0xffff  }
0xff: {  	v20 =	vor.u32 s8, v2;
	_ =	sdelay $0x3  }
0x100: {  	[tilespmem:v19+s18+$0x0] =	vst.idx.add.f32.msk $0xffff, v6  }
0x101: {  	v21 =	vor.u32 v2, v7;
	v6 =	vld.idx.msk [tilespmem:v20+s6+$0x0], $0xffff  }
0x102: {  	v22 =	vor.u32 s8, v3;
	_ =	sdelay $0x3  }
0x103: {  	[tilespmem:v21+s18+$0x0] =	vst.idx.add.f32.msk $0xffff, v6  }
0x104: {  	v7 =	vor.u32 v3, v7;
	v6 =	vld.idx.msk [tilespmem:v22+s6+$0x0], $0xffff;
	_ =	sdelay $0x4  }
0x105: {  	[tilespmem:v7+s18+$0x0] =	vst.idx.add.f32.msk $0xffff, v6  }
0x106: {  	_ =	swait.ge [sflag:s30], $0x2000  }
0x107: {  	(v2sf) =	vpush v5, $0x7;
	_ =	sdelay $0xc  }
0x108: {  	s10 =	sadd.s32 $0x4AD, s19  }
0x109: {  	s6 =	sshrl.u32 s10, $0xB  }
0x10a: {  	s6 =	sand.u32 $0x1F, s6;
	s29 =	spop (v2sf)  }
0x10b: {  	s6 =	smul.u32 $0xC, s6;
	s8 =	sand.u32 $0x7F, s29  }
0x10c: {  	s31 =	sadd.s32 $0x7, s3;
	v6 =	vor.u32 s8, v0  }
0x10d: {  	s6 =	ssub.s32 s31, s6;
	v7 =	vmov s31  }
0x10e: {  	s6 =	sand.u32 $0xFF, s6;
	v7 =	vand.u32 $0x77, v7  }
0x10f: {  	s6 =	sshll.u32 s6, $0xD;
	[sflag:s30] =	ssyncset.done $0x0;
	v7 =	vbroadcast v7, $0x0  }
0x110: {  	s4 =	sor.u32 $0x400, s6;
	[sflag:s30] =	ssyncadd.s32 $0xFFFFE000  }
0x111: {  	v23 =	vor.u32 v0, v7;
	v6 =	vld.idx.msk [tilespmem:v6+s4+$0x0], $0xffff  }
0x112: {  	v24 =	vor.u32 s8, v1;
	_ =	sdelay $0x2  }
0x113: {  	p0 =	seq.s32 s3, $0xF0  }
0x114: {  	(v2sf) =	vpush @!p0 v4, $0x0;
	[tilespmem:v23+s18+$0x0] =	vst.idx.add.f32.msk $0xffff, v6  }
0x115: {  	v25 =	vor.u32 v1, v7;
	v6 =	vld.idx.msk [tilespmem:v24+s4+$0x0], $0xffff  }
0x116: {  	v26 =	vor.u32 s8, v2;
	_ =	sdelay $0x3  }
0x117: {  	(v2sf) =	vpush @!p0 v4, $0x1;
	[tilespmem:v25+s18+$0x0] =	vst.idx.add.f32.msk $0xffff, v6  }
0x118: {  	v27 =	vor.u32 v2, v7;
	v6 =	vld.idx.msk [tilespmem:v26+s4+$0x0], $0xffff  }
0x119: {  	s6 =	sadd.s32 @!p0 $0x10, s3;
	v28 =	vor.u32 s8, v3  }
0x11a: {  	s8 =	sand.u32 @!p0 $0xFFFF, s6  }
0x11b: {  	s8 =	smul.u32 @!p0 $0xAAAB, s8;
	_ =	sdelay $0x1  }
0x11c: {  	s10 =	sadd.s32 @!p0 $0x11, s3;
	s8 =	sshrl.u32 @!p0 s8, $0x13;
	[tilespmem:v27+s18+$0x0] =	vst.idx.add.f32.msk $0xffff, v6  }
0x11d: {  	s9 =	sand.u32 @!p0 $0xFFFF, s10;
	v7 =	vor.u32 v3, v7;
	s8 =	smul.u32 @!p0 $0xC, s8;
	v6 =	vld.idx.msk [tilespmem:v28+s4+$0x0], $0xffff  }
0x11e: {  	s9 =	smul.u32 @!p0 $0xAAAB, s9;
	(v2sf) =	vpush @!p0 v4, $0x2  }
0x11f: {  	s31 =	spop @!p0 (v2sf);
	s8 =	ssub.s32 @!p0 s6, s8  }
0x120: {  	s29 =	sshrl.u32 @!p0 s9, $0x13;
	s9 =	simm.s32 @!p0 $0x7A1400;
	s8 =	sand.u32 @!p0 $0xFFFF, s8  }
0x121: {  	s31 =	sand.u32 @!p0 $0xFFFFF80, s31;
	s29 =	smul.u32 @!p0 $0xC, s29;
	s8 =	sshll.u32 @!p0 s8, $0xD  }
0x122: {  	s31 =	sadd.s32 @!p0 s1, s31;
	s4 =	sor.u32 @!p0 $0x400, s8;
	s8 =	simm.s32 @!p0 $0x400;
	[tilespmem:v7+s18+$0x0] =	vst.idx.add.f32.msk $0xffff, v6  }
0x123: {  	(v2sf) =	vpush @!p0 v4, $0x3;
	[tilespmem:s4], [sflag:$0x1] =	stream.strided.gather @!p0 [hbm4b:s31+s8], $0x2000, s9, s8, $0x38;
	[tilespmem:$0x1C400] =	vst v63  }
0x124: {  	s4 =	ssub.s32 @!p0 s10, s29  }
0x125: {  	s10 =	spop @!p0 (v2sf);
	s29 =	sadd.s32 @!p0 $0x12, s3;
	s4 =	sand.u32 @!p0 $0xFFFF, s4  }
0x126: {  	s10 =	sand.u32 @!p0 $0xFFFFF80, s10;
	s31 =	sand.u32 @!p0 $0xFFFF, s29;
	s4 =	sshll.u32 @!p0 s4, $0xD  }
0x127: {  	s10 =	sadd.s32 @!p0 s1, s10;
	s31 =	smul.u32 @!p0 $0xAAAB, s31;
	s4 =	sor.u32 @!p0 $0x400, s4  }
0x128: {  	[tilespmem:s4], [sflag:$0x1] =	stream.strided.gather @!p0 [hbm4b:s10+s8], $0x2000, s9, s8, $0x38;
	[tilespmem:$0x1C400] =	vst v63  }
0x129: {  	s4 =	sshrl.u32 @!p0 s31, $0x13  }
0x12a: {  	s10 =	sadd.s32 @!p0 $0x13, s3;
	s4 =	smul.u32 @!p0 $0xC, s4  }
0x12b: {  	s31 =	sand.u32 @!p0 $0xFFFF, s10  }
0x12c: {  	s4 =	ssub.s32 @!p0 s29, s4;
	s29 =	smul.u32 @!p0 $0xAAAB, s31  }
0x12d: {  	s31 =	spop @!p0 (v2sf);
	s4 =	sand.u32 @!p0 $0xFFFF, s4  }
0x12e: {  	s31 =	sand.u32 @!p0 $0xFFFFF80, s31;
	s4 =	sshll.u32 @!p0 s4, $0xD;
	s29 =	sshrl.u32 @!p0 s29, $0x13  }
0x12f: {  	s31 =	sadd.s32 @!p0 s1, s31;
	s4 =	sor.u32 @!p0 $0x400, s4;
	s29 =	smul.u32 @!p0 $0xC, s29  }
0x130: {  	[tilespmem:s4], [sflag:$0x1] =	stream.strided.gather @!p0 [hbm4b:s31+s8], $0x2000, s9, s8, $0x38;
	[tilespmem:$0x1C400] =	vst v63  }
0x131: {  	s4 =	ssub.s32 @!p0 s10, s29  }
0x132: {  	s10 =	spop @!p0 (v2sf);
	s4 =	sand.u32 @!p0 $0xFFFF, s4  }
0x133: {  	s10 =	sand.u32 @!p0 $0xFFFFF80, s10;
	s4 =	sshll.u32 @!p0 s4, $0xD  }
0x134: {  	s10 =	sadd.s32 @!p0 s1, s10;
	s4 =	sor.u32 @!p0 $0x400, s4  }
0x135: {  	[tilespmem:s4], [sflag:$0x1] =	stream.strided.gather @!p0 [hbm4b:s10+s8], $0x2000, s9, s8, $0x38;
	[tilespmem:$0x1C400] =	vst v63  }
0x136: {  	_ =	swait.ge [sflag:s30], $0x2000  }
0x137: {  	(v2sf) =	vpush v5, $0x8;
	_ =	sdelay $0xc  }
0x138: {  	s10 =	sadd.s32 $0x558, s19  }
0x139: {  	s4 =	sshrl.u32 s10, $0xB  }
0x13a: {  	s4 =	sand.u32 $0x1F, s4;
	s29 =	spop (v2sf)  }
0x13b: {  	s4 =	smul.u32 $0xC, s4;
	s10 =	sand.u32 $0x7F, s29  }
0x13c: {  	s31 =	sadd.s32 $0x8, s3;
	v6 =	vor.u32 s10, v0  }
0x13d: {  	v7 =	vmov s31;
	s4 =	ssub.s32 s31, s4  }
0x13e: {  	v7 =	vand.u32 $0x78, v7;
	s4 =	sand.u32 $0xFF, s4  }
0x13f: {  	v7 =	vbroadcast v7, $0x0;
	[sflag:s30] =	ssyncset.done $0x0;
	s4 =	sshll.u32 s4, $0xD  }
0x140: {  	[sflag:s30] =	ssyncadd.s32 $0xFFFFE000;
	s4 =	sor.u32 $0x400, s4  }
0x141: {  	v29 =	vor.u32 v0, v7;
	v6 =	vld.idx.msk [tilespmem:v6+s4+$0x0], $0xffff  }
0x142: {  	v30 =	vor.u32 s10, v1;
	_ =	sdelay $0x3  }
0x143: {  	[tilespmem:v29+s18+$0x0] =	vst.idx.add.f32.msk $0xffff, v6  }
0x144: {  	v31 =	vor.u32 v1, v7;
	v6 =	vld.idx.msk [tilespmem:v30+s4+$0x0], $0xffff  }
0x145: {  	v32 =	vor.u32 s10, v2;
	_ =	sdelay $0x3  }
0x146: {  	[tilespmem:v31+s18+$0x0] =	vst.idx.add.f32.msk $0xffff, v6  }
0x147: {  	v33 =	vor.u32 v2, v7;
	v6 =	vld.idx.msk [tilespmem:v32+s4+$0x0], $0xffff  }
0x148: {  	v34 =	vor.u32 s10, v3;
	_ =	sdelay $0x3  }
0x149: {  	[tilespmem:v33+s18+$0x0] =	vst.idx.add.f32.msk $0xffff, v6  }
0x14a: {  	v7 =	vor.u32 v3, v7;
	v6 =	vld.idx.msk [tilespmem:v34+s4+$0x0], $0xffff;
	_ =	sdelay $0x4  }
0x14b: {  	[tilespmem:v7+s18+$0x0] =	vst.idx.add.f32.msk $0xffff, v6  }
0x14c: {  	_ =	swait.ge [sflag:s30], $0x2000  }
0x14d: {  	(v2sf) =	vpush v5, $0x9;
	_ =	sdelay $0xc  }
0x14e: {  	s10 =	sadd.s32 $0x603, s19  }
0x14f: {  	s4 =	sshrl.u32 s10, $0xB  }
0x150: {  	s4 =	sand.u32 $0x1F, s4;
	s29 =	spop (v2sf)  }
0x151: {  	s4 =	smul.u32 $0xC, s4;
	s10 =	sand.u32 $0x7F, s29  }
0x152: {  	s31 =	sadd.s32 $0x9, s3;
	v6 =	vor.u32 s10, v0  }
0x153: {  	s4 =	ssub.s32 s31, s4;
	v7 =	vmov s31  }
0x154: {  	s4 =	sand.u32 $0xFF, s4;
	v7 =	vand.u32 $0x79, v7  }
0x155: {  	s4 =	sshll.u32 s4, $0xD;
	[sflag:s30] =	ssyncset.done $0x0;
	v7 =	vbroadcast v7, $0x0  }
0x156: {  	s4 =	sor.u32 $0x400, s4;
	[sflag:s30] =	ssyncadd.s32 $0xFFFFE000  }
0x157: {  	v35 =	vor.u32 v0, v7;
	v6 =	vld.idx.msk [tilespmem:v6+s4+$0x0], $0xffff  }
0x158: {  	v36 =	vor.u32 s10, v1;
	_ =	sdelay $0x3  }
0x159: {  	[tilespmem:v35+s18+$0x0] =	vst.idx.add.f32.msk $0xffff, v6  }
0x15a: {  	v37 =	vor.u32 v1, v7;
	v6 =	vld.idx.msk [tilespmem:v36+s4+$0x0], $0xffff  }
0x15b: {  	v38 =	vor.u32 s10, v2;
	_ =	sdelay $0x3  }
0x15c: {  	[tilespmem:v37+s18+$0x0] =	vst.idx.add.f32.msk $0xffff, v6  }
0x15d: {  	v39 =	vor.u32 v2, v7;
	v6 =	vld.idx.msk [tilespmem:v38+s4+$0x0], $0xffff  }
0x15e: {  	v40 =	vor.u32 s10, v3;
	_ =	sdelay $0x3  }
0x15f: {  	[tilespmem:v39+s18+$0x0] =	vst.idx.add.f32.msk $0xffff, v6  }
0x160: {  	v7 =	vor.u32 v3, v7;
	v6 =	vld.idx.msk [tilespmem:v40+s4+$0x0], $0xffff;
	_ =	sdelay $0x4  }
0x161: {  	[tilespmem:v7+s18+$0x0] =	vst.idx.add.f32.msk $0xffff, v6  }
0x162: {  	_ =	swait.ge [sflag:s30], $0x2000  }
0x163: {  	(v2sf) =	vpush v5, $0xA;
	_ =	sdelay $0xc  }
0x164: {  	s10 =	sadd.s32 $0x6AE, s19  }
0x165: {  	s4 =	sshrl.u32 s10, $0xB  }
0x166: {  	s4 =	sand.u32 $0x1F, s4;
	s29 =	spop (v2sf)  }
0x167: {  	s4 =	smul.u32 $0xC, s4;
	s10 =	sand.u32 $0x7F, s29  }
0x168: {  	s31 =	sadd.s32 $0xA, s3;
	v6 =	vor.u32 s10, v0  }
0x169: {  	s4 =	ssub.s32 s31, s4;
	v7 =	vmov s31  }
0x16a: {  	s4 =	sand.u32 $0xFF, s4;
	v7 =	vand.u32 $0x7A, v7  }
0x16b: {  	s4 =	sshll.u32 s4, $0xD;
	[sflag:s30] =	ssyncset.done $0x0;
	v7 =	vbroadcast v7, $0x0  }
0x16c: {  	s4 =	sor.u32 $0x400, s4;
	[sflag:s30] =	ssyncadd.s32 $0xFFFFE000  }
0x16d: {  	v41 =	vor.u32 v0, v7;
	v6 =	vld.idx.msk [tilespmem:v6+s4+$0x0], $0xffff  }
0x16e: {  	v42 =	vor.u32 s10, v1;
	_ =	sdelay $0x3  }
0x16f: {  	[tilespmem:v41+s18+$0x0] =	vst.idx.add.f32.msk $0xffff, v6  }
0x170: {  	v43 =	vor.u32 v1, v7;
	v6 =	vld.idx.msk [tilespmem:v42+s4+$0x0], $0xffff  }
0x171: {  	v44 =	vor.u32 s10, v2;
	_ =	sdelay $0x3  }
0x172: {  	[tilespmem:v43+s18+$0x0] =	vst.idx.add.f32.msk $0xffff, v6  }
0x173: {  	v45 =	vor.u32 v2, v7;
	v6 =	vld.idx.msk [tilespmem:v44+s4+$0x0], $0xffff  }
0x174: {  	v46 =	vor.u32 s10, v3;
	_ =	sdelay $0x3  }
0x175: {  	[tilespmem:v45+s18+$0x0] =	vst.idx.add.f32.msk $0xffff, v6  }
0x176: {  	v7 =	vor.u32 v3, v7;
	v6 =	vld.idx.msk [tilespmem:v46+s4+$0x0], $0xffff;
	_ =	sdelay $0x4  }
0x177: {  	[tilespmem:v7+s18+$0x0] =	vst.idx.add.f32.msk $0xffff, v6  }
0x178: {  	_ =	swait.ge [sflag:s30], $0x2000  }
0x179: {  	(v2sf) =	vpush v5, $0xB;
	_ =	sdelay $0xc  }
0x17a: {  	s19 =	sadd.s32 $0x759, s19  }
0x17b: {  	s4 =	sshrl.u32 s19, $0xB  }
0x17c: {  	s4 =	sand.u32 $0x1F, s4;
	s29 =	spop (v2sf)  }
0x17d: {  	s4 =	smul.u32 $0xC, s4;
	s10 =	sand.u32 $0x7F, s29  }
0x17e: {  	s31 =	sadd.s32 $0xB, s3;
	v5 =	vor.u32 s10, v0  }
0x17f: {  	s4 =	ssub.s32 s31, s4;
	v6 =	vmov s31  }
0x180: {  	s4 =	sand.u32 $0xFF, s4;
	v6 =	vand.u32 $0x7B, v6  }
0x181: {  	s4 =	sshll.u32 s4, $0xD;
	[sflag:s30] =	ssyncset.done $0x0;
	v6 =	vbroadcast v6, $0x0  }
0x182: {  	s4 =	sor.u32 $0x400, s4;
	[sflag:s30] =	ssyncadd.s32 $0xFFFFE000  }
0x183: {  	v7 =	vor.u32 v0, v6;
	v5 =	vld.idx.msk [tilespmem:v5+s4+$0x0], $0xffff  }
0x184: {  	v47 =	vor.u32 s10, v1;
	_ =	sdelay $0x3  }
0x185: {  	[tilespmem:v7+s18+$0x0] =	vst.idx.add.f32.msk $0xffff, v5  }
0x186: {  	(v2sf) =	vpush @!p0 v4, $0x4;
	v7 =	vor.u32 v1, v6;
	v5 =	vld.idx.msk [tilespmem:v47+s4+$0x0], $0xffff  }
0x187: {  	v48 =	vor.u32 s10, v2;
	_ =	sdelay $0x3  }
0x188: {  	(v2sf) =	vpush @!p0 v4, $0x5;
	[tilespmem:v7+s18+$0x0] =	vst.idx.add.f32.msk $0xffff, v5  }
0x189: {  	v7 =	vor.u32 v2, v6;
	v5 =	vld.idx.msk [tilespmem:v48+s4+$0x0], $0xffff  }
0x18a: {  	v49 =	vor.u32 s10, v3;
	s10 =	sadd.s32 @!p0 $0x14, s3  }
0x18b: {  	s19 =	sand.u32 @!p0 $0xFFFF, s10  }
0x18c: {  	s19 =	smul.u32 @!p0 $0xAAAB, s19;
	_ =	sdelay $0x1  }
0x18d: {  	s19 =	sshrl.u32 @!p0 s19, $0x13;
	[tilespmem:v7+s18+$0x0] =	vst.idx.add.f32.msk $0xffff, v5  }
0x18e: {  	v6 =	vor.u32 v3, v6;
	v5 =	vld.idx.msk [tilespmem:v49+s4+$0x0], $0xffff;
	s4 =	smul.u32 @!p0 $0xC, s19;
	s19 =	sadd.s32 @!p0 $0x15, s3  }
0x18f: {  	(v2sf) =	vpush @!p0 v4, $0x6;
	s29 =	sand.u32 @!p0 $0xFFFF, s19  }
0x190: {  	s4 =	ssub.s32 @!p0 s10, s4;
	s10 =	smul.u32 @!p0 $0xAAAB, s29  }
0x191: {  	s29 =	spop @!p0 (v2sf);
	s4 =	sand.u32 @!p0 $0xFFFF, s4  }
0x192: {  	s29 =	sand.u32 @!p0 $0xFFFFF80, s29;
	s4 =	sshll.u32 @!p0 s4, $0xD;
	s10 =	sshrl.u32 @!p0 s10, $0x13  }
0x193: {  	s29 =	sadd.s32 @!p0 s1, s29;
	[tilespmem:v6+s18+$0x0] =	vst.idx.add.f32.msk $0xffff, v5;
	s4 =	sor.u32 @!p0 $0x400, s4;
	s10 =	smul.u32 @!p0 $0xC, s10  }
0x194: {  	(v2sf) =	vpush @!p0 v4, $0x7;
	[tilespmem:s4], [sflag:$0x1] =	stream.strided.gather @!p0 [hbm4b:s29+s8], $0x2000, s9, s8, $0x38;
	[tilespmem:$0x1C400] =	vst v63  }
0x195: {  	s4 =	ssub.s32 @!p0 s19, s10  }
0x196: {  	s10 =	spop @!p0 (v2sf);
	s19 =	sadd.s32 @!p0 $0x16, s3;
	s4 =	sand.u32 @!p0 $0xFFFF, s4  }
0x197: {  	s10 =	sand.u32 @!p0 $0xFFFFF80, s10;
	s29 =	sand.u32 @!p0 $0xFFFF, s19;
	s4 =	sshll.u32 @!p0 s4, $0xD  }
0x198: {  	s10 =	sadd.s32 @!p0 s1, s10;
	s29 =	smul.u32 @!p0 $0xAAAB, s29;
	s4 =	sor.u32 @!p0 $0x400, s4  }
0x199: {  	[tilespmem:s4], [sflag:$0x1] =	stream.strided.gather @!p0 [hbm4b:s10+s8], $0x2000, s9, s8, $0x38;
	[tilespmem:$0x1C400] =	vst v63  }
0x19a: {  	s4 =	sshrl.u32 @!p0 s29, $0x13  }
0x19b: {  	s10 =	sadd.s32 @!p0 $0x17, s3;
	s4 =	smul.u32 @!p0 $0xC, s4  }
0x19c: {  	s29 =	sand.u32 @!p0 $0xFFFF, s10  }
0x19d: {  	s4 =	ssub.s32 @!p0 s19, s4;
	s19 =	smul.u32 @!p0 $0xAAAB, s29  }
0x19e: {  	s29 =	spop @!p0 (v2sf);
	s4 =	sand.u32 @!p0 $0xFFFF, s4  }
0x19f: {  	s29 =	sand.u32 @!p0 $0xFFFFF80, s29;
	s4 =	sshll.u32 @!p0 s4, $0xD;
	s19 =	sshrl.u32 @!p0 s19, $0x13  }
0x1a0: {  	s29 =	sadd.s32 @!p0 s1, s29;
	s4 =	sor.u32 @!p0 $0x400, s4;
	s19 =	smul.u32 @!p0 $0xC, s19  }
0x1a1: {  	[tilespmem:s4], [sflag:$0x1] =	stream.strided.gather @!p0 [hbm4b:s29+s8], $0x2000, s9, s8, $0x38;
	[tilespmem:$0x1C400] =	vst v63  }
0x1a2: {  	s4 =	ssub.s32 @!p0 s10, s19  }
0x1a3: {  	s10 =	spop @!p0 (v2sf);
	s4 =	sand.u32 @!p0 $0xFFFF, s4  }
0x1a4: {  	s5 =	sand.u32 $0x7F, s5;
	s10 =	sand.u32 @!p0 $0xFFFFF80, s10;
	s4 =	sshll.u32 @!p0 s4, $0xD  }
0x1a5: {  	v5 =	vor.u32 s5, v0;
	s10 =	sadd.s32 @!p0 s1, s10;
	s4 =	sor.u32 @!p0 $0x400, s4  }
0x1a6: {  	v6 =	vmov s15;
	[tilespmem:s4], [sflag:$0x1] =	stream.strided.gather @!p0 [hbm4b:s10+s8], $0x2000, s9, s8, $0x38;
	[tilespmem:$0x1C400] =	vst v63  }
0x1a7: {  	v6 =	vand.u32 $0x7C, v6;
	_ =	swait.ge [sflag:s30], $0x2000  }
0x1a8: {  	v6 =	vbroadcast v6, $0x0;
	[sflag:s30] =	ssyncset.done $0x0  }
0x1a9: {  	[sflag:s30] =	ssyncadd.s32 $0xFFFFE000  }
0x1aa: {  	v7 =	vor.u32 v0, v6;
	v5 =	vld.idx.msk [tilespmem:v5+s28+$0x0], $0xffff  }
0x1ab: {  	v50 =	vor.u32 s5, v1;
	_ =	sdelay $0x3  }
0x1ac: {  	[tilespmem:v7+s18+$0x0] =	vst.idx.add.f32.msk $0xffff, v5  }
0x1ad: {  	v7 =	vor.u32 v1, v6;
	v5 =	vld.idx.msk [tilespmem:v50+s28+$0x0], $0xffff  }
0x1ae: {  	v51 =	vor.u32 s5, v2;
	_ =	sdelay $0x3  }
0x1af: {  	[tilespmem:v7+s18+$0x0] =	vst.idx.add.f32.msk $0xffff, v5  }
0x1b0: {  	v7 =	vor.u32 v2, v6;
	v5 =	vld.idx.msk [tilespmem:v51+s28+$0x0], $0xffff  }
0x1b1: {  	v52 =	vor.u32 s5, v3;
	_ =	sdelay $0x3  }
0x1b2: {  	[tilespmem:v7+s18+$0x0] =	vst.idx.add.f32.msk $0xffff, v5  }
0x1b3: {  	v6 =	vor.u32 v3, v6;
	v5 =	vld.idx.msk [tilespmem:v52+s28+$0x0], $0xffff;
	_ =	sdelay $0x2  }
0x1b4: {  	s28 =	sand.u32 $0x7F, s14  }
0x1b5: {  	v7 =	vor.u32 s28, v0  }
0x1b6: {  	v53 =	vmov s13;
	[tilespmem:v6+s18+$0x0] =	vst.idx.add.f32.msk $0xffff, v5  }
0x1b7: {  	v5 =	vand.u32 $0x7D, v53;
	_ =	swait.ge [sflag:s30], $0x2000  }
0x1b8: {  	v5 =	vbroadcast v5, $0x0;
	[sflag:s30] =	ssyncset.done $0x0  }
0x1b9: {  	[sflag:s30] =	ssyncadd.s32 $0xFFFFE000  }
0x1ba: {  	v6 =	vld.idx.msk [tilespmem:v7+s24+$0x0], $0xffff;
	v7 =	vor.u32 v0, v5  }
0x1bb: {  	v54 =	vor.u32 s28, v1;
	_ =	sdelay $0x3  }
0x1bc: {  	[tilespmem:v7+s18+$0x0] =	vst.idx.add.f32.msk $0xffff, v6  }
0x1bd: {  	v7 =	vor.u32 v1, v5;
	v6 =	vld.idx.msk [tilespmem:v54+s24+$0x0], $0xffff  }
0x1be: {  	v55 =	vor.u32 s28, v2;
	_ =	sdelay $0x3  }
0x1bf: {  	[tilespmem:v7+s18+$0x0] =	vst.idx.add.f32.msk $0xffff, v6  }
0x1c0: {  	v7 =	vor.u32 v2, v5;
	v6 =	vld.idx.msk [tilespmem:v55+s24+$0x0], $0xffff  }
0x1c1: {  	v56 =	vor.u32 s28, v3;
	_ =	sdelay $0x3  }
0x1c2: {  	[tilespmem:v7+s18+$0x0] =	vst.idx.add.f32.msk $0xffff, v6  }
0x1c3: {  	v5 =	vor.u32 v3, v5;
	v6 =	vld.idx.msk [tilespmem:v56+s24+$0x0], $0xffff;
	_ =	sdelay $0x2  }
0x1c4: {  	s29 =	sand.u32 $0x7F, s26  }
0x1c5: {  	v7 =	vor.u32 s29, v0  }
0x1c6: {  	v57 =	vmov s25;
	[tilespmem:v5+s18+$0x0] =	vst.idx.add.f32.msk $0xffff, v6  }
0x1c7: {  	v5 =	vand.u32 $0x7E, v57;
	_ =	swait.ge [sflag:s30], $0x2000  }
0x1c8: {  	v5 =	vbroadcast v5, $0x0;
	[sflag:s30] =	ssyncset.done $0x0  }
0x1c9: {  	[sflag:s30] =	ssyncadd.s32 $0xFFFFE000  }
0x1ca: {  	v6 =	vld.idx.msk [tilespmem:v7+s21+$0x0], $0xffff;
	v7 =	vor.u32 v0, v5  }
0x1cb: {  	v58 =	vor.u32 s29, v1;
	_ =	sdelay $0x3  }
0x1cc: {  	[tilespmem:v7+s18+$0x0] =	vst.idx.add.f32.msk $0xffff, v6  }
0x1cd: {  	v7 =	vor.u32 v1, v5;
	v6 =	vld.idx.msk [tilespmem:v58+s21+$0x0], $0xffff  }
0x1ce: {  	v59 =	vor.u32 s29, v2;
	_ =	sdelay $0x3  }
0x1cf: {  	[tilespmem:v7+s18+$0x0] =	vst.idx.add.f32.msk $0xffff, v6  }
0x1d0: {  	v7 =	vor.u32 v2, v5;
	v6 =	vld.idx.msk [tilespmem:v59+s21+$0x0], $0xffff  }
0x1d1: {  	v60 =	vor.u32 s29, v3;
	_ =	sdelay $0x3  }
0x1d2: {  	[tilespmem:v7+s18+$0x0] =	vst.idx.add.f32.msk $0xffff, v6  }
0x1d3: {  	v5 =	vor.u32 v3, v5;
	v6 =	vld.idx.msk [tilespmem:v60+s21+$0x0], $0xffff;
	_ =	sdelay $0x2  }
0x1d4: {  	s31 =	sand.u32 $0x7F, s23  }
0x1d5: {  	v7 =	vor.u32 s31, v0  }
0x1d6: {  	[tilespmem:v5+s18+$0x0] =	vst.idx.add.f32.msk $0xffff, v6;
	v5 =	vmov s22  }
0x1d7: {  	_ =	swait.ge [sflag:s30], $0x2000;
	v5 =	vand.u32 $0x7F, v5  }
0x1d8: {  	[sflag:s30] =	ssyncset.done $0x0;
	v5 =	vbroadcast v5, $0x0  }
0x1d9: {  	[sflag:s30] =	ssyncadd.s32 $0xFFFFE000  }
0x1da: {  	v6 =	vld.idx.msk [tilespmem:v7+s20+$0x0], $0xffff;
	v7 =	vor.u32 v0, v5  }
0x1db: {  	v61 =	vor.u32 s31, v1;
	_ =	sdelay $0x3  }
0x1dc: {  	[tilespmem:v7+s18+$0x0] =	vst.idx.add.f32.msk $0xffff, v6  }
0x1dd: {  	(v2sf) =	vpush @!p0 v4, $0x8;
	v7 =	vor.u32 v1, v5;
	v6 =	vld.idx.msk [tilespmem:v61+s20+$0x0], $0xffff  }
0x1de: {  	v62 =	vor.u32 s31, v2;
	_ =	sdelay $0x3  }
0x1df: {  	(v2sf) =	vpush @!p0 v4, $0x9;
	[tilespmem:v7+s18+$0x0] =	vst.idx.add.f32.msk $0xffff, v6  }
0x1e0: {  	v7 =	vor.u32 v2, v5;
	v6 =	vld.idx.msk [tilespmem:v62+s20+$0x0], $0xffff  }
0x1e1: {  	v63 =	vor.u32 s31, v3;
	s4 =	sadd.s32 @!p0 $0x18, s3  }
0x1e2: {  	s5 =	sand.u32 @!p0 $0xFFFF, s4  }
0x1e3: {  	s5 =	smul.u32 @!p0 $0xAAAB, s5;
	_ =	sdelay $0x1  }
0x1e4: {  	s5 =	sshrl.u32 @!p0 s5, $0x13;
	[tilespmem:v7+s18+$0x0] =	vst.idx.add.f32.msk $0xffff, v6  }
0x1e5: {  	s10 =	sadd.s32 @!p0 $0x19, s3;
	s5 =	smul.u32 @!p0 $0xC, s5;
	v5 =	vor.u32 v3, v5;
	v6 =	vld.idx.msk [tilespmem:v63+s20+$0x0], $0xffff  }
0x1e6: {  	s13 =	sand.u32 @!p0 $0xFFFF, s10  }
0x1e7: {  	s4 =	ssub.s32 @!p0 s4, s5;
	s5 =	smul.u32 @!p0 $0xAAAB, s13;
	(v2sf) =	vpush @!p0 v4, $0xA  }
0x1e8: {  	s4 =	sand.u32 @!p0 $0xFFFF, s4;
	s13 =	spop @!p0 (v2sf)  }
0x1e9: {  	s4 =	sshll.u32 @!p0 s4, $0xD;
	s5 =	sshrl.u32 @!p0 s5, $0x13;
	s13 =	sand.u32 @!p0 $0xFFFFF80, s13  }
0x1ea: {  	s4 =	sor.u32 @!p0 $0x400, s4;
	s5 =	smul.u32 @!p0 $0xC, s5;
	s13 =	sadd.s32 @!p0 s1, s13;
	[tilespmem:v5+s18+$0x0] =	vst.idx.add.f32.msk $0xffff, v6  }
0x1eb: {  	(v2sf) =	vpush @!p0 v4, $0xB;
	[tilespmem:s4], [sflag:$0x1] =	stream.strided.gather @!p0 [hbm4b:s13+s8], $0x2000, s9, s8, $0x38;
	[tilespmem:$0x1C400] =	vst v63  }
0x1ec: {  	s4 =	ssub.s32 @!p0 s10, s5  }
0x1ed: {  	s5 =	spop @!p0 (v2sf);
	s10 =	sadd.s32 @!p0 $0x1A, s3;
	s4 =	sand.u32 @!p0 $0xFFFF, s4  }
0x1ee: {  	s5 =	sand.u32 @!p0 $0xFFFFF80, s5;
	s13 =	sand.u32 @!p0 $0xFFFF, s10;
	s4 =	sshll.u32 @!p0 s4, $0xD  }
0x1ef: {  	s5 =	sadd.s32 @!p0 s1, s5;
	s13 =	smul.u32 @!p0 $0xAAAB, s13;
	s4 =	sor.u32 @!p0 $0x400, s4  }
0x1f0: {  	[tilespmem:s4], [sflag:$0x1] =	stream.strided.gather @!p0 [hbm4b:s5+s8], $0x2000, s9, s8, $0x38;
	[tilespmem:$0x1C400] =	vst v63  }
0x1f1: {  	s3 =	sadd.s32 @!p0 $0x1B, s3;
	s4 =	sshrl.u32 @!p0 s13, $0x13  }
0x1f2: {  	s5 =	sand.u32 @!p0 $0xFFFF, s3;
	s4 =	smul.u32 @!p0 $0xC, s4  }
0x1f3: {  	s5 =	smul.u32 @!p0 $0xAAAB, s5;
	_ =	sdelay $0x1  }
0x1f4: {  	p1 =	sne.s32 @!p0 s6, $0x100;
	s4 =	ssub.s32 @!p0 s10, s4;
	s5 =	sshrl.u32 @!p0 s5, $0x13  }
0x1f5: {  	s10 =	spop @!p0 (v2sf);
	s4 =	sand.u32 @!p0 $0xFFFF, s4;
	s5 =	smul.u32 @!p0 $0xC, s5  }
0x1f6: {  	p1 =	por p0, !p1;
	s10 =	sand.u32 @!p0 $0xFFFFF80, s10;
	s4 =	sshll.u32 @!p0 s4, $0xD  }
0x1f7: {  	s10 =	sadd.s32 @!p0 s1, s10;
	s4 =	sor.u32 @!p0 $0x400, s4;
	s3 =	ssub.s32 @!p0 s3, s5  }
0x1f8: {  	[tilespmem:s4], [sflag:$0x1] =	stream.strided.gather @!p0 [hbm4b:s10+s8], $0x2000, s9, s8, $0x38;
	[tilespmem:$0x1C400] =	vst v63  }
.Ltmp0:
0x1f9: {  	s4 =	spop @!p0 (v2sf);
	s3 =	sand.u32 @!p0 $0xFFFF, s3;
	(pc) =	sbr.rel @!p1 .LBB2_2-.Ltmp0, $4  }
0x1fa: {  	s4 =	sand.u32 @!p0 $0xFFFFF80, s4;
	s3 =	sshll.u32 @!p0 s3, $0xD  }
0x1fb: {  	s3 =	sor.u32 @!p0 $0x400, s3;
	s4 =	sadd.s32 @!p0 s1, s4  }
0x1fc: {  	[tilespmem:s3], [sflag:$0x1] =	stream.strided.gather @!p0 [hbm4b:s4+s8], $0x2000, s9, s8, $0x38;
	[tilespmem:$0x1C400] =	vst v63  }
0x1fd: {  	s17 =	sadd.s32 @!p0 $0x1, s17;
	s2 =	sadd.s32 @!p0 $0x1000, s2;
	v5 =	vmov v4;
	s3 =	smov.u32 s6  }
0x1fe: {  	s2 =	rddreg [dreg:$0x8];
	s4 =	simm.s32 $0x18400;
	s3 =	simm.s32 $0x10000  }
0x1ff: {  	[hbm4b:s2+s12] =	stream.strided.scatter [tilespmem:s4], [sflag:$0x3], $0x2000, s3, s12, $0x38;
	[tilespmem:$0x1C400] =	vst v63  }
0x200: {  	_ =	swait.ge [sflag:s11], $0x2000  }
0x201: {  	[sflag:s11] =	ssyncset.done $0x0  }
0x202: {  	s5 =	simm.s32 $0x1A400;
	s29 =	rddreg [dreg:$0x9];
	[sflag:s11] =	ssyncadd.s32 $0xFFFFE000  }
0x203: {  	[hbm4b:s29+s12] =	stream.strided.scatter [tilespmem:s5], [sflag:$0x3], $0x2000, s3, s12, $0x38;
	[tilespmem:$0x1C400] =	vst v63  }
0x204: {  	_ =	swait.ge [sflag:s11], $0x2000  }
0x205: {  	s0 =	sadd.s32 $0x1, s0;
	s31 =	rddreg [dreg:$0xa]  }
0x206: {  	p0 =	sne.s32 s0, s31  }
.Ltmp1:
0x207: {  	_ = 	snop;
	(pc) =	sbr.rel @p0 .LBB2_1-.Ltmp1, $3  }
0x208: {  	_ =	sdelay $0x1  }
0x209: {  	[sflag:s11] =	ssyncset.done $0x0  }
0x20a: {  	[sflag:s11] =	ssyncadd.s32 $0xFFFFE000  }
0x20b: {  	_ =	sfence.sel $0x180000  }
0x20c: {  	[bflag:$0x0] =	sbarrier.arrive $0xFFFF  }
0x20d: {  	_ =	strace $0x90000047  }
0x20e: {  	s0 =	stileid.u32;
	[bflag:$0x2] =	sbarrier.arrive $0xFFFF  }
0x20f: {  	p0 =	sne.s32 s0, $0x0;
	s0 =	rddreg [dreg:$0x4]  }
0x210: {  	s0 =	sadd.s32 @!p0 $0x100000, s0  }
0x211: {  	[sflag:s0] =	ssyncadd.tile.s32 @!p0 $0x1;
	_ =	shalt  }
.Lfunc_end2:
_tile_overlayer_lowered:
.L_overlay_start_2:
0x212: {  	(tag) =	ssettag $0x2  }
0x213: {  	s0 =	rddreg [dreg:$0x0];
	s2 =	stileid.u32  }
0x214: {  	s1 =	rddreg [dreg:$0x1];
	p0 =	sne.s32 s2, $0x0  }
0x215: {  	s3 =	rddreg [dreg:$0x2];
	[bflag:$0x3] =	sbarrier.arrive $0xFFFF;
	s2 =	simm.s32 @!p0 $0x1C03  }
0x216: {  	[timem:s3], [sflag:s2] =	dma.local @!p0 [hbm:s0], s1  }
0x217: {  	s0 =	simm.s32 @!p0 $0x3  }
0x218: {  	_ =	swait.ge @!p0 [sflag:s0], s1  }
0x219: {  	s1 =	ssub.s32 @!p0 $0x0, s1;
	[sflag:s0] =	ssyncset.done @!p0 $0x0  }
0x21a: {  	[sflag:s0] =	ssyncadd.s32 @!p0 s1  }
0x21b: {  	[bflag:$0x3] =	sbarrier.arrive $0xFFFF  }
0x21c: {  	_ =	shalt  }

</sc_bundles>
